<compile_context>
chip_gen: v7x
topology: tpu7x:2x2x1
jax: 0.10.2.dev20260603
libtpu: 0.0.44.dev20260713+nightly
codegen_flags: <defaults>
</compile_context>

<pallas_src>
import functools

import jax
import jax.numpy as jnp
from jax import lax
from jax.experimental import pallas as pl
from jax.experimental.pallas import tpu as pltpu
from jax.experimental.pallas import tpu_sc as plsc

N = 10000
E = 320000
F_IN = 128
H = 16
C = 40

NTILES = 32
CH = 3200
GRP = CH // 16

_SC_PARAMS = pltpu.CompilerParams(needs_layout_passes=False)
_MESH = plsc.VectorSubcoreMesh(core_axis_name="c", subcore_axis_name="s")


def _wid():
    return lax.axis_index("s") * 2 + lax.axis_index("c")


def _zero(ref):
    @plsc.parallel_loop(0, N // 16, unroll=8)
    def _(i):
        ref[pl.ds(i * 16, 16)] = jnp.zeros((16,), jnp.float32)


def _edge_bufs(with_row=True):
    if with_row:
        per_par = [
            pltpu.VMEM((2, CH), jnp.int32),
            pltpu.VMEM((CH,), jnp.float32),
            pltpu.SemaphoreType.DMA,
        ]
    else:
        per_par = [
            pltpu.VMEM((CH,), jnp.int32),
            pltpu.VMEM((CH,), jnp.float32),
            pltpu.SemaphoreType.DMA,
        ]
    return per_par + per_par


def _pipelined_chunks(nch, start_fn, wait_fn, proc_fn):
    start_fn(0, 0)

    def pair(p, _):
        e = 2 * p
        start_fn(e + 1, 1)
        wait_fn(0)
        proc_fn(e, 0)

        @pl.when(e + 2 < nch)
        def _b():
            start_fn(e + 2, 0)

        wait_fn(1)
        proc_fn(e + 1, 1)
        return _

    lax.fori_loop(0, nch // 2, pair, 0)
    if nch % 2:
        wait_fn(0)
        proc_fn(nch - 1, 0)


@functools.partial(
    pl.kernel, mesh=_MESH,
    out_type=jax.ShapeDtypeStruct((NTILES, N), jnp.float32),
    scratch_types=[
        pltpu.VMEM((N,), jnp.float32),
        pltpu.VMEM((2, CH), jnp.int32),
        pltpu.VMEM((CH,), jnp.float32),
        pltpu.SemaphoreType.DMA,
    ],
    compiler_params=_SC_PARAMS,
)
def _deg_kernel(ei_hbm, ew_hbm, degp_hbm, acc, rcv, eww, sem):
    wid = _wid()
    _zero(acc)
    ncht = E // CH

    def chunk(j, _):
        c = wid + NTILES * j

        @pl.when(c < ncht)
        def _p():
            base = c * CH
            pltpu.async_copy(ei_hbm.at[:, pl.ds(base, CH)], rcv, sem)
            pltpu.async_copy(ew_hbm.at[pl.ds(base, CH)], eww, sem)
            pltpu.make_async_copy(ei_hbm.at[:, pl.ds(0, CH)], rcv, sem).wait()
            pltpu.make_async_copy(ew_hbm.at[pl.ds(0, CH)], eww, sem).wait()

            @plsc.parallel_loop(0, GRP, unroll=8)
            def _g(g):
                cvec = rcv[1, pl.ds(g * 16, 16)]
                wvec = eww[pl.ds(g * 16, 16)]
                plsc.addupdate_scatter(acc, [cvec], wvec)
        return _

    lax.fori_loop(0, (E // CH + NTILES - 1) // NTILES, chunk, 0)
    pltpu.sync_copy(acc, degp_hbm.at[wid])


@functools.partial(
    pl.kernel, mesh=_MESH,
    out_type=jax.ShapeDtypeStruct((4, H, N), jnp.float32),
    scratch_types=[
        pltpu.VMEM((N,), jnp.int32),
        pltpu.VMEM((N,), jnp.float32),
        pltpu.VMEM((N,), jnp.float32),
    ] + _edge_bufs(),
    compiler_params=_SC_PARAMS,
)
def _l1_kernel(ei_hbm, ew_hbm, pk1t_hbm, s1p_hbm,
               pkcol, acc0, acc1, *bufs):
    rcv = (bufs[0], bufs[3])
    eww = (bufs[1], bufs[4])
    sem = (bufs[2], bufs[5])
    wid = _wid()
    pair = wid // 4
    q = wid % 4
    epq = E // 4
    nch = epq // CH
    _zero(acc0)
    _zero(acc1)
    pltpu.sync_copy(pk1t_hbm.at[pair], pkcol)

    def start(ch, b):
        base = q * epq + ch * CH
        pltpu.async_copy(ei_hbm.at[:, pl.ds(base, CH)], rcv[b], sem[b])
        pltpu.async_copy(ew_hbm.at[pl.ds(base, CH)], eww[b], sem[b])

    def wait(b):
        pltpu.make_async_copy(ei_hbm.at[:, pl.ds(0, CH)], rcv[b], sem[b]).wait()
        pltpu.make_async_copy(ew_hbm.at[pl.ds(0, CH)], eww[b], sem[b]).wait()

    def proc(ch, b):
        @plsc.parallel_loop(0, GRP, unroll=4)
        def _g(g):
            rvec = rcv[b][0, pl.ds(g * 16, 16)]
            cvec = rcv[b][1, pl.ds(g * 16, 16)]
            wvec = eww[b][pl.ds(g * 16, 16)]
            word = plsc.load_gather(pkcol, [rvec])
            v0 = plsc.bitcast(lax.shift_left(word, 16), jnp.float32)
            v1 = plsc.bitcast(word & jnp.int32(-65536), jnp.float32)
            plsc.addupdate_scatter(acc0, [cvec], v0 * wvec)
            plsc.addupdate_scatter(acc1, [cvec], v1 * wvec)

    _pipelined_chunks(nch, start, wait, proc)
    pltpu.sync_copy(acc0, s1p_hbm.at[q, pair])
    pltpu.sync_copy(acc1, s1p_hbm.at[q, pair + H // 2])


NF2 = 5
NQ2 = 4

@functools.partial(
    pl.kernel, mesh=_MESH,
    out_type=jax.ShapeDtypeStruct((NQ2, C, N), jnp.float32),
    scratch_types=(
        [pltpu.VMEM((N,), jnp.float32) for _ in range(2 * NF2)]
        + _edge_bufs()
    ),
    compiler_params=_SC_PARAMS,
)
def _l2_kernel(ei_hbm, ew_hbm, g2t_hbm, s2p_hbm, *scratch):
    hcols = scratch[:NF2]
    accs = scratch[NF2:2 * NF2]
    bufs = scratch[2 * NF2:]
    rcv = (bufs[0], bufs[3])
    eww = (bufs[1], bufs[4])
    sem = (bufs[2], bufs[5])
    wid = _wid()
    grp_id = wid // NQ2
    q = wid % NQ2
    epq = E // NQ2
    nch = epq // CH
    for k in range(NF2):
        _zero(accs[k])
        pltpu.sync_copy(g2t_hbm.at[grp_id * NF2 + k], hcols[k])

    def start(ch, b):
        base = q * epq + ch * CH
        pltpu.async_copy(ei_hbm.at[:, pl.ds(base, CH)], rcv[b], sem[b])
        pltpu.async_copy(ew_hbm.at[pl.ds(base, CH)], eww[b], sem[b])

    def wait(b):
        pltpu.make_async_copy(ei_hbm.at[:, pl.ds(0, CH)], rcv[b], sem[b]).wait()
        pltpu.make_async_copy(ew_hbm.at[pl.ds(0, CH)], eww[b], sem[b]).wait()

    def proc(ch, b):
        @plsc.parallel_loop(0, GRP, unroll=4)
        def _g(g):
            rvec = rcv[b][0, pl.ds(g * 16, 16)]
            cvec = rcv[b][1, pl.ds(g * 16, 16)]
            wvec = eww[b][pl.ds(g * 16, 16)]
            for k in range(NF2):
                vals = plsc.load_gather(hcols[k], [rvec]) * wvec
                plsc.addupdate_scatter(accs[k], [cvec], vals)

    _pipelined_chunks(nch, start, wait, proc)
    for k in range(NF2):
        pltpu.sync_copy(accs[k], s2p_hbm.at[q, grp_id * NF2 + k])


def _tc1_body(x_ref, w1_ref, degp_ref, pk1t_ref, z1t_ref, dis_ref, inv_ref):
    deg = 1.0 + jnp.sum(degp_ref[...], axis=0, keepdims=True)
    dis = jnp.where(deg > 0.0, lax.rsqrt(deg), 0.0)
    inv = jnp.where(deg > 0.0, 1.0 / deg, 0.0)
    h1t = lax.dot_general(w1_ref[...], x_ref[...],
                          (((0,), (1,)), ((), ())),
                          preferred_element_type=jnp.float32)
    g1t = h1t * dis
    lo = lax.bitcast_convert_type(g1t[:H // 2].astype(jnp.bfloat16),
                                  jnp.uint16).astype(jnp.uint32)
    hi = lax.bitcast_convert_type(g1t[H // 2:].astype(jnp.bfloat16),
                                  jnp.uint16).astype(jnp.uint32)
    pk1t_ref[...] = lax.bitcast_convert_type(lo | (hi << 16), jnp.int32)
    z1t_ref[...] = h1t * inv
    dis_ref[...] = dis
    inv_ref[...] = inv


def _tc2_body(s1p_ref, z1t_ref, dis_ref, inv_ref, w2_ref, b1_ref,
              x1_ref, g2t_ref, z2t_ref):
    dis = dis_ref[...]
    x1t = jnp.maximum(dis * (s1p_ref[0] + s1p_ref[1] + s1p_ref[2]
                             + s1p_ref[3]) + z1t_ref[...]
                      + b1_ref[...], 0.0)
    h2t = lax.dot_general(w2_ref[...], x1t,
                          (((0,), (0,)), ((), ())),
                          preferred_element_type=jnp.float32)
    x1_ref[...] = x1t.T
    g2t_ref[...] = h2t * dis
    z2t_ref[...] = h2t * inv_ref[...]


def _tc3_body(s2p_ref, z2t_ref, dis_ref, b2_ref, out_ref):
    s = s2p_ref[0] + s2p_ref[1] + s2p_ref[2] + s2p_ref[3]
    out_ref[...] = (dis_ref[...] * s + z2t_ref[...] + b2_ref[...]).T


_tc1 = pl.pallas_call(
    _tc1_body,
    out_shape=[
        jax.ShapeDtypeStruct((H // 2, N), jnp.int32),
        jax.ShapeDtypeStruct((H, N), jnp.float32),
        jax.ShapeDtypeStruct((1, N), jnp.float32),
        jax.ShapeDtypeStruct((1, N), jnp.float32),
    ],
)

_tc2 = pl.pallas_call(
    _tc2_body,
    out_shape=[
        jax.ShapeDtypeStruct((N, H), jnp.float32),
        jax.ShapeDtypeStruct((C, N), jnp.float32),
        jax.ShapeDtypeStruct((C, N), jnp.float32),
    ],
)

_tc3 = pl.pallas_call(
    _tc3_body,
    out_shape=jax.ShapeDtypeStruct((N, C), jnp.float32),
)


@jax.jit
def kernel(x, edge_index, edge_weight, W1, b1, W2, b2):
    degp = _deg_kernel(edge_index, edge_weight)
    pk1t, z1t, dis, inv = _tc1(x, W1, degp)
    s1p = _l1_kernel(edge_index, edge_weight, pk1t)
    x1, g2t, z2t = _tc2(s1p, z1t, dis, inv, W2, b1[:, None])
    s2p = _l2_kernel(edge_index, edge_weight, g2t)
    out = _tc3(s2p, z2t, dis, b2[:, None])
    return (out, x1)

# --- scband reference (transcript-rebuilt; emitter-appended) ---
"""Pipeline reference for scband-gcn-88854283419819 (READ-ONLY COPY).

The authoritative reference and input builder live on the scoring server;
editing this copy changes nothing except your own understanding.
"""

import jax, jax.numpy as jnp
import numpy as np

N = 10000
E = 320000
F_IN = 128
H = 16
C = 40


def setup_inputs(seed: int = 0) -> dict:
    key = jax.random.key(seed)
    ks = jax.random.split(key, 6)
    x = jax.random.normal(ks[0], (N, F_IN), dtype=jnp.float32)
    edge_index = jax.random.randint(ks[1], (2, E), 0, N, dtype=jnp.int32)
    edge_weight = jax.random.uniform(ks[2], (E,), dtype=jnp.float32)
    W1 = jax.random.normal(ks[3], (F_IN, H), dtype=jnp.float32) * (1.0 / np.sqrt(F_IN))
    b1 = jnp.zeros((H,), dtype=jnp.float32)
    W2 = jax.random.normal(ks[4], (H, C), dtype=jnp.float32) * (1.0 / np.sqrt(H))
    b2 = jnp.zeros((C,), dtype=jnp.float32)
    return {"x": x, "edge_index": edge_index, "edge_weight": edge_weight,
            "W1": W1, "b1": b1, "W2": W2, "b2": b2}


def gcn_norm(edge_index, edge_weight, num_nodes):
    # add_self_loops with fill_value = 1.0
    loop = jnp.arange(num_nodes, dtype=edge_index.dtype)
    ei = jnp.concatenate([edge_index, jnp.stack([loop, loop], axis=0)], axis=1)
    ew = jnp.concatenate([edge_weight, jnp.ones((num_nodes,), dtype=edge_weight.dtype)], axis=0)
    row, col = ei[0], ei[1]
    deg = jnp.zeros((num_nodes,), dtype=ew.dtype).at[col].add(ew)
    deg_inv_sqrt = deg ** -0.5
    deg_inv_sqrt = jnp.where(jnp.isinf(deg_inv_sqrt), 0.0, deg_inv_sqrt)
    norm = deg_inv_sqrt[row] * ew * deg_inv_sqrt[col]
    return ei, norm


def gcn_conv(x, row, col, norm, W, b, num_nodes):
    h = x @ W
    out = jnp.zeros((num_nodes, W.shape[1]), dtype=h.dtype).at[col].add(norm[:, None] * h[row])
    return out + b


def reference(x, edge_index, edge_weight, W1, b1, W2, b2):
    ei, norm = gcn_norm(edge_index, edge_weight, N)
    row, col = ei[0], ei[1]
    x1 = jax.nn.relu(gcn_conv(x, row, col, norm, W1, b1, N))
    hidden = x1
    # F.dropout(training=False) in eval mode is identity
    out = gcn_conv(x1, row, col, norm, W2, b2, N)
    return (out, hidden)

if __name__ == "__main__":
    import jax
    _d = setup_inputs()
    print(jax.jit(kernel)(*tuple(_d.values())))

</pallas_src>

<mosaic_0001>
#map = affine_map<(d0, d1) -> (0, 0)>
#map1 = affine_map<(d0, d1) -> (0)>
module attributes {stable_mosaic.version = 14 : i64} {
  func.func @_deg_kernel(%arg0: i32, %arg1: i32, %arg2: memref<2x320000xi32, #tpu.memory_space<hbm>>, %arg3: memref<320000xf32, #tpu.memory_space<hbm>>, %arg4: memref<32x10000xf32, #tpu.memory_space<hbm>>, %arg5: memref<10000xf32, #tpu.memory_space<vmem>>, %arg6: memref<2x3200xi32, #tpu.memory_space<vmem>>, %arg7: memref<3200xf32, #tpu.memory_space<vmem>>, %arg8: memref<!tpu.dma_semaphore, #tpu.memory_space<semaphore_mem>>) attributes {dimension_semantics = [#tpu.dimension_semantics<core_parallel>, #tpu.dimension_semantics<subcore_parallel>], iteration_bounds = array<i64: 2, 16>, scalar_prefetch = 0 : i64, scratch_operands = 4 : i64, tpu.core_type = #tpu.core_type<sc_vector_subcore>, window_params = [{transform_indices = #map}, {transform_indices = #map1}, {transform_indices = #map}]} {
    %mul3A = arith.constant 2 : i32
    %mul3A_0 = arith.muli %arg1, %mul3A : i32
    %add3A = arith.addi %mul3A_0, %arg0 : i32
    %parallel_loop3A = arith.constant 0 : i32
    %parallel_loop3A_1 = arith.constant 625 : i32
    %parallel_loop3A_2 = arith.constant 1 : i32
    scf.for %parallel_loop3A_8 = %parallel_loop3A to %parallel_loop3A_1 step %parallel_loop3A_2  : i32 {
      %parallel_loop3A_9 = arith.constant 0.000000e+00 : f32
      %parallel_loop3A_10 = vector.broadcast %parallel_loop3A_9 : f32 to vector<16xf32>
      %parallel_loop3A_11 = arith.constant 16 : i32
      %parallel_loop3A_12 = arith.muli %parallel_loop3A_8, %parallel_loop3A_11 : i32
      %parallel_loop3A_13 = arith.index_cast %parallel_loop3A_12 : i32 to index
      %parallel_loop3A_14 = tpu.vector_load %arg5[%parallel_loop3A_13] {strides = array<i32>} : memref<10000xf32, #tpu.memory_space<vmem>>, vector<16xf32>,
      tpu.vector_store %arg5[%parallel_loop3A_13], %parallel_loop3A_10 {strides = array<i32>} : memref<10000xf32, #tpu.memory_space<vmem>>, vector<16xf32>,
    } {sc.loop_unroll_factor = 8 : i64, sc.parallel_access}
    %scan3A = arith.constant 0 : i32
    %scan3A_3 = arith.constant 0 : i32
    %scan3A_4 = arith.constant 4 : i32
    %scan3A_5 = arith.addi %scan3A_3, %scan3A_4 : i32
    %scan3A_6 = arith.constant 1 : i32
    scf.for %scan3A_8 = %scan3A_3 to %scan3A_5 step %scan3A_6  : i32 {
      %mul3A_9 = arith.constant 32 : i32
      %mul3A_10 = arith.muli %mul3A_9, %scan3A_8 : i32
      %add3A_11 = arith.addi %add3A, %mul3A_10 : i32
      %lt3A = arith.constant 100 : i32
      %lt3A_12 = arith.cmpi slt, %add3A_11, %lt3A : i32
      %convert_element_type3A = arith.extui %lt3A_12 : i1 to i32
      %cond3A = arith.constant 0 : i32
      %cond3A_13 = arith.cmpi ne, %convert_element_type3A, %cond3A : i32
      scf.if %cond3A_13 {
        %mul3A_14 = arith.constant 3200 : i32
        %mul3A_15 = arith.muli %add3A_11, %mul3A_14 : i32
        %dma_start3A = arith.constant 0 : i32
        %dma_start3A_16 = tpu.memref_slice %arg2[%dma_start3A, %mul3A_15] : memref<2x320000xi32, #tpu.memory_space<hbm>> -> memref<2x3200xi32, #tpu.memory_space<hbm>>
        %dma_start3A_17 = arith.constant 0 : i32
        %dma_start3A_18 = tpu.memref_slice %arg2[%dma_start3A_17, %mul3A_15] : memref<2x320000xi32, #tpu.memory_space<hbm>> -> memref<2x3200xi32, #tpu.memory_space<hbm>>
        tpu.enqueue_dma source(%dma_start3A_18 : memref<2x3200xi32, #tpu.memory_space<hbm>>) target(%arg6 : memref<2x3200xi32, #tpu.memory_space<vmem>>) target_semaphore(%arg8 : memref<!tpu.dma_semaphore, #tpu.memory_space<semaphore_mem>>)
        %dma_start3A_19 = tpu.memref_slice %arg3[%mul3A_15] : memref<320000xf32, #tpu.memory_space<hbm>> -> memref<3200xf32, #tpu.memory_space<hbm>>
        %dma_start3A_20 = tpu.memref_slice %arg3[%mul3A_15] : memref<320000xf32, #tpu.memory_space<hbm>> -> memref<3200xf32, #tpu.memory_space<hbm>>
        tpu.enqueue_dma source(%dma_start3A_20 : memref<3200xf32, #tpu.memory_space<hbm>>) target(%arg7 : memref<3200xf32, #tpu.memory_space<vmem>>) target_semaphore(%arg8 : memref<!tpu.dma_semaphore, #tpu.memory_space<semaphore_mem>>)
        %dma_wait3A = arith.constant 0 : i32
        %dma_wait3A_21 = arith.constant 0 : i32
        %dma_wait3A_22 = tpu.memref_slice %arg2[%dma_wait3A, %dma_wait3A_21] : memref<2x320000xi32, #tpu.memory_space<hbm>> -> memref<2x3200xi32, #tpu.memory_space<hbm>>
        %dma_wait3A_23 = arith.constant 0 : i32
        %dma_wait3A_24 = arith.constant 0 : i32
        %dma_wait3A_25 = tpu.memref_slice %arg2[%dma_wait3A_23, %dma_wait3A_24] : memref<2x320000xi32, #tpu.memory_space<hbm>> -> memref<2x3200xi32, #tpu.memory_space<hbm>>
        tpu.wait_dma2 semaphore(%arg8 : memref<!tpu.dma_semaphore, #tpu.memory_space<semaphore_mem>>) src(%dma_wait3A_25 : memref<2x3200xi32, #tpu.memory_space<hbm>>) dst(%arg6 : memref<2x3200xi32, #tpu.memory_space<vmem>>)
        %dma_wait3A_26 = arith.constant 0 : i32
        %dma_wait3A_27 = tpu.memref_slice %arg3[%dma_wait3A_26] : memref<320000xf32, #tpu.memory_space<hbm>> -> memref<3200xf32, #tpu.memory_space<hbm>>
        %dma_wait3A_28 = arith.constant 0 : i32
        %dma_wait3A_29 = tpu.memref_slice %arg3[%dma_wait3A_28] : memref<320000xf32, #tpu.memory_space<hbm>> -> memref<3200xf32, #tpu.memory_space<hbm>>
        tpu.wait_dma2 semaphore(%arg8 : memref<!tpu.dma_semaphore, #tpu.memory_space<semaphore_mem>>) src(%dma_wait3A_29 : memref<3200xf32, #tpu.memory_space<hbm>>) dst(%arg7 : memref<3200xf32, #tpu.memory_space<vmem>>)
        %parallel_loop3A_30 = arith.constant 0 : i32
        %parallel_loop3A_31 = arith.constant 200 : i32
        %parallel_loop3A_32 = arith.constant 1 : i32
        scf.for %parallel_loop3A_33 = %parallel_loop3A_30 to %parallel_loop3A_31 step %parallel_loop3A_32  : i32 {
          %parallel_loop3A_34 = arith.constant 16 : i32
          %parallel_loop3A_35 = arith.muli %parallel_loop3A_33, %parallel_loop3A_34 : i32
          %parallel_loop3A_36 = arith.constant 1 : i32
          %parallel_loop3A_37 = arith.index_cast %parallel_loop3A_36 : i32 to index
          %parallel_loop3A_38 = arith.index_cast %parallel_loop3A_35 : i32 to index
          %parallel_loop3A_39 = tpu.vector_load %arg6[%parallel_loop3A_37, %parallel_loop3A_38] {strides = array<i32>} : memref<2x3200xi32, #tpu.memory_space<vmem>>, vector<16xi32>,
          %parallel_loop3A_40 = arith.constant 16 : i32
          %parallel_loop3A_41 = arith.muli %parallel_loop3A_33, %parallel_loop3A_40 : i32
          %parallel_loop3A_42 = arith.index_cast %parallel_loop3A_41 : i32 to index
          %parallel_loop3A_43 = tpu.vector_load %arg7[%parallel_loop3A_42] {strides = array<i32>} : memref<3200xf32, #tpu.memory_space<vmem>>, vector<16xf32>,
          tpu.vector_store_idx %arg5[%parallel_loop3A_39], %parallel_loop3A_43 {add = true} : memref<10000xf32, #tpu.memory_space<vmem>>[vector<16xi32>], vector<16xf32>,
        } {sc.loop_unroll_factor = 8 : i64, sc.parallel_access}
      } else {
      }
    }
    %scan3A_7 = arith.constant 4 : i32
    "tpu.region"() ({
      %run_scoped3A = tpu.sem_alloc : memref<!tpu.dma_semaphore, #tpu.memory_space<semaphore_mem>>
      %dma_start3A = arith.constant 0 : i32
      %dma_start3A_8 = tpu.memref_slice %arg4[%add3A, %dma_start3A] : memref<32x10000xf32, #tpu.memory_space<hbm>> -> memref<1x10000xf32, #tpu.memory_space<hbm>>
      %dma_start3A_9 = tpu.memref_squeeze %dma_start3A_8 : memref<1x10000xf32, #tpu.memory_space<hbm>> -> memref<10000xf32, #tpu.memory_space<hbm>>
      %dma_start3A_10 = arith.constant 0 : i32
      %dma_start3A_11 = tpu.memref_slice %arg4[%add3A, %dma_start3A_10] : memref<32x10000xf32, #tpu.memory_space<hbm>> -> memref<1x10000xf32, #tpu.memory_space<hbm>>
      %dma_start3A_12 = tpu.memref_squeeze %dma_start3A_11 : memref<1x10000xf32, #tpu.memory_space<hbm>> -> memref<10000xf32, #tpu.memory_space<hbm>>
      tpu.enqueue_dma source(%arg5 : memref<10000xf32, #tpu.memory_space<vmem>>) target(%dma_start3A_12 : memref<10000xf32, #tpu.memory_space<hbm>>) target_semaphore(%run_scoped3A : memref<!tpu.dma_semaphore, #tpu.memory_space<semaphore_mem>>)
      %dma_wait3A = arith.constant 0 : i32
      %dma_wait3A_13 = tpu.memref_slice %arg4[%add3A, %dma_wait3A] : memref<32x10000xf32, #tpu.memory_space<hbm>> -> memref<1x10000xf32, #tpu.memory_space<hbm>>
      %dma_wait3A_14 = tpu.memref_squeeze %dma_wait3A_13 : memref<1x10000xf32, #tpu.memory_space<hbm>> -> memref<10000xf32, #tpu.memory_space<hbm>>
      %dma_wait3A_15 = arith.constant 0 : i32
      %dma_wait3A_16 = tpu.memref_slice %arg4[%add3A, %dma_wait3A_15] : memref<32x10000xf32, #tpu.memory_space<hbm>> -> memref<1x10000xf32, #tpu.memory_space<hbm>>
      %dma_wait3A_17 = tpu.memref_squeeze %dma_wait3A_16 : memref<1x10000xf32, #tpu.memory_space<hbm>> -> memref<10000xf32, #tpu.memory_space<hbm>>
      tpu.wait_dma2 semaphore(%run_scoped3A : memref<!tpu.dma_semaphore, #tpu.memory_space<semaphore_mem>>) src(%arg5 : memref<10000xf32, #tpu.memory_space<vmem>>) dst(%dma_wait3A_17 : memref<10000xf32, #tpu.memory_space<hbm>>)
      tpu.yield
    }) : () -> ()
    return
  }
}

#map = affine_map<(d0, d1) -> (0, 0)>
#map1 = affine_map<(d0, d1) -> (0)>
#map2 = affine_map<(d0, d1) -> (0, 0, 0)>
module attributes {stable_mosaic.version = 14 : i64} {
  func.func @_l2_kernel(%arg0: i32, %arg1: i32, %arg2: memref<2x320000xi32, #tpu.memory_space<hbm>>, %arg3: memref<320000xf32, #tpu.memory_space<hbm>>, %arg4: memref<40x10000xf32, #tpu.memory_space<hbm>>, %arg5: memref<4x40x10000xf32, #tpu.memory_space<hbm>>, %arg6: memref<10000xf32, #tpu.memory_space<vmem>>, %arg7: memref<10000xf32, #tpu.memory_space<vmem>>, %arg8: memref<10000xf32, #tpu.memory_space<vmem>>, %arg9: memref<10000xf32, #tpu.memory_space<vmem>>, %arg10: memref<10000xf32, #tpu.memory_space<vmem>>, %arg11: memref<10000xf32, #tpu.memory_space<vmem>>, %arg12: memref<10000xf32, #tpu.memory_space<vmem>>, %arg13: memref<10000xf32, #tpu.memory_space<vmem>>, %arg14: memref<10000xf32, #tpu.memory_space<vmem>>, %arg15: memref<10000xf32, #tpu.memory_space<vmem>>, %arg16: memref<2x3200xi32, #tpu.memory_space<vmem>>, %arg17: memref<3200xf32, #tpu.memory_space<vmem>>, %arg18: memref<!tpu.dma_semaphore, #tpu.memory_space<semaphore_mem>>, %arg19: memref<2x3200xi32, #tpu.memory_space<vmem>>, %arg20: memref<3200xf32, #tpu.memory_space<vmem>>, %arg21: memref<!tpu.dma_semaphore, #tpu.memory_space<semaphore_mem>>) attributes {dimension_semantics = [#tpu.dimension_semantics<core_parallel>, #tpu.dimension_semantics<subcore_parallel>], iteration_bounds = array<i64: 2, 16>, scalar_prefetch = 0 : i64, scratch_operands = 16 : i64, tpu.core_type = #tpu.core_type<sc_vector_subcore>, window_params = [{transform_indices = #map}, {transform_indices = #map1}, {transform_indices = #map}, {transform_indices = #map2}]} {
    %mul3A = arith.constant 2 : i32
    %mul3A_0 = arith.muli %arg1, %mul3A : i32
    %add3A = arith.addi %mul3A_0, %arg0 : i32
    %jit3A = arith.constant 4 : i32
    %div3A = arith.divsi %add3A, %jit3A : i32
    %sign3A = arith.constant 0 : i32
    %sign3A_1 = arith.cmpi sgt, %add3A, %sign3A : i32
    %sign3A_2 = arith.extui %sign3A_1 : i1 to i32
    %sign3A_3 = arith.constant 0 : i32
    %sign3A_4 = arith.cmpi slt, %add3A, %sign3A_3 : i32
    %sign3A_5 = arith.extui %sign3A_4 : i1 to i32
    %sign3A_6 = arith.subi %sign3A_2, %sign3A_5 : i32
    %sign3A_7 = arith.constant 0 : i32
    %sign3A_8 = arith.cmpi sgt, %jit3A, %sign3A_7 : i32
    %sign3A_9 = arith.extui %sign3A_8 : i1 to i32
    %sign3A_10 = arith.constant 0 : i32
    %sign3A_11 = arith.cmpi slt, %jit3A, %sign3A_10 : i32
    %sign3A_12 = arith.extui %sign3A_11 : i1 to i32
    %sign3A_13 = arith.subi %sign3A_9, %sign3A_12 : i32
    %ne3A = arith.cmpi ne, %sign3A_6, %sign3A_13 : i32
    %rem3A = arith.remsi %add3A, %jit3A : i32
    %ne3A_14 = arith.constant 0 : i32
    %ne3A_15 = arith.cmpi ne, %rem3A, %ne3A_14 : i32
    %and3A = arith.andi %ne3A, %ne3A_15 : i1
    %sub3A = arith.constant 1 : i32
    %sub3A_16 = arith.subi %div3A, %sub3A : i32
    %select_n3A = arith.select %and3A, %sub3A_16, %div3A : i32
    %jit3A_17 = arith.constant 4 : i32
    %eq3A = arith.constant 0 : i32
    %eq3A_18 = arith.cmpi eq, %jit3A_17, %eq3A : i32
    %jit3A_19 = arith.constant 1 : i32
    %select_n3A_20 = arith.select %eq3A_18, %jit3A_19, %jit3A_17 : i32
    %rem3A_21 = arith.remsi %add3A, %select_n3A_20 : i32
    %ne3A_22 = arith.constant 0 : i32
    %ne3A_23 = arith.cmpi ne, %rem3A_21, %ne3A_22 : i32
    %lt3A = arith.constant 0 : i32
    %lt3A_24 = arith.cmpi slt, %rem3A_21, %lt3A : i32
    %lt3A_25 = arith.constant 0 : i32
    %lt3A_26 = arith.cmpi slt, %select_n3A_20, %lt3A_25 : i32
    %ne3A_27 = arith.xori %lt3A_24, %lt3A_26 : i1
    %and3A_28 = arith.andi %ne3A_27, %ne3A_23 : i1
    %add3A_29 = arith.addi %rem3A_21, %select_n3A_20 : i32
    %select_n3A_30 = arith.select %and3A_28, %add3A_29, %rem3A_21 : i32
    %parallel_loop3A = arith.constant 0 : i32
    %parallel_loop3A_31 = arith.constant 625 : i32
    %parallel_loop3A_32 = arith.constant 1 : i32
    scf.for %parallel_loop3A_111 = %parallel_loop3A to %parallel_loop3A_31 step %parallel_loop3A_32  : i32 {
      %parallel_loop3A_112 = arith.constant 0.000000e+00 : f32
      %parallel_loop3A_113 = vector.broadcast %parallel_loop3A_112 : f32 to vector<16xf32>
      %parallel_loop3A_114 = arith.constant 16 : i32
      %parallel_loop3A_115 = arith.muli %parallel_loop3A_111, %parallel_loop3A_114 : i32
      %parallel_loop3A_116 = arith.index_cast %parallel_loop3A_115 : i32 to index
      %parallel_loop3A_117 = tpu.vector_load %arg11[%parallel_loop3A_116] {strides = array<i32>} : memref<10000xf32, #tpu.memory_space<vmem>>, vector<16xf32>,
      tpu.vector_store %arg11[%parallel_loop3A_116], %parallel_loop3A_113 {strides = array<i32>} : memref<10000xf32, #tpu.memory_space<vmem>>, vector<16xf32>,
    } {sc.loop_unroll_factor = 8 : i64, sc.parallel_access}
    %mul3A_33 = arith.constant 5 : i32
    %mul3A_34 = arith.muli %select_n3A, %mul3A_33 : i32
    %add3A_35 = arith.constant 0 : i32
    %add3A_36 = arith.addi %mul3A_34, %add3A_35 : i32
    "tpu.region"() ({
      %run_scoped3A = tpu.sem_alloc : memref<!tpu.dma_semaphore, #tpu.memory_space<semaphore_mem>>
      %dma_start3A_111 = arith.constant 0 : i32
      %dma_start3A_112 = tpu.memref_slice %arg4[%add3A_36, %dma_start3A_111] : memref<40x10000xf32, #tpu.memory_space<hbm>> -> memref<1x10000xf32, #tpu.memory_space<hbm>>
      %dma_start3A_113 = tpu.memref_squeeze %dma_start3A_112 : memref<1x10000xf32, #tpu.memory_space<hbm>> -> memref<10000xf32, #tpu.memory_space<hbm>>
      %dma_start3A_114 = arith.constant 0 : i32
      %dma_start3A_115 = tpu.memref_slice %arg4[%add3A_36, %dma_start3A_114] : memref<40x10000xf32, #tpu.memory_space<hbm>> -> memref<1x10000xf32, #tpu.memory_space<hbm>>
      %dma_start3A_116 = tpu.memref_squeeze %dma_start3A_115 : memref<1x10000xf32, #tpu.memory_space<hbm>> -> memref<10000xf32, #tpu.memory_space<hbm>>
      tpu.enqueue_dma source(%dma_start3A_116 : memref<10000xf32, #tpu.memory_space<hbm>>) target(%arg6 : memref<10000xf32, #tpu.memory_space<vmem>>) target_semaphore(%run_scoped3A : memref<!tpu.dma_semaphore, #tpu.memory_space<semaphore_mem>>)
      %dma_wait3A_117 = arith.constant 0 : i32
      %dma_wait3A_118 = tpu.memref_slice %arg4[%add3A_36, %dma_wait3A_117] : memref<40x10000xf32, #tpu.memory_space<hbm>> -> memref<1x10000xf32, #tpu.memory_space<hbm>>
      %dma_wait3A_119 = tpu.memref_squeeze %dma_wait3A_118 : memref<1x10000xf32, #tpu.memory_space<hbm>> -> memref<10000xf32, #tpu.memory_space<hbm>>
      %dma_wait3A_120 = arith.constant 0 : i32
      %dma_wait3A_121 = tpu.memref_slice %arg4[%add3A_36, %dma_wait3A_120] : memref<40x10000xf32, #tpu.memory_space<hbm>> -> memref<1x10000xf32, #tpu.memory_space<hbm>>
      %dma_wait3A_122 = tpu.memref_squeeze %dma_wait3A_121 : memref<1x10000xf32, #tpu.memory_space<hbm>> -> memref<10000xf32, #tpu.memory_space<hbm>>
      tpu.wait_dma2 semaphore(%run_scoped3A : memref<!tpu.dma_semaphore, #tpu.memory_space<semaphore_mem>>) src(%dma_wait3A_122 : memref<10000xf32, #tpu.memory_space<hbm>>) dst(%arg6 : memref<10000xf32, #tpu.memory_space<vmem>>)
      tpu.yield
    }) : () -> ()
    %parallel_loop3A_37 = arith.constant 0 : i32
    %parallel_loop3A_38 = arith.constant 625 : i32
    %parallel_loop3A_39 = arith.constant 1 : i32
    scf.for %parallel_loop3A_111 = %parallel_loop3A_37 to %parallel_loop3A_38 step %parallel_loop3A_39  : i32 {
      %parallel_loop3A_112 = arith.constant 0.000000e+00 : f32
      %parallel_loop3A_113 = vector.broadcast %parallel_loop3A_112 : f32 to vector<16xf32>
      %parallel_loop3A_114 = arith.constant 16 : i32
      %parallel_loop3A_115 = arith.muli %parallel_loop3A_111, %parallel_loop3A_114 : i32
      %parallel_loop3A_116 = arith.index_cast %parallel_loop3A_115 : i32 to index
      %parallel_loop3A_117 = tpu.vector_load %arg12[%parallel_loop3A_116] {strides = array<i32>} : memref<10000xf32, #tpu.memory_space<vmem>>, vector<16xf32>,
      tpu.vector_store %arg12[%parallel_loop3A_116], %parallel_loop3A_113 {strides = array<i32>} : memref<10000xf32, #tpu.memory_space<vmem>>, vector<16xf32>,
    } {sc.loop_unroll_factor = 8 : i64, sc.parallel_access}
    %mul3A_40 = arith.constant 5 : i32
    %mul3A_41 = arith.muli %select_n3A, %mul3A_40 : i32
    %add3A_42 = arith.constant 1 : i32
    %add3A_43 = arith.addi %mul3A_41, %add3A_42 : i32
    "tpu.region"() ({
      %run_scoped3A = tpu.sem_alloc : memref<!tpu.dma_semaphore, #tpu.memory_space<semaphore_mem>>
      %dma_start3A_111 = arith.constant 0 : i32
      %dma_start3A_112 = tpu.memref_slice %arg4[%add3A_43, %dma_start3A_111] : memref<40x10000xf32, #tpu.memory_space<hbm>> -> memref<1x10000xf32, #tpu.memory_space<hbm>>
      %dma_start3A_113 = tpu.memref_squeeze %dma_start3A_112 : memref<1x10000xf32, #tpu.memory_space<hbm>> -> memref<10000xf32, #tpu.memory_space<hbm>>
      %dma_start3A_114 = arith.constant 0 : i32
      %dma_start3A_115 = tpu.memref_slice %arg4[%add3A_43, %dma_start3A_114] : memref<40x10000xf32, #tpu.memory_space<hbm>> -> memref<1x10000xf32, #tpu.memory_space<hbm>>
      %dma_start3A_116 = tpu.memref_squeeze %dma_start3A_115 : memref<1x10000xf32, #tpu.memory_space<hbm>> -> memref<10000xf32, #tpu.memory_space<hbm>>
      tpu.enqueue_dma source(%dma_start3A_116 : memref<10000xf32, #tpu.memory_space<hbm>>) target(%arg7 : memref<10000xf32, #tpu.memory_space<vmem>>) target_semaphore(%run_scoped3A : memref<!tpu.dma_semaphore, #tpu.memory_space<semaphore_mem>>)
      %dma_wait3A_117 = arith.constant 0 : i32
      %dma_wait3A_118 = tpu.memref_slice %arg4[%add3A_43, %dma_wait3A_117] : memref<40x10000xf32, #tpu.memory_space<hbm>> -> memref<1x10000xf32, #tpu.memory_space<hbm>>
      %dma_wait3A_119 = tpu.memref_squeeze %dma_wait3A_118 : memref<1x10000xf32, #tpu.memory_space<hbm>> -> memref<10000xf32, #tpu.memory_space<hbm>>
      %dma_wait3A_120 = arith.constant 0 : i32
      %dma_wait3A_121 = tpu.memref_slice %arg4[%add3A_43, %dma_wait3A_120] : memref<40x10000xf32, #tpu.memory_space<hbm>> -> memref<1x10000xf32, #tpu.memory_space<hbm>>
      %dma_wait3A_122 = tpu.memref_squeeze %dma_wait3A_121 : memref<1x10000xf32, #tpu.memory_space<hbm>> -> memref<10000xf32, #tpu.memory_space<hbm>>
      tpu.wait_dma2 semaphore(%run_scoped3A : memref<!tpu.dma_semaphore, #tpu.memory_space<semaphore_mem>>) src(%dma_wait3A_122 : memref<10000xf32, #tpu.memory_space<hbm>>) dst(%arg7 : memref<10000xf32, #tpu.memory_space<vmem>>)
      tpu.yield
    }) : () -> ()
    %parallel_loop3A_44 = arith.constant 0 : i32
    %parallel_loop3A_45 = arith.constant 625 : i32
    %parallel_loop3A_46 = arith.constant 1 : i32
    scf.for %parallel_loop3A_111 = %parallel_loop3A_44 to %parallel_loop3A_45 step %parallel_loop3A_46  : i32 {
      %parallel_loop3A_112 = arith.constant 0.000000e+00 : f32
      %parallel_loop3A_113 = vector.broadcast %parallel_loop3A_112 : f32 to vector<16xf32>
      %parallel_loop3A_114 = arith.constant 16 : i32
      %parallel_loop3A_115 = arith.muli %parallel_loop3A_111, %parallel_loop3A_114 : i32
      %parallel_loop3A_116 = arith.index_cast %parallel_loop3A_115 : i32 to index
      %parallel_loop3A_117 = tpu.vector_load %arg13[%parallel_loop3A_116] {strides = array<i32>} : memref<10000xf32, #tpu.memory_space<vmem>>, vector<16xf32>,
      tpu.vector_store %arg13[%parallel_loop3A_116], %parallel_loop3A_113 {strides = array<i32>} : memref<10000xf32, #tpu.memory_space<vmem>>, vector<16xf32>,
    } {sc.loop_unroll_factor = 8 : i64, sc.parallel_access}
    %mul3A_47 = arith.constant 5 : i32
    %mul3A_48 = arith.muli %select_n3A, %mul3A_47 : i32
    %add3A_49 = arith.constant 2 : i32
    %add3A_50 = arith.addi %mul3A_48, %add3A_49 : i32
    "tpu.region"() ({
      %run_scoped3A = tpu.sem_alloc : memref<!tpu.dma_semaphore, #tpu.memory_space<semaphore_mem>>
      %dma_start3A_111 = arith.constant 0 : i32
      %dma_start3A_112 = tpu.memref_slice %arg4[%add3A_50, %dma_start3A_111] : memref<40x10000xf32, #tpu.memory_space<hbm>> -> memref<1x10000xf32, #tpu.memory_space<hbm>>
      %dma_start3A_113 = tpu.memref_squeeze %dma_start3A_112 : memref<1x10000xf32, #tpu.memory_space<hbm>> -> memref<10000xf32, #tpu.memory_space<hbm>>
      %dma_start3A_114 = arith.constant 0 : i32
      %dma_start3A_115 = tpu.memref_slice %arg4[%add3A_50, %dma_start3A_114] : memref<40x10000xf32, #tpu.memory_space<hbm>> -> memref<1x10000xf32, #tpu.memory_space<hbm>>
      %dma_start3A_116 = tpu.memref_squeeze %dma_start3A_115 : memref<1x10000xf32, #tpu.memory_space<hbm>> -> memref<10000xf32, #tpu.memory_space<hbm>>
      tpu.enqueue_dma source(%dma_start3A_116 : memref<10000xf32, #tpu.memory_space<hbm>>) target(%arg8 : memref<10000xf32, #tpu.memory_space<vmem>>) target_semaphore(%run_scoped3A : memref<!tpu.dma_semaphore, #tpu.memory_space<semaphore_mem>>)
      %dma_wait3A_117 = arith.constant 0 : i32
      %dma_wait3A_118 = tpu.memref_slice %arg4[%add3A_50, %dma_wait3A_117] : memref<40x10000xf32, #tpu.memory_space<hbm>> -> memref<1x10000xf32, #tpu.memory_space<hbm>>
      %dma_wait3A_119 = tpu.memref_squeeze %dma_wait3A_118 : memref<1x10000xf32, #tpu.memory_space<hbm>> -> memref<10000xf32, #tpu.memory_space<hbm>>
      %dma_wait3A_120 = arith.constant 0 : i32
      %dma_wait3A_121 = tpu.memref_slice %arg4[%add3A_50, %dma_wait3A_120] : memref<40x10000xf32, #tpu.memory_space<hbm>> -> memref<1x10000xf32, #tpu.memory_space<hbm>>
      %dma_wait3A_122 = tpu.memref_squeeze %dma_wait3A_121 : memref<1x10000xf32, #tpu.memory_space<hbm>> -> memref<10000xf32, #tpu.memory_space<hbm>>
      tpu.wait_dma2 semaphore(%run_scoped3A : memref<!tpu.dma_semaphore, #tpu.memory_space<semaphore_mem>>) src(%dma_wait3A_122 : memref<10000xf32, #tpu.memory_space<hbm>>) dst(%arg8 : memref<10000xf32, #tpu.memory_space<vmem>>)
      tpu.yield
    }) : () -> ()
    %parallel_loop3A_51 = arith.constant 0 : i32
    %parallel_loop3A_52 = arith.constant 625 : i32
    %parallel_loop3A_53 = arith.constant 1 : i32
    scf.for %parallel_loop3A_111 = %parallel_loop3A_51 to %parallel_loop3A_52 step %parallel_loop3A_53  : i32 {
      %parallel_loop3A_112 = arith.constant 0.000000e+00 : f32
      %parallel_loop3A_113 = vector.broadcast %parallel_loop3A_112 : f32 to vector<16xf32>
      %parallel_loop3A_114 = arith.constant 16 : i32
      %parallel_loop3A_115 = arith.muli %parallel_loop3A_111, %parallel_loop3A_114 : i32
      %parallel_loop3A_116 = arith.index_cast %parallel_loop3A_115 : i32 to index
      %parallel_loop3A_117 = tpu.vector_load %arg14[%parallel_loop3A_116] {strides = array<i32>} : memref<10000xf32, #tpu.memory_space<vmem>>, vector<16xf32>,
      tpu.vector_store %arg14[%parallel_loop3A_116], %parallel_loop3A_113 {strides = array<i32>} : memref<10000xf32, #tpu.memory_space<vmem>>, vector<16xf32>,
    } {sc.loop_unroll_factor = 8 : i64, sc.parallel_access}
    %mul3A_54 = arith.constant 5 : i32
    %mul3A_55 = arith.muli %select_n3A, %mul3A_54 : i32
    %add3A_56 = arith.constant 3 : i32
    %add3A_57 = arith.addi %mul3A_55, %add3A_56 : i32
    "tpu.region"() ({
      %run_scoped3A = tpu.sem_alloc : memref<!tpu.dma_semaphore, #tpu.memory_space<semaphore_mem>>
      %dma_start3A_111 = arith.constant 0 : i32
      %dma_start3A_112 = tpu.memref_slice %arg4[%add3A_57, %dma_start3A_111] : memref<40x10000xf32, #tpu.memory_space<hbm>> -> memref<1x10000xf32, #tpu.memory_space<hbm>>
      %dma_start3A_113 = tpu.memref_squeeze %dma_start3A_112 : memref<1x10000xf32, #tpu.memory_space<hbm>> -> memref<10000xf32, #tpu.memory_space<hbm>>
      %dma_start3A_114 = arith.constant 0 : i32
      %dma_start3A_115 = tpu.memref_slice %arg4[%add3A_57, %dma_start3A_114] : memref<40x10000xf32, #tpu.memory_space<hbm>> -> memref<1x10000xf32, #tpu.memory_space<hbm>>
      %dma_start3A_116 = tpu.memref_squeeze %dma_start3A_115 : memref<1x10000xf32, #tpu.memory_space<hbm>> -> memref<10000xf32, #tpu.memory_space<hbm>>
      tpu.enqueue_dma source(%dma_start3A_116 : memref<10000xf32, #tpu.memory_space<hbm>>) target(%arg9 : memref<10000xf32, #tpu.memory_space<vmem>>) target_semaphore(%run_scoped3A : memref<!tpu.dma_semaphore, #tpu.memory_space<semaphore_mem>>)
      %dma_wait3A_117 = arith.constant 0 : i32
      %dma_wait3A_118 = tpu.memref_slice %arg4[%add3A_57, %dma_wait3A_117] : memref<40x10000xf32, #tpu.memory_space<hbm>> -> memref<1x10000xf32, #tpu.memory_space<hbm>>
      %dma_wait3A_119 = tpu.memref_squeeze %dma_wait3A_118 : memref<1x10000xf32, #tpu.memory_space<hbm>> -> memref<10000xf32, #tpu.memory_space<hbm>>
      %dma_wait3A_120 = arith.constant 0 : i32
      %dma_wait3A_121 = tpu.memref_slice %arg4[%add3A_57, %dma_wait3A_120] : memref<40x10000xf32, #tpu.memory_space<hbm>> -> memref<1x10000xf32, #tpu.memory_space<hbm>>
      %dma_wait3A_122 = tpu.memref_squeeze %dma_wait3A_121 : memref<1x10000xf32, #tpu.memory_space<hbm>> -> memref<10000xf32, #tpu.memory_space<hbm>>
      tpu.wait_dma2 semaphore(%run_scoped3A : memref<!tpu.dma_semaphore, #tpu.memory_space<semaphore_mem>>) src(%dma_wait3A_122 : memref<10000xf32, #tpu.memory_space<hbm>>) dst(%arg9 : memref<10000xf32, #tpu.memory_space<vmem>>)
      tpu.yield
    }) : () -> ()
    %parallel_loop3A_58 = arith.constant 0 : i32
    %parallel_loop3A_59 = arith.constant 625 : i32
    %parallel_loop3A_60 = arith.constant 1 : i32
    scf.for %parallel_loop3A_111 = %parallel_loop3A_58 to %parallel_loop3A_59 step %parallel_loop3A_60  : i32 {
      %parallel_loop3A_112 = arith.constant 0.000000e+00 : f32
      %parallel_loop3A_113 = vector.broadcast %parallel_loop3A_112 : f32 to vector<16xf32>
      %parallel_loop3A_114 = arith.constant 16 : i32
      %parallel_loop3A_115 = arith.muli %parallel_loop3A_111, %parallel_loop3A_114 : i32
      %parallel_loop3A_116 = arith.index_cast %parallel_loop3A_115 : i32 to index
      %parallel_loop3A_117 = tpu.vector_load %arg15[%parallel_loop3A_116] {strides = array<i32>} : memref<10000xf32, #tpu.memory_space<vmem>>, vector<16xf32>,
      tpu.vector_store %arg15[%parallel_loop3A_116], %parallel_loop3A_113 {strides = array<i32>} : memref<10000xf32, #tpu.memory_space<vmem>>, vector<16xf32>,
    } {sc.loop_unroll_factor = 8 : i64, sc.parallel_access}
    %mul3A_61 = arith.constant 5 : i32
    %mul3A_62 = arith.muli %select_n3A, %mul3A_61 : i32
    %add3A_63 = arith.constant 4 : i32
    %add3A_64 = arith.addi %mul3A_62, %add3A_63 : i32
    "tpu.region"() ({
      %run_scoped3A = tpu.sem_alloc : memref<!tpu.dma_semaphore, #tpu.memory_space<semaphore_mem>>
      %dma_start3A_111 = arith.constant 0 : i32
      %dma_start3A_112 = tpu.memref_slice %arg4[%add3A_64, %dma_start3A_111] : memref<40x10000xf32, #tpu.memory_space<hbm>> -> memref<1x10000xf32, #tpu.memory_space<hbm>>
      %dma_start3A_113 = tpu.memref_squeeze %dma_start3A_112 : memref<1x10000xf32, #tpu.memory_space<hbm>> -> memref<10000xf32, #tpu.memory_space<hbm>>
      %dma_start3A_114 = arith.constant 0 : i32
      %dma_start3A_115 = tpu.memref_slice %arg4[%add3A_64, %dma_start3A_114] : memref<40x10000xf32, #tpu.memory_space<hbm>> -> memref<1x10000xf32, #tpu.memory_space<hbm>>
      %dma_start3A_116 = tpu.memref_squeeze %dma_start3A_115 : memref<1x10000xf32, #tpu.memory_space<hbm>> -> memref<10000xf32, #tpu.memory_space<hbm>>
      tpu.enqueue_dma source(%dma_start3A_116 : memref<10000xf32, #tpu.memory_space<hbm>>) target(%arg10 : memref<10000xf32, #tpu.memory_space<vmem>>) target_semaphore(%run_scoped3A : memref<!tpu.dma_semaphore, #tpu.memory_space<semaphore_mem>>)
      %dma_wait3A_117 = arith.constant 0 : i32
      %dma_wait3A_118 = tpu.memref_slice %arg4[%add3A_64, %dma_wait3A_117] : memref<40x10000xf32, #tpu.memory_space<hbm>> -> memref<1x10000xf32, #tpu.memory_space<hbm>>
      %dma_wait3A_119 = tpu.memref_squeeze %dma_wait3A_118 : memref<1x10000xf32, #tpu.memory_space<hbm>> -> memref<10000xf32, #tpu.memory_space<hbm>>
      %dma_wait3A_120 = arith.constant 0 : i32
      %dma_wait3A_121 = tpu.memref_slice %arg4[%add3A_64, %dma_wait3A_120] : memref<40x10000xf32, #tpu.memory_space<hbm>> -> memref<1x10000xf32, #tpu.memory_space<hbm>>
      %dma_wait3A_122 = tpu.memref_squeeze %dma_wait3A_121 : memref<1x10000xf32, #tpu.memory_space<hbm>> -> memref<10000xf32, #tpu.memory_space<hbm>>
      tpu.wait_dma2 semaphore(%run_scoped3A : memref<!tpu.dma_semaphore, #tpu.memory_space<semaphore_mem>>) src(%dma_wait3A_122 : memref<10000xf32, #tpu.memory_space<hbm>>) dst(%arg10 : memref<10000xf32, #tpu.memory_space<vmem>>)
      tpu.yield
    }) : () -> ()
    %mul3A_65 = arith.constant 80000 : i32
    %mul3A_66 = arith.muli %select_n3A_30, %mul3A_65 : i32
    %add3A_67 = arith.constant 0 : i32
    %add3A_68 = arith.addi %mul3A_66, %add3A_67 : i32
    %dma_start3A = arith.constant 0 : i32
    %dma_start3A_69 = tpu.memref_slice %arg2[%dma_start3A, %add3A_68] : memref<2x320000xi32, #tpu.memory_space<hbm>> -> memref<2x3200xi32, #tpu.memory_space<hbm>>
    %dma_start3A_70 = arith.constant 0 : i32
    %dma_start3A_71 = tpu.memref_slice %arg2[%dma_start3A_70, %add3A_68] : memref<2x320000xi32, #tpu.memory_space<hbm>> -> memref<2x3200xi32, #tpu.memory_space<hbm>>
    tpu.enqueue_dma source(%dma_start3A_71 : memref<2x3200xi32, #tpu.memory_space<hbm>>) target(%arg16 : memref<2x3200xi32, #tpu.memory_space<vmem>>) target_semaphore(%arg18 : memref<!tpu.dma_semaphore, #tpu.memory_space<semaphore_mem>>)
    %dma_start3A_72 = tpu.memref_slice %arg3[%add3A_68] : memref<320000xf32, #tpu.memory_space<hbm>> -> memref<3200xf32, #tpu.memory_space<hbm>>
    %dma_start3A_73 = tpu.memref_slice %arg3[%add3A_68] : memref<320000xf32, #tpu.memory_space<hbm>> -> memref<3200xf32, #tpu.memory_space<hbm>>
    tpu.enqueue_dma source(%dma_start3A_73 : memref<3200xf32, #tpu.memory_space<hbm>>) target(%arg17 : memref<3200xf32, #tpu.memory_space<vmem>>) target_semaphore(%arg18 : memref<!tpu.dma_semaphore, #tpu.memory_space<semaphore_mem>>)
    %scan3A = arith.constant 0 : i32
    %scan3A_74 = arith.constant 0 : i32
    %scan3A_75 = arith.constant 12 : i32
    %scan3A_76 = arith.addi %scan3A_74, %scan3A_75 : i32
    %scan3A_77 = arith.constant 1 : i32
    scf.for %scan3A_111 = %scan3A_74 to %scan3A_76 step %scan3A_77  : i32 {
      %mul3A_112 = arith.constant 2 : i32
      %mul3A_113 = arith.muli %mul3A_112, %scan3A_111 : i32
      %add3A_114 = arith.constant 1 : i32
      %add3A_115 = arith.addi %mul3A_113, %add3A_114 : i32
      %mul3A_116 = arith.constant 80000 : i32
      %mul3A_117 = arith.muli %select_n3A_30, %mul3A_116 : i32
      %mul3A_118 = arith.constant 3200 : i32
      %mul3A_119 = arith.muli %add3A_115, %mul3A_118 : i32
      %add3A_120 = arith.addi %mul3A_117, %mul3A_119 : i32
      %dma_start3A_121 = arith.constant 0 : i32
      %dma_start3A_122 = tpu.memref_slice %arg2[%dma_start3A_121, %add3A_120] : memref<2x320000xi32, #tpu.memory_space<hbm>> -> memref<2x3200xi32, #tpu.memory_space<hbm>>
      %dma_start3A_123 = arith.constant 0 : i32
      %dma_start3A_124 = tpu.memref_slice %arg2[%dma_start3A_123, %add3A_120] : memref<2x320000xi32, #tpu.memory_space<hbm>> -> memref<2x3200xi32, #tpu.memory_space<hbm>>
      tpu.enqueue_dma source(%dma_start3A_124 : memref<2x3200xi32, #tpu.memory_space<hbm>>) target(%arg19 : memref<2x3200xi32, #tpu.memory_space<vmem>>) target_semaphore(%arg21 : memref<!tpu.dma_semaphore, #tpu.memory_space<semaphore_mem>>)
      %dma_start3A_125 = tpu.memref_slice %arg3[%add3A_120] : memref<320000xf32, #tpu.memory_space<hbm>> -> memref<3200xf32, #tpu.memory_space<hbm>>
      %dma_start3A_126 = tpu.memref_slice %arg3[%add3A_120] : memref<320000xf32, #tpu.memory_space<hbm>> -> memref<3200xf32, #tpu.memory_space<hbm>>
      tpu.enqueue_dma source(%dma_start3A_126 : memref<3200xf32, #tpu.memory_space<hbm>>) target(%arg20 : memref<3200xf32, #tpu.memory_space<vmem>>) target_semaphore(%arg21 : memref<!tpu.dma_semaphore, #tpu.memory_space<semaphore_mem>>)
      %dma_wait3A_127 = arith.constant 0 : i32
      %dma_wait3A_128 = arith.constant 0 : i32
      %dma_wait3A_129 = tpu.memref_slice %arg2[%dma_wait3A_127, %dma_wait3A_128] : memref<2x320000xi32, #tpu.memory_space<hbm>> -> memref<2x3200xi32, #tpu.memory_space<hbm>>
      %dma_wait3A_130 = arith.constant 0 : i32
      %dma_wait3A_131 = arith.constant 0 : i32
      %dma_wait3A_132 = tpu.memref_slice %arg2[%dma_wait3A_130, %dma_wait3A_131] : memref<2x320000xi32, #tpu.memory_space<hbm>> -> memref<2x3200xi32, #tpu.memory_space<hbm>>
      tpu.wait_dma2 semaphore(%arg18 : memref<!tpu.dma_semaphore, #tpu.memory_space<semaphore_mem>>) src(%dma_wait3A_132 : memref<2x3200xi32, #tpu.memory_space<hbm>>) dst(%arg16 : memref<2x3200xi32, #tpu.memory_space<vmem>>)
      %dma_wait3A_133 = arith.constant 0 : i32
      %dma_wait3A_134 = tpu.memref_slice %arg3[%dma_wait3A_133] : memref<320000xf32, #tpu.memory_space<hbm>> -> memref<3200xf32, #tpu.memory_space<hbm>>
      %dma_wait3A_135 = arith.constant 0 : i32
      %dma_wait3A_136 = tpu.memref_slice %arg3[%dma_wait3A_135] : memref<320000xf32, #tpu.memory_space<hbm>> -> memref<3200xf32, #tpu.memory_space<hbm>>
      tpu.wait_dma2 semaphore(%arg18 : memref<!tpu.dma_semaphore, #tpu.memory_space<semaphore_mem>>) src(%dma_wait3A_136 : memref<3200xf32, #tpu.memory_space<hbm>>) dst(%arg17 : memref<3200xf32, #tpu.memory_space<vmem>>)
      %parallel_loop3A_137 = arith.constant 0 : i32
      %parallel_loop3A_138 = arith.constant 200 : i32
      %parallel_loop3A_139 = arith.constant 1 : i32
      scf.for %parallel_loop3A_160 = %parallel_loop3A_137 to %parallel_loop3A_138 step %parallel_loop3A_139  : i32 {
        %parallel_loop3A_161 = arith.constant 16 : i32
        %parallel_loop3A_162 = arith.muli %parallel_loop3A_160, %parallel_loop3A_161 : i32
        %parallel_loop3A_163 = arith.constant 0 : i32
        %parallel_loop3A_164 = arith.index_cast %parallel_loop3A_163 : i32 to index
        %parallel_loop3A_165 = arith.index_cast %parallel_loop3A_162 : i32 to index
        %parallel_loop3A_166 = tpu.vector_load %arg16[%parallel_loop3A_164, %parallel_loop3A_165] {strides = array<i32>} : memref<2x3200xi32, #tpu.memory_space<vmem>>, vector<16xi32>,
        %parallel_loop3A_167 = arith.constant 16 : i32
        %parallel_loop3A_168 = arith.muli %parallel_loop3A_160, %parallel_loop3A_167 : i32
        %parallel_loop3A_169 = arith.constant 1 : i32
        %parallel_loop3A_170 = arith.index_cast %parallel_loop3A_169 : i32 to index
        %parallel_loop3A_171 = arith.index_cast %parallel_loop3A_168 : i32 to index
        %parallel_loop3A_172 = tpu.vector_load %arg16[%parallel_loop3A_170, %parallel_loop3A_171] {strides = array<i32>} : memref<2x3200xi32, #tpu.memory_space<vmem>>, vector<16xi32>,
        %parallel_loop3A_173 = arith.constant 16 : i32
        %parallel_loop3A_174 = arith.muli %parallel_loop3A_160, %parallel_loop3A_173 : i32
        %parallel_loop3A_175 = arith.index_cast %parallel_loop3A_174 : i32 to index
        %parallel_loop3A_176 = tpu.vector_load %arg17[%parallel_loop3A_175] {strides = array<i32>} : memref<3200xf32, #tpu.memory_space<vmem>>, vector<16xf32>,
        %parallel_loop3A_177 = tpu.vector_load_idx %arg6[%parallel_loop3A_166] : memref<10000xf32, #tpu.memory_space<vmem>>[vector<16xi32>], vector<16xf32>,
        %parallel_loop3A_178 = arith.mulf %parallel_loop3A_177, %parallel_loop3A_176 : vector<16xf32>
        tpu.vector_store_idx %arg11[%parallel_loop3A_172], %parallel_loop3A_178 {add = true} : memref<10000xf32, #tpu.memory_space<vmem>>[vector<16xi32>], vector<16xf32>,
        %parallel_loop3A_179 = tpu.vector_load_idx %arg7[%parallel_loop3A_166] : memref<10000xf32, #tpu.memory_space<vmem>>[vector<16xi32>], vector<16xf32>,
        %parallel_loop3A_180 = arith.mulf %parallel_loop3A_179, %parallel_loop3A_176 : vector<16xf32>
        tpu.vector_store_idx %arg12[%parallel_loop3A_172], %parallel_loop3A_180 {add = true} : memref<10000xf32, #tpu.memory_space<vmem>>[vector<16xi32>], vector<16xf32>,
        %parallel_loop3A_181 = tpu.vector_load_idx %arg8[%parallel_loop3A_166] : memref<10000xf32, #tpu.memory_space<vmem>>[vector<16xi32>], vector<16xf32>,
        %parallel_loop3A_182 = arith.mulf %parallel_loop3A_181, %parallel_loop3A_176 : vector<16xf32>
        tpu.vector_store_idx %arg13[%parallel_loop3A_172], %parallel_loop3A_182 {add = true} : memref<10000xf32, #tpu.memory_space<vmem>>[vector<16xi32>], vector<16xf32>,
        %parallel_loop3A_183 = tpu.vector_load_idx %arg9[%parallel_loop3A_166] : memref<10000xf32, #tpu.memory_space<vmem>>[vector<16xi32>], vector<16xf32>,
        %parallel_loop3A_184 = arith.mulf %parallel_loop3A_183, %parallel_loop3A_176 : vector<16xf32>
        tpu.vector_store_idx %arg14[%parallel_loop3A_172], %parallel_loop3A_184 {add = true} : memref<10000xf32, #tpu.memory_space<vmem>>[vector<16xi32>], vector<16xf32>,
        %parallel_loop3A_185 = tpu.vector_load_idx %arg10[%parallel_loop3A_166] : memref<10000xf32, #tpu.memory_space<vmem>>[vector<16xi32>], vector<16xf32>,
        %parallel_loop3A_186 = arith.mulf %parallel_loop3A_185, %parallel_loop3A_176 : vector<16xf32>
        tpu.vector_store_idx %arg15[%parallel_loop3A_172], %parallel_loop3A_186 {add = true} : memref<10000xf32, #tpu.memory_space<vmem>>[vector<16xi32>], vector<16xf32>,
      } {sc.loop_unroll_factor = 4 : i64, sc.parallel_access}
      %add3A_140 = arith.constant 2 : i32
      %add3A_141 = arith.addi %mul3A_113, %add3A_140 : i32
      %lt3A_142 = arith.constant 25 : i32
      %lt3A_143 = arith.cmpi slt, %add3A_141, %lt3A_142 : i32
      %convert_element_type3A = arith.extui %lt3A_143 : i1 to i32
      %cond3A = arith.constant 0 : i32
      %cond3A_144 = arith.cmpi ne, %convert_element_type3A, %cond3A : i32
      scf.if %cond3A_144 {
        %add3A_160 = arith.constant 2 : i32
        %add3A_161 = arith.addi %mul3A_113, %add3A_160 : i32
        %mul3A_162 = arith.constant 80000 : i32
        %mul3A_163 = arith.muli %select_n3A_30, %mul3A_162 : i32
        %mul3A_164 = arith.constant 3200 : i32
        %mul3A_165 = arith.muli %add3A_161, %mul3A_164 : i32
        %add3A_166 = arith.addi %mul3A_163, %mul3A_165 : i32
        %dma_start3A_167 = arith.constant 0 : i32
        %dma_start3A_168 = tpu.memref_slice %arg2[%dma_start3A_167, %add3A_166] : memref<2x320000xi32, #tpu.memory_space<hbm>> -> memref<2x3200xi32, #tpu.memory_space<hbm>>
        %dma_start3A_169 = arith.constant 0 : i32
        %dma_start3A_170 = tpu.memref_slice %arg2[%dma_start3A_169, %add3A_166] : memref<2x320000xi32, #tpu.memory_space<hbm>> -> memref<2x3200xi32, #tpu.memory_space<hbm>>
        tpu.enqueue_dma source(%dma_start3A_170 : memref<2x3200xi32, #tpu.memory_space<hbm>>) target(%arg16 : memref<2x3200xi32, #tpu.memory_space<vmem>>) target_semaphore(%arg18 : memref<!tpu.dma_semaphore, #tpu.memory_space<semaphore_mem>>)
        %dma_start3A_171 = tpu.memref_slice %arg3[%add3A_166] : memref<320000xf32, #tpu.memory_space<hbm>> -> memref<3200xf32, #tpu.memory_space<hbm>>
        %dma_start3A_172 = tpu.memref_slice %arg3[%add3A_166] : memref<320000xf32, #tpu.memory_space<hbm>> -> memref<3200xf32, #tpu.memory_space<hbm>>
        tpu.enqueue_dma source(%dma_start3A_172 : memref<3200xf32, #tpu.memory_space<hbm>>) target(%arg17 : memref<3200xf32, #tpu.memory_space<vmem>>) target_semaphore(%arg18 : memref<!tpu.dma_semaphore, #tpu.memory_space<semaphore_mem>>)
      } else {
      }
      %dma_wait3A_145 = arith.constant 0 : i32
      %dma_wait3A_146 = arith.constant 0 : i32
      %dma_wait3A_147 = tpu.memref_slice %arg2[%dma_wait3A_145, %dma_wait3A_146] : memref<2x320000xi32, #tpu.memory_space<hbm>> -> memref<2x3200xi32, #tpu.memory_space<hbm>>
      %dma_wait3A_148 = arith.constant 0 : i32
      %dma_wait3A_149 = arith.constant 0 : i32
      %dma_wait3A_150 = tpu.memref_slice %arg2[%dma_wait3A_148, %dma_wait3A_149] : memref<2x320000xi32, #tpu.memory_space<hbm>> -> memref<2x3200xi32, #tpu.memory_space<hbm>>
      tpu.wait_dma2 semaphore(%arg21 : memref<!tpu.dma_semaphore, #tpu.memory_space<semaphore_mem>>) src(%dma_wait3A_150 : memref<2x3200xi32, #tpu.memory_space<hbm>>) dst(%arg19 : memref<2x3200xi32, #tpu.memory_space<vmem>>)
      %dma_wait3A_151 = arith.constant 0 : i32
      %dma_wait3A_152 = tpu.memref_slice %arg3[%dma_wait3A_151] : memref<320000xf32, #tpu.memory_space<hbm>> -> memref<3200xf32, #tpu.memory_space<hbm>>
      %dma_wait3A_153 = arith.constant 0 : i32
      %dma_wait3A_154 = tpu.memref_slice %arg3[%dma_wait3A_153] : memref<320000xf32, #tpu.memory_space<hbm>> -> memref<3200xf32, #tpu.memory_space<hbm>>
      tpu.wait_dma2 semaphore(%arg21 : memref<!tpu.dma_semaphore, #tpu.memory_space<semaphore_mem>>) src(%dma_wait3A_154 : memref<3200xf32, #tpu.memory_space<hbm>>) dst(%arg20 : memref<3200xf32, #tpu.memory_space<vmem>>)
      %add3A_155 = arith.constant 1 : i32
      %add3A_156 = arith.addi %mul3A_113, %add3A_155 : i32
      %parallel_loop3A_157 = arith.constant 0 : i32
      %parallel_loop3A_158 = arith.constant 200 : i32
      %parallel_loop3A_159 = arith.constant 1 : i32
      scf.for %parallel_loop3A_160 = %parallel_loop3A_157 to %parallel_loop3A_158 step %parallel_loop3A_159  : i32 {
        %parallel_loop3A_161 = arith.constant 16 : i32
        %parallel_loop3A_162 = arith.muli %parallel_loop3A_160, %parallel_loop3A_161 : i32
        %parallel_loop3A_163 = arith.constant 0 : i32
        %parallel_loop3A_164 = arith.index_cast %parallel_loop3A_163 : i32 to index
        %parallel_loop3A_165 = arith.index_cast %parallel_loop3A_162 : i32 to index
        %parallel_loop3A_166 = tpu.vector_load %arg19[%parallel_loop3A_164, %parallel_loop3A_165] {strides = array<i32>} : memref<2x3200xi32, #tpu.memory_space<vmem>>, vector<16xi32>,
        %parallel_loop3A_167 = arith.constant 16 : i32
        %parallel_loop3A_168 = arith.muli %parallel_loop3A_160, %parallel_loop3A_167 : i32
        %parallel_loop3A_169 = arith.constant 1 : i32
        %parallel_loop3A_170 = arith.index_cast %parallel_loop3A_169 : i32 to index
        %parallel_loop3A_171 = arith.index_cast %parallel_loop3A_168 : i32 to index
        %parallel_loop3A_172 = tpu.vector_load %arg19[%parallel_loop3A_170, %parallel_loop3A_171] {strides = array<i32>} : memref<2x3200xi32, #tpu.memory_space<vmem>>, vector<16xi32>,
        %parallel_loop3A_173 = arith.constant 16 : i32
        %parallel_loop3A_174 = arith.muli %parallel_loop3A_160, %parallel_loop3A_173 : i32
        %parallel_loop3A_175 = arith.index_cast %parallel_loop3A_174 : i32 to index
        %parallel_loop3A_176 = tpu.vector_load %arg20[%parallel_loop3A_175] {strides = array<i32>} : memref<3200xf32, #tpu.memory_space<vmem>>, vector<16xf32>,
        %parallel_loop3A_177 = tpu.vector_load_idx %arg6[%parallel_loop3A_166] : memref<10000xf32, #tpu.memory_space<vmem>>[vector<16xi32>], vector<16xf32>,
        %parallel_loop3A_178 = arith.mulf %parallel_loop3A_177, %parallel_loop3A_176 : vector<16xf32>
        tpu.vector_store_idx %arg11[%parallel_loop3A_172], %parallel_loop3A_178 {add = true} : memref<10000xf32, #tpu.memory_space<vmem>>[vector<16xi32>], vector<16xf32>,
        %parallel_loop3A_179 = tpu.vector_load_idx %arg7[%parallel_loop3A_166] : memref<10000xf32, #tpu.memory_space<vmem>>[vector<16xi32>], vector<16xf32>,
        %parallel_loop3A_180 = arith.mulf %parallel_loop3A_179, %parallel_loop3A_176 : vector<16xf32>
        tpu.vector_store_idx %arg12[%parallel_loop3A_172], %parallel_loop3A_180 {add = true} : memref<10000xf32, #tpu.memory_space<vmem>>[vector<16xi32>], vector<16xf32>,
        %parallel_loop3A_181 = tpu.vector_load_idx %arg8[%parallel_loop3A_166] : memref<10000xf32, #tpu.memory_space<vmem>>[vector<16xi32>], vector<16xf32>,
        %parallel_loop3A_182 = arith.mulf %parallel_loop3A_181, %parallel_loop3A_176 : vector<16xf32>
        tpu.vector_store_idx %arg13[%parallel_loop3A_172], %parallel_loop3A_182 {add = true} : memref<10000xf32, #tpu.memory_space<vmem>>[vector<16xi32>], vector<16xf32>,
        %parallel_loop3A_183 = tpu.vector_load_idx %arg9[%parallel_loop3A_166] : memref<10000xf32, #tpu.memory_space<vmem>>[vector<16xi32>], vector<16xf32>,
        %parallel_loop3A_184 = arith.mulf %parallel_loop3A_183, %parallel_loop3A_176 : vector<16xf32>
        tpu.vector_store_idx %arg14[%parallel_loop3A_172], %parallel_loop3A_184 {add = true} : memref<10000xf32, #tpu.memory_space<vmem>>[vector<16xi32>], vector<16xf32>,
        %parallel_loop3A_185 = tpu.vector_load_idx %arg10[%parallel_loop3A_166] : memref<10000xf32, #tpu.memory_space<vmem>>[vector<16xi32>], vector<16xf32>,
        %parallel_loop3A_186 = arith.mulf %parallel_loop3A_185, %parallel_loop3A_176 : vector<16xf32>
        tpu.vector_store_idx %arg15[%parallel_loop3A_172], %parallel_loop3A_186 {add = true} : memref<10000xf32, #tpu.memory_space<vmem>>[vector<16xi32>], vector<16xf32>,
      } {sc.loop_unroll_factor = 4 : i64, sc.parallel_access}
    }
    %scan3A_78 = arith.constant 12 : i32
    %dma_wait3A = arith.constant 0 : i32
    %dma_wait3A_79 = arith.constant 0 : i32
    %dma_wait3A_80 = tpu.memref_slice %arg2[%dma_wait3A, %dma_wait3A_79] : memref<2x320000xi32, #tpu.memory_space<hbm>> -> memref<2x3200xi32, #tpu.memory_space<hbm>>
    %dma_wait3A_81 = arith.constant 0 : i32
    %dma_wait3A_82 = arith.constant 0 : i32
    %dma_wait3A_83 = tpu.memref_slice %arg2[%dma_wait3A_81, %dma_wait3A_82] : memref<2x320000xi32, #tpu.memory_space<hbm>> -> memref<2x3200xi32, #tpu.memory_space<hbm>>
    tpu.wait_dma2 semaphore(%arg18 : memref<!tpu.dma_semaphore, #tpu.memory_space<semaphore_mem>>) src(%dma_wait3A_83 : memref<2x3200xi32, #tpu.memory_space<hbm>>) dst(%arg16 : memref<2x3200xi32, #tpu.memory_space<vmem>>)
    %dma_wait3A_84 = arith.constant 0 : i32
    %dma_wait3A_85 = tpu.memref_slice %arg3[%dma_wait3A_84] : memref<320000xf32, #tpu.memory_space<hbm>> -> memref<3200xf32, #tpu.memory_space<hbm>>
    %dma_wait3A_86 = arith.constant 0 : i32
    %dma_wait3A_87 = tpu.memref_slice %arg3[%dma_wait3A_86] : memref<320000xf32, #tpu.memory_space<hbm>> -> memref<3200xf32, #tpu.memory_space<hbm>>
    tpu.wait_dma2 semaphore(%arg18 : memref<!tpu.dma_semaphore, #tpu.memory_space<semaphore_mem>>) src(%dma_wait3A_87 : memref<3200xf32, #tpu.memory_space<hbm>>) dst(%arg17 : memref<3200xf32, #tpu.memory_space<vmem>>)
    %parallel_loop3A_88 = arith.constant 0 : i32
    %parallel_loop3A_89 = arith.constant 200 : i32
    %parallel_loop3A_90 = arith.constant 1 : i32
    scf.for %parallel_loop3A_111 = %parallel_loop3A_88 to %parallel_loop3A_89 step %parallel_loop3A_90  : i32 {
      %parallel_loop3A_112 = arith.constant 16 : i32
      %parallel_loop3A_113 = arith.muli %parallel_loop3A_111, %parallel_loop3A_112 : i32
      %parallel_loop3A_114 = arith.constant 0 : i32
      %parallel_loop3A_115 = arith.index_cast %parallel_loop3A_114 : i32 to index
      %parallel_loop3A_116 = arith.index_cast %parallel_loop3A_113 : i32 to index
      %parallel_loop3A_117 = tpu.vector_load %arg16[%parallel_loop3A_115, %parallel_loop3A_116] {strides = array<i32>} : memref<2x3200xi32, #tpu.memory_space<vmem>>, vector<16xi32>,
      %parallel_loop3A_118 = arith.constant 16 : i32
      %parallel_loop3A_119 = arith.muli %parallel_loop3A_111, %parallel_loop3A_118 : i32
      %parallel_loop3A_120 = arith.constant 1 : i32
      %parallel_loop3A_121 = arith.index_cast %parallel_loop3A_120 : i32 to index
      %parallel_loop3A_122 = arith.index_cast %parallel_loop3A_119 : i32 to index
      %parallel_loop3A_123 = tpu.vector_load %arg16[%parallel_loop3A_121, %parallel_loop3A_122] {strides = array<i32>} : memref<2x3200xi32, #tpu.memory_space<vmem>>, vector<16xi32>,
      %parallel_loop3A_124 = arith.constant 16 : i32
      %parallel_loop3A_125 = arith.muli %parallel_loop3A_111, %parallel_loop3A_124 : i32
      %parallel_loop3A_126 = arith.index_cast %parallel_loop3A_125 : i32 to index
      %parallel_loop3A_127 = tpu.vector_load %arg17[%parallel_loop3A_126] {strides = array<i32>} : memref<3200xf32, #tpu.memory_space<vmem>>, vector<16xf32>,
      %parallel_loop3A_128 = tpu.vector_load_idx %arg6[%parallel_loop3A_117] : memref<10000xf32, #tpu.memory_space<vmem>>[vector<16xi32>], vector<16xf32>,
      %parallel_loop3A_129 = arith.mulf %parallel_loop3A_128, %parallel_loop3A_127 : vector<16xf32>
      tpu.vector_store_idx %arg11[%parallel_loop3A_123], %parallel_loop3A_129 {add = true} : memref<10000xf32, #tpu.memory_space<vmem>>[vector<16xi32>], vector<16xf32>,
      %parallel_loop3A_130 = tpu.vector_load_idx %arg7[%parallel_loop3A_117] : memref<10000xf32, #tpu.memory_space<vmem>>[vector<16xi32>], vector<16xf32>,
      %parallel_loop3A_131 = arith.mulf %parallel_loop3A_130, %parallel_loop3A_127 : vector<16xf32>
      tpu.vector_store_idx %arg12[%parallel_loop3A_123], %parallel_loop3A_131 {add = true} : memref<10000xf32, #tpu.memory_space<vmem>>[vector<16xi32>], vector<16xf32>,
      %parallel_loop3A_132 = tpu.vector_load_idx %arg8[%parallel_loop3A_117] : memref<10000xf32, #tpu.memory_space<vmem>>[vector<16xi32>], vector<16xf32>,
      %parallel_loop3A_133 = arith.mulf %parallel_loop3A_132, %parallel_loop3A_127 : vector<16xf32>
      tpu.vector_store_idx %arg13[%parallel_loop3A_123], %parallel_loop3A_133 {add = true} : memref<10000xf32, #tpu.memory_space<vmem>>[vector<16xi32>], vector<16xf32>,
      %parallel_loop3A_134 = tpu.vector_load_idx %arg9[%parallel_loop3A_117] : memref<10000xf32, #tpu.memory_space<vmem>>[vector<16xi32>], vector<16xf32>,
      %parallel_loop3A_135 = arith.mulf %parallel_loop3A_134, %parallel_loop3A_127 : vector<16xf32>
      tpu.vector_store_idx %arg14[%parallel_loop3A_123], %parallel_loop3A_135 {add = true} : memref<10000xf32, #tpu.memory_space<vmem>>[vector<16xi32>], vector<16xf32>,
      %parallel_loop3A_136 = tpu.vector_load_idx %arg10[%parallel_loop3A_117] : memref<10000xf32, #tpu.memory_space<vmem>>[vector<16xi32>], vector<16xf32>,
      %parallel_loop3A_137 = arith.mulf %parallel_loop3A_136, %parallel_loop3A_127 : vector<16xf32>
      tpu.vector_store_idx %arg15[%parallel_loop3A_123], %parallel_loop3A_137 {add = true} : memref<10000xf32, #tpu.memory_space<vmem>>[vector<16xi32>], vector<16xf32>,
    } {sc.loop_unroll_factor = 4 : i64, sc.parallel_access}
    %mul3A_91 = arith.constant 5 : i32
    %mul3A_92 = arith.muli %select_n3A, %mul3A_91 : i32
    %add3A_93 = arith.constant 0 : i32
    %add3A_94 = arith.addi %mul3A_92, %add3A_93 : i32
    "tpu.region"() ({
      %run_scoped3A = tpu.sem_alloc : memref<!tpu.dma_semaphore, #tpu.memory_space<semaphore_mem>>
      %dma_start3A_111 = arith.constant 0 : i32
      %dma_start3A_112 = tpu.memref_slice %arg5[%select_n3A_30, %add3A_94, %dma_start3A_111] : memref<4x40x10000xf32, #tpu.memory_space<hbm>> -> memref<1x1x10000xf32, #tpu.memory_space<hbm>>
      %dma_start3A_113 = tpu.memref_squeeze %dma_start3A_112 : memref<1x1x10000xf32, #tpu.memory_space<hbm>> -> memref<10000xf32, #tpu.memory_space<hbm>>
      %dma_start3A_114 = arith.constant 0 : i32
      %dma_start3A_115 = tpu.memref_slice %arg5[%select_n3A_30, %add3A_94, %dma_start3A_114] : memref<4x40x10000xf32, #tpu.memory_space<hbm>> -> memref<1x1x10000xf32, #tpu.memory_space<hbm>>
      %dma_start3A_116 = tpu.memref_squeeze %dma_start3A_115 : memref<1x1x10000xf32, #tpu.memory_space<hbm>> -> memref<10000xf32, #tpu.memory_space<hbm>>
      tpu.enqueue_dma source(%arg11 : memref<10000xf32, #tpu.memory_space<vmem>>) target(%dma_start3A_116 : memref<10000xf32, #tpu.memory_space<hbm>>) target_semaphore(%run_scoped3A : memref<!tpu.dma_semaphore, #tpu.memory_space<semaphore_mem>>)
      %dma_wait3A_117 = arith.constant 0 : i32
      %dma_wait3A_118 = tpu.memref_slice %arg5[%select_n3A_30, %add3A_94, %dma_wait3A_117] : memref<4x40x10000xf32, #tpu.memory_space<hbm>> -> memref<1x1x10000xf32, #tpu.memory_space<hbm>>
      %dma_wait3A_119 = tpu.memref_squeeze %dma_wait3A_118 : memref<1x1x10000xf32, #tpu.memory_space<hbm>> -> memref<10000xf32, #tpu.memory_space<hbm>>
      %dma_wait3A_120 = arith.constant 0 : i32
      %dma_wait3A_121 = tpu.memref_slice %arg5[%select_n3A_30, %add3A_94, %dma_wait3A_120] : memref<4x40x10000xf32, #tpu.memory_space<hbm>> -> memref<1x1x10000xf32, #tpu.memory_space<hbm>>
      %dma_wait3A_122 = tpu.memref_squeeze %dma_wait3A_121 : memref<1x1x10000xf32, #tpu.memory_space<hbm>> -> memref<10000xf32, #tpu.memory_space<hbm>>
      tpu.wait_dma2 semaphore(%run_scoped3A : memref<!tpu.dma_semaphore, #tpu.memory_space<semaphore_mem>>) src(%arg11 : memref<10000xf32, #tpu.memory_space<vmem>>) dst(%dma_wait3A_122 : memref<10000xf32, #tpu.memory_space<hbm>>)
      tpu.yield
    }) : () -> ()
    %mul3A_95 = arith.constant 5 : i32
    %mul3A_96 = arith.muli %select_n3A, %mul3A_95 : i32
    %add3A_97 = arith.constant 1 : i32
    %add3A_98 = arith.addi %mul3A_96, %add3A_97 : i32
    "tpu.region"() ({
      %run_scoped3A = tpu.sem_alloc : memref<!tpu.dma_semaphore, #tpu.memory_space<semaphore_mem>>
      %dma_start3A_111 = arith.constant 0 : i32
      %dma_start3A_112 = tpu.memref_slice %arg5[%select_n3A_30, %add3A_98, %dma_start3A_111] : memref<4x40x10000xf32, #tpu.memory_space<hbm>> -> memref<1x1x10000xf32, #tpu.memory_space<hbm>>
      %dma_start3A_113 = tpu.memref_squeeze %dma_start3A_112 : memref<1x1x10000xf32, #tpu.memory_space<hbm>> -> memref<10000xf32, #tpu.memory_space<hbm>>
      %dma_start3A_114 = arith.constant 0 : i32
      %dma_start3A_115 = tpu.memref_slice %arg5[%select_n3A_30, %add3A_98, %dma_start3A_114] : memref<4x40x10000xf32, #tpu.memory_space<hbm>> -> memref<1x1x10000xf32, #tpu.memory_space<hbm>>
      %dma_start3A_116 = tpu.memref_squeeze %dma_start3A_115 : memref<1x1x10000xf32, #tpu.memory_space<hbm>> -> memref<10000xf32, #tpu.memory_space<hbm>>
      tpu.enqueue_dma source(%arg12 : memref<10000xf32, #tpu.memory_space<vmem>>) target(%dma_start3A_116 : memref<10000xf32, #tpu.memory_space<hbm>>) target_semaphore(%run_scoped3A : memref<!tpu.dma_semaphore, #tpu.memory_space<semaphore_mem>>)
      %dma_wait3A_117 = arith.constant 0 : i32
      %dma_wait3A_118 = tpu.memref_slice %arg5[%select_n3A_30, %add3A_98, %dma_wait3A_117] : memref<4x40x10000xf32, #tpu.memory_space<hbm>> -> memref<1x1x10000xf32, #tpu.memory_space<hbm>>
      %dma_wait3A_119 = tpu.memref_squeeze %dma_wait3A_118 : memref<1x1x10000xf32, #tpu.memory_space<hbm>> -> memref<10000xf32, #tpu.memory_space<hbm>>
      %dma_wait3A_120 = arith.constant 0 : i32
      %dma_wait3A_121 = tpu.memref_slice %arg5[%select_n3A_30, %add3A_98, %dma_wait3A_120] : memref<4x40x10000xf32, #tpu.memory_space<hbm>> -> memref<1x1x10000xf32, #tpu.memory_space<hbm>>
      %dma_wait3A_122 = tpu.memref_squeeze %dma_wait3A_121 : memref<1x1x10000xf32, #tpu.memory_space<hbm>> -> memref<10000xf32, #tpu.memory_space<hbm>>
      tpu.wait_dma2 semaphore(%run_scoped3A : memref<!tpu.dma_semaphore, #tpu.memory_space<semaphore_mem>>) src(%arg12 : memref<10000xf32, #tpu.memory_space<vmem>>) dst(%dma_wait3A_122 : memref<10000xf32, #tpu.memory_space<hbm>>)
      tpu.yield
    }) : () -> ()
    %mul3A_99 = arith.constant 5 : i32
    %mul3A_100 = arith.muli %select_n3A, %mul3A_99 : i32
    %add3A_101 = arith.constant 2 : i32
    %add3A_102 = arith.addi %mul3A_100, %add3A_101 : i32
    "tpu.region"() ({
      %run_scoped3A = tpu.sem_alloc : memref<!tpu.dma_semaphore, #tpu.memory_space<semaphore_mem>>
      %dma_start3A_111 = arith.constant 0 : i32
      %dma_start3A_112 = tpu.memref_slice %arg5[%select_n3A_30, %add3A_102, %dma_start3A_111] : memref<4x40x10000xf32, #tpu.memory_space<hbm>> -> memref<1x1x10000xf32, #tpu.memory_space<hbm>>
      %dma_start3A_113 = tpu.memref_squeeze %dma_start3A_112 : memref<1x1x10000xf32, #tpu.memory_space<hbm>> -> memref<10000xf32, #tpu.memory_space<hbm>>
      %dma_start3A_114 = arith.constant 0 : i32
      %dma_start3A_115 = tpu.memref_slice %arg5[%select_n3A_30, %add3A_102, %dma_start3A_114] : memref<4x40x10000xf32, #tpu.memory_space<hbm>> -> memref<1x1x10000xf32, #tpu.memory_space<hbm>>
      %dma_start3A_116 = tpu.memref_squeeze %dma_start3A_115 : memref<1x1x10000xf32, #tpu.memory_space<hbm>> -> memref<10000xf32, #tpu.memory_space<hbm>>
      tpu.enqueue_dma source(%arg13 : memref<10000xf32, #tpu.memory_space<vmem>>) target(%dma_start3A_116 : memref<10000xf32, #tpu.memory_space<hbm>>) target_semaphore(%run_scoped3A : memref<!tpu.dma_semaphore, #tpu.memory_space<semaphore_mem>>)
      %dma_wait3A_117 = arith.constant 0 : i32
      %dma_wait3A_118 = tpu.memref_slice %arg5[%select_n3A_30, %add3A_102, %dma_wait3A_117] : memref<4x40x10000xf32, #tpu.memory_space<hbm>> -> memref<1x1x10000xf32, #tpu.memory_space<hbm>>
      %dma_wait3A_119 = tpu.memref_squeeze %dma_wait3A_118 : memref<1x1x10000xf32, #tpu.memory_space<hbm>> -> memref<10000xf32, #tpu.memory_space<hbm>>
      %dma_wait3A_120 = arith.constant 0 : i32
      %dma_wait3A_121 = tpu.memref_slice %arg5[%select_n3A_30, %add3A_102, %dma_wait3A_120] : memref<4x40x10000xf32, #tpu.memory_space<hbm>> -> memref<1x1x10000xf32, #tpu.memory_space<hbm>>
      %dma_wait3A_122 = tpu.memref_squeeze %dma_wait3A_121 : memref<1x1x10000xf32, #tpu.memory_space<hbm>> -> memref<10000xf32, #tpu.memory_space<hbm>>
      tpu.wait_dma2 semaphore(%run_scoped3A : memref<!tpu.dma_semaphore, #tpu.memory_space<semaphore_mem>>) src(%arg13 : memref<10000xf32, #tpu.memory_space<vmem>>) dst(%dma_wait3A_122 : memref<10000xf32, #tpu.memory_space<hbm>>)
      tpu.yield
    }) : () -> ()
    %mul3A_103 = arith.constant 5 : i32
    %mul3A_104 = arith.muli %select_n3A, %mul3A_103 : i32
    %add3A_105 = arith.constant 3 : i32
    %add3A_106 = arith.addi %mul3A_104, %add3A_105 : i32
    "tpu.region"() ({
      %run_scoped3A = tpu.sem_alloc : memref<!tpu.dma_semaphore, #tpu.memory_space<semaphore_mem>>
      %dma_start3A_111 = arith.constant 0 : i32
      %dma_start3A_112 = tpu.memref_slice %arg5[%select_n3A_30, %add3A_106, %dma_start3A_111] : memref<4x40x10000xf32, #tpu.memory_space<hbm>> -> memref<1x1x10000xf32, #tpu.memory_space<hbm>>
      %dma_start3A_113 = tpu.memref_squeeze %dma_start3A_112 : memref<1x1x10000xf32, #tpu.memory_space<hbm>> -> memref<10000xf32, #tpu.memory_space<hbm>>
      %dma_start3A_114 = arith.constant 0 : i32
      %dma_start3A_115 = tpu.memref_slice %arg5[%select_n3A_30, %add3A_106, %dma_start3A_114] : memref<4x40x10000xf32, #tpu.memory_space<hbm>> -> memref<1x1x10000xf32, #tpu.memory_space<hbm>>
      %dma_start3A_116 = tpu.memref_squeeze %dma_start3A_115 : memref<1x1x10000xf32, #tpu.memory_space<hbm>> -> memref<10000xf32, #tpu.memory_space<hbm>>
      tpu.enqueue_dma source(%arg14 : memref<10000xf32, #tpu.memory_space<vmem>>) target(%dma_start3A_116 : memref<10000xf32, #tpu.memory_space<hbm>>) target_semaphore(%run_scoped3A : memref<!tpu.dma_semaphore, #tpu.memory_space<semaphore_mem>>)
      %dma_wait3A_117 = arith.constant 0 : i32
      %dma_wait3A_118 = tpu.memref_slice %arg5[%select_n3A_30, %add3A_106, %dma_wait3A_117] : memref<4x40x10000xf32, #tpu.memory_space<hbm>> -> memref<1x1x10000xf32, #tpu.memory_space<hbm>>
      %dma_wait3A_119 = tpu.memref_squeeze %dma_wait3A_118 : memref<1x1x10000xf32, #tpu.memory_space<hbm>> -> memref<10000xf32, #tpu.memory_space<hbm>>
      %dma_wait3A_120 = arith.constant 0 : i32
      %dma_wait3A_121 = tpu.memref_slice %arg5[%select_n3A_30, %add3A_106, %dma_wait3A_120] : memref<4x40x10000xf32, #tpu.memory_space<hbm>> -> memref<1x1x10000xf32, #tpu.memory_space<hbm>>
      %dma_wait3A_122 = tpu.memref_squeeze %dma_wait3A_121 : memref<1x1x10000xf32, #tpu.memory_space<hbm>> -> memref<10000xf32, #tpu.memory_space<hbm>>
      tpu.wait_dma2 semaphore(%run_scoped3A : memref<!tpu.dma_semaphore, #tpu.memory_space<semaphore_mem>>) src(%arg14 : memref<10000xf32, #tpu.memory_space<vmem>>) dst(%dma_wait3A_122 : memref<10000xf32, #tpu.memory_space<hbm>>)
      tpu.yield
    }) : () -> ()
    %mul3A_107 = arith.constant 5 : i32
    %mul3A_108 = arith.muli %select_n3A, %mul3A_107 : i32
    %add3A_109 = arith.constant 4 : i32
    %add3A_110 = arith.addi %mul3A_108, %add3A_109 : i32
    "tpu.region"() ({
      %run_scoped3A = tpu.sem_alloc : memref<!tpu.dma_semaphore, #tpu.memory_space<semaphore_mem>>
      %dma_start3A_111 = arith.constant 0 : i32
      %dma_start3A_112 = tpu.memref_slice %arg5[%select_n3A_30, %add3A_110, %dma_start3A_111] : memref<4x40x10000xf32, #tpu.memory_space<hbm>> -> memref<1x1x10000xf32, #tpu.memory_space<hbm>>
      %dma_start3A_113 = tpu.memref_squeeze %dma_start3A_112 : memref<1x1x10000xf32, #tpu.memory_space<hbm>> -> memref<10000xf32, #tpu.memory_space<hbm>>
      %dma_start3A_114 = arith.constant 0 : i32
      %dma_start3A_115 = tpu.memref_slice %arg5[%select_n3A_30, %add3A_110, %dma_start3A_114] : memref<4x40x10000xf32, #tpu.memory_space<hbm>> -> memref<1x1x10000xf32, #tpu.memory_space<hbm>>
      %dma_start3A_116 = tpu.memref_squeeze %dma_start3A_115 : memref<1x1x10000xf32, #tpu.memory_space<hbm>> -> memref<10000xf32, #tpu.memory_space<hbm>>
      tpu.enqueue_dma source(%arg15 : memref<10000xf32, #tpu.memory_space<vmem>>) target(%dma_start3A_116 : memref<10000xf32, #tpu.memory_space<hbm>>) target_semaphore(%run_scoped3A : memref<!tpu.dma_semaphore, #tpu.memory_space<semaphore_mem>>)
      %dma_wait3A_117 = arith.constant 0 : i32
      %dma_wait3A_118 = tpu.memref_slice %arg5[%select_n3A_30, %add3A_110, %dma_wait3A_117] : memref<4x40x10000xf32, #tpu.memory_space<hbm>> -> memref<1x1x10000xf32, #tpu.memory_space<hbm>>
      %dma_wait3A_119 = tpu.memref_squeeze %dma_wait3A_118 : memref<1x1x10000xf32, #tpu.memory_space<hbm>> -> memref<10000xf32, #tpu.memory_space<hbm>>
      %dma_wait3A_120 = arith.constant 0 : i32
      %dma_wait3A_121 = tpu.memref_slice %arg5[%select_n3A_30, %add3A_110, %dma_wait3A_120] : memref<4x40x10000xf32, #tpu.memory_space<hbm>> -> memref<1x1x10000xf32, #tpu.memory_space<hbm>>
      %dma_wait3A_122 = tpu.memref_squeeze %dma_wait3A_121 : memref<1x1x10000xf32, #tpu.memory_space<hbm>> -> memref<10000xf32, #tpu.memory_space<hbm>>
      tpu.wait_dma2 semaphore(%run_scoped3A : memref<!tpu.dma_semaphore, #tpu.memory_space<semaphore_mem>>) src(%arg15 : memref<10000xf32, #tpu.memory_space<vmem>>) dst(%dma_wait3A_122 : memref<10000xf32, #tpu.memory_space<hbm>>)
      tpu.yield
    }) : () -> ()
    return
  }
}

#map = affine_map<(d0, d1) -> (0, 0)>
#map1 = affine_map<(d0, d1) -> (0)>
#map2 = affine_map<(d0, d1) -> (0, 0, 0)>
module attributes {stable_mosaic.version = 14 : i64} {
  func.func @_l1_kernel(%arg0: i32, %arg1: i32, %arg2: memref<2x320000xi32, #tpu.memory_space<hbm>>, %arg3: memref<320000xf32, #tpu.memory_space<hbm>>, %arg4: memref<8x10000xi32, #tpu.memory_space<hbm>>, %arg5: memref<4x16x10000xf32, #tpu.memory_space<hbm>>, %arg6: memref<10000xi32, #tpu.memory_space<vmem>>, %arg7: memref<10000xf32, #tpu.memory_space<vmem>>, %arg8: memref<10000xf32, #tpu.memory_space<vmem>>, %arg9: memref<2x3200xi32, #tpu.memory_space<vmem>>, %arg10: memref<3200xf32, #tpu.memory_space<vmem>>, %arg11: memref<!tpu.dma_semaphore, #tpu.memory_space<semaphore_mem>>, %arg12: memref<2x3200xi32, #tpu.memory_space<vmem>>, %arg13: memref<3200xf32, #tpu.memory_space<vmem>>, %arg14: memref<!tpu.dma_semaphore, #tpu.memory_space<semaphore_mem>>) attributes {dimension_semantics = [#tpu.dimension_semantics<core_parallel>, #tpu.dimension_semantics<subcore_parallel>], iteration_bounds = array<i64: 2, 16>, scalar_prefetch = 0 : i64, scratch_operands = 9 : i64, tpu.core_type = #tpu.core_type<sc_vector_subcore>, window_params = [{transform_indices = #map}, {transform_indices = #map1}, {transform_indices = #map}, {transform_indices = #map2}]} {
    %mul3A = arith.constant 2 : i32
    %mul3A_0 = arith.muli %arg1, %mul3A : i32
    %add3A = arith.addi %mul3A_0, %arg0 : i32
    %jit3A = arith.constant 4 : i32
    %div3A = arith.divsi %add3A, %jit3A : i32
    %sign3A = arith.constant 0 : i32
    %sign3A_1 = arith.cmpi sgt, %add3A, %sign3A : i32
    %sign3A_2 = arith.extui %sign3A_1 : i1 to i32
    %sign3A_3 = arith.constant 0 : i32
    %sign3A_4 = arith.cmpi slt, %add3A, %sign3A_3 : i32
    %sign3A_5 = arith.extui %sign3A_4 : i1 to i32
    %sign3A_6 = arith.subi %sign3A_2, %sign3A_5 : i32
    %sign3A_7 = arith.constant 0 : i32
    %sign3A_8 = arith.cmpi sgt, %jit3A, %sign3A_7 : i32
    %sign3A_9 = arith.extui %sign3A_8 : i1 to i32
    %sign3A_10 = arith.constant 0 : i32
    %sign3A_11 = arith.cmpi slt, %jit3A, %sign3A_10 : i32
    %sign3A_12 = arith.extui %sign3A_11 : i1 to i32
    %sign3A_13 = arith.subi %sign3A_9, %sign3A_12 : i32
    %ne3A = arith.cmpi ne, %sign3A_6, %sign3A_13 : i32
    %rem3A = arith.remsi %add3A, %jit3A : i32
    %ne3A_14 = arith.constant 0 : i32
    %ne3A_15 = arith.cmpi ne, %rem3A, %ne3A_14 : i32
    %and3A = arith.andi %ne3A, %ne3A_15 : i1
    %sub3A = arith.constant 1 : i32
    %sub3A_16 = arith.subi %div3A, %sub3A : i32
    %select_n3A = arith.select %and3A, %sub3A_16, %div3A : i32
    %jit3A_17 = arith.constant 4 : i32
    %eq3A = arith.constant 0 : i32
    %eq3A_18 = arith.cmpi eq, %jit3A_17, %eq3A : i32
    %jit3A_19 = arith.constant 1 : i32
    %select_n3A_20 = arith.select %eq3A_18, %jit3A_19, %jit3A_17 : i32
    %rem3A_21 = arith.remsi %add3A, %select_n3A_20 : i32
    %ne3A_22 = arith.constant 0 : i32
    %ne3A_23 = arith.cmpi ne, %rem3A_21, %ne3A_22 : i32
    %lt3A = arith.constant 0 : i32
    %lt3A_24 = arith.cmpi slt, %rem3A_21, %lt3A : i32
    %lt3A_25 = arith.constant 0 : i32
    %lt3A_26 = arith.cmpi slt, %select_n3A_20, %lt3A_25 : i32
    %ne3A_27 = arith.xori %lt3A_24, %lt3A_26 : i1
    %and3A_28 = arith.andi %ne3A_27, %ne3A_23 : i1
    %add3A_29 = arith.addi %rem3A_21, %select_n3A_20 : i32
    %select_n3A_30 = arith.select %and3A_28, %add3A_29, %rem3A_21 : i32
    %parallel_loop3A = arith.constant 0 : i32
    %parallel_loop3A_31 = arith.constant 625 : i32
    %parallel_loop3A_32 = arith.constant 1 : i32
    scf.for %parallel_loop3A_64 = %parallel_loop3A to %parallel_loop3A_31 step %parallel_loop3A_32  : i32 {
      %parallel_loop3A_65 = arith.constant 0.000000e+00 : f32
      %parallel_loop3A_66 = vector.broadcast %parallel_loop3A_65 : f32 to vector<16xf32>
      %parallel_loop3A_67 = arith.constant 16 : i32
      %parallel_loop3A_68 = arith.muli %parallel_loop3A_64, %parallel_loop3A_67 : i32
      %parallel_loop3A_69 = arith.index_cast %parallel_loop3A_68 : i32 to index
      %parallel_loop3A_70 = tpu.vector_load %arg7[%parallel_loop3A_69] {strides = array<i32>} : memref<10000xf32, #tpu.memory_space<vmem>>, vector<16xf32>,
      tpu.vector_store %arg7[%parallel_loop3A_69], %parallel_loop3A_66 {strides = array<i32>} : memref<10000xf32, #tpu.memory_space<vmem>>, vector<16xf32>,
    } {sc.loop_unroll_factor = 8 : i64, sc.parallel_access}
    %parallel_loop3A_33 = arith.constant 0 : i32
    %parallel_loop3A_34 = arith.constant 625 : i32
    %parallel_loop3A_35 = arith.constant 1 : i32
    scf.for %parallel_loop3A_64 = %parallel_loop3A_33 to %parallel_loop3A_34 step %parallel_loop3A_35  : i32 {
      %parallel_loop3A_65 = arith.constant 0.000000e+00 : f32
      %parallel_loop3A_66 = vector.broadcast %parallel_loop3A_65 : f32 to vector<16xf32>
      %parallel_loop3A_67 = arith.constant 16 : i32
      %parallel_loop3A_68 = arith.muli %parallel_loop3A_64, %parallel_loop3A_67 : i32
      %parallel_loop3A_69 = arith.index_cast %parallel_loop3A_68 : i32 to index
      %parallel_loop3A_70 = tpu.vector_load %arg8[%parallel_loop3A_69] {strides = array<i32>} : memref<10000xf32, #tpu.memory_space<vmem>>, vector<16xf32>,
      tpu.vector_store %arg8[%parallel_loop3A_69], %parallel_loop3A_66 {strides = array<i32>} : memref<10000xf32, #tpu.memory_space<vmem>>, vector<16xf32>,
    } {sc.loop_unroll_factor = 8 : i64, sc.parallel_access}
    "tpu.region"() ({
      %run_scoped3A = tpu.sem_alloc : memref<!tpu.dma_semaphore, #tpu.memory_space<semaphore_mem>>
      %dma_start3A_64 = arith.constant 0 : i32
      %dma_start3A_65 = tpu.memref_slice %arg4[%select_n3A, %dma_start3A_64] : memref<8x10000xi32, #tpu.memory_space<hbm>> -> memref<1x10000xi32, #tpu.memory_space<hbm>>
      %dma_start3A_66 = tpu.memref_squeeze %dma_start3A_65 : memref<1x10000xi32, #tpu.memory_space<hbm>> -> memref<10000xi32, #tpu.memory_space<hbm>>
      %dma_start3A_67 = arith.constant 0 : i32
      %dma_start3A_68 = tpu.memref_slice %arg4[%select_n3A, %dma_start3A_67] : memref<8x10000xi32, #tpu.memory_space<hbm>> -> memref<1x10000xi32, #tpu.memory_space<hbm>>
      %dma_start3A_69 = tpu.memref_squeeze %dma_start3A_68 : memref<1x10000xi32, #tpu.memory_space<hbm>> -> memref<10000xi32, #tpu.memory_space<hbm>>
      tpu.enqueue_dma source(%dma_start3A_69 : memref<10000xi32, #tpu.memory_space<hbm>>) target(%arg6 : memref<10000xi32, #tpu.memory_space<vmem>>) target_semaphore(%run_scoped3A : memref<!tpu.dma_semaphore, #tpu.memory_space<semaphore_mem>>)
      %dma_wait3A_70 = arith.constant 0 : i32
      %dma_wait3A_71 = tpu.memref_slice %arg4[%select_n3A, %dma_wait3A_70] : memref<8x10000xi32, #tpu.memory_space<hbm>> -> memref<1x10000xi32, #tpu.memory_space<hbm>>
      %dma_wait3A_72 = tpu.memref_squeeze %dma_wait3A_71 : memref<1x10000xi32, #tpu.memory_space<hbm>> -> memref<10000xi32, #tpu.memory_space<hbm>>
      %dma_wait3A_73 = arith.constant 0 : i32
      %dma_wait3A_74 = tpu.memref_slice %arg4[%select_n3A, %dma_wait3A_73] : memref<8x10000xi32, #tpu.memory_space<hbm>> -> memref<1x10000xi32, #tpu.memory_space<hbm>>
      %dma_wait3A_75 = tpu.memref_squeeze %dma_wait3A_74 : memref<1x10000xi32, #tpu.memory_space<hbm>> -> memref<10000xi32, #tpu.memory_space<hbm>>
      tpu.wait_dma2 semaphore(%run_scoped3A : memref<!tpu.dma_semaphore, #tpu.memory_space<semaphore_mem>>) src(%dma_wait3A_75 : memref<10000xi32, #tpu.memory_space<hbm>>) dst(%arg6 : memref<10000xi32, #tpu.memory_space<vmem>>)
      tpu.yield
    }) : () -> ()
    %mul3A_36 = arith.constant 80000 : i32
    %mul3A_37 = arith.muli %select_n3A_30, %mul3A_36 : i32
    %add3A_38 = arith.constant 0 : i32
    %add3A_39 = arith.addi %mul3A_37, %add3A_38 : i32
    %dma_start3A = arith.constant 0 : i32
    %dma_start3A_40 = tpu.memref_slice %arg2[%dma_start3A, %add3A_39] : memref<2x320000xi32, #tpu.memory_space<hbm>> -> memref<2x3200xi32, #tpu.memory_space<hbm>>
    %dma_start3A_41 = arith.constant 0 : i32
    %dma_start3A_42 = tpu.memref_slice %arg2[%dma_start3A_41, %add3A_39] : memref<2x320000xi32, #tpu.memory_space<hbm>> -> memref<2x3200xi32, #tpu.memory_space<hbm>>
    tpu.enqueue_dma source(%dma_start3A_42 : memref<2x3200xi32, #tpu.memory_space<hbm>>) target(%arg9 : memref<2x3200xi32, #tpu.memory_space<vmem>>) target_semaphore(%arg11 : memref<!tpu.dma_semaphore, #tpu.memory_space<semaphore_mem>>)
    %dma_start3A_43 = tpu.memref_slice %arg3[%add3A_39] : memref<320000xf32, #tpu.memory_space<hbm>> -> memref<3200xf32, #tpu.memory_space<hbm>>
    %dma_start3A_44 = tpu.memref_slice %arg3[%add3A_39] : memref<320000xf32, #tpu.memory_space<hbm>> -> memref<3200xf32, #tpu.memory_space<hbm>>
    tpu.enqueue_dma source(%dma_start3A_44 : memref<3200xf32, #tpu.memory_space<hbm>>) target(%arg10 : memref<3200xf32, #tpu.memory_space<vmem>>) target_semaphore(%arg11 : memref<!tpu.dma_semaphore, #tpu.memory_space<semaphore_mem>>)
    %scan3A = arith.constant 0 : i32
    %scan3A_45 = arith.constant 0 : i32
    %scan3A_46 = arith.constant 12 : i32
    %scan3A_47 = arith.addi %scan3A_45, %scan3A_46 : i32
    %scan3A_48 = arith.constant 1 : i32
    scf.for %scan3A_64 = %scan3A_45 to %scan3A_47 step %scan3A_48  : i32 {
      %mul3A_65 = arith.constant 2 : i32
      %mul3A_66 = arith.muli %mul3A_65, %scan3A_64 : i32
      %add3A_67 = arith.constant 1 : i32
      %add3A_68 = arith.addi %mul3A_66, %add3A_67 : i32
      %mul3A_69 = arith.constant 80000 : i32
      %mul3A_70 = arith.muli %select_n3A_30, %mul3A_69 : i32
      %mul3A_71 = arith.constant 3200 : i32
      %mul3A_72 = arith.muli %add3A_68, %mul3A_71 : i32
      %add3A_73 = arith.addi %mul3A_70, %mul3A_72 : i32
      %dma_start3A_74 = arith.constant 0 : i32
      %dma_start3A_75 = tpu.memref_slice %arg2[%dma_start3A_74, %add3A_73] : memref<2x320000xi32, #tpu.memory_space<hbm>> -> memref<2x3200xi32, #tpu.memory_space<hbm>>
      %dma_start3A_76 = arith.constant 0 : i32
      %dma_start3A_77 = tpu.memref_slice %arg2[%dma_start3A_76, %add3A_73] : memref<2x320000xi32, #tpu.memory_space<hbm>> -> memref<2x3200xi32, #tpu.memory_space<hbm>>
      tpu.enqueue_dma source(%dma_start3A_77 : memref<2x3200xi32, #tpu.memory_space<hbm>>) target(%arg12 : memref<2x3200xi32, #tpu.memory_space<vmem>>) target_semaphore(%arg14 : memref<!tpu.dma_semaphore, #tpu.memory_space<semaphore_mem>>)
      %dma_start3A_78 = tpu.memref_slice %arg3[%add3A_73] : memref<320000xf32, #tpu.memory_space<hbm>> -> memref<3200xf32, #tpu.memory_space<hbm>>
      %dma_start3A_79 = tpu.memref_slice %arg3[%add3A_73] : memref<320000xf32, #tpu.memory_space<hbm>> -> memref<3200xf32, #tpu.memory_space<hbm>>
      tpu.enqueue_dma source(%dma_start3A_79 : memref<3200xf32, #tpu.memory_space<hbm>>) target(%arg13 : memref<3200xf32, #tpu.memory_space<vmem>>) target_semaphore(%arg14 : memref<!tpu.dma_semaphore, #tpu.memory_space<semaphore_mem>>)
      %dma_wait3A_80 = arith.constant 0 : i32
      %dma_wait3A_81 = arith.constant 0 : i32
      %dma_wait3A_82 = tpu.memref_slice %arg2[%dma_wait3A_80, %dma_wait3A_81] : memref<2x320000xi32, #tpu.memory_space<hbm>> -> memref<2x3200xi32, #tpu.memory_space<hbm>>
      %dma_wait3A_83 = arith.constant 0 : i32
      %dma_wait3A_84 = arith.constant 0 : i32
      %dma_wait3A_85 = tpu.memref_slice %arg2[%dma_wait3A_83, %dma_wait3A_84] : memref<2x320000xi32, #tpu.memory_space<hbm>> -> memref<2x3200xi32, #tpu.memory_space<hbm>>
      tpu.wait_dma2 semaphore(%arg11 : memref<!tpu.dma_semaphore, #tpu.memory_space<semaphore_mem>>) src(%dma_wait3A_85 : memref<2x3200xi32, #tpu.memory_space<hbm>>) dst(%arg9 : memref<2x3200xi32, #tpu.memory_space<vmem>>)
      %dma_wait3A_86 = arith.constant 0 : i32
      %dma_wait3A_87 = tpu.memref_slice %arg3[%dma_wait3A_86] : memref<320000xf32, #tpu.memory_space<hbm>> -> memref<3200xf32, #tpu.memory_space<hbm>>
      %dma_wait3A_88 = arith.constant 0 : i32
      %dma_wait3A_89 = tpu.memref_slice %arg3[%dma_wait3A_88] : memref<320000xf32, #tpu.memory_space<hbm>> -> memref<3200xf32, #tpu.memory_space<hbm>>
      tpu.wait_dma2 semaphore(%arg11 : memref<!tpu.dma_semaphore, #tpu.memory_space<semaphore_mem>>) src(%dma_wait3A_89 : memref<3200xf32, #tpu.memory_space<hbm>>) dst(%arg10 : memref<3200xf32, #tpu.memory_space<vmem>>)
      %parallel_loop3A_90 = arith.constant 0 : i32
      %parallel_loop3A_91 = arith.constant 200 : i32
      %parallel_loop3A_92 = arith.constant 1 : i32
      scf.for %parallel_loop3A_113 = %parallel_loop3A_90 to %parallel_loop3A_91 step %parallel_loop3A_92  : i32 {
        %parallel_loop3A_114 = arith.constant 16 : i32
        %parallel_loop3A_115 = arith.muli %parallel_loop3A_113, %parallel_loop3A_114 : i32
        %parallel_loop3A_116 = arith.constant 0 : i32
        %parallel_loop3A_117 = arith.index_cast %parallel_loop3A_116 : i32 to index
        %parallel_loop3A_118 = arith.index_cast %parallel_loop3A_115 : i32 to index
        %parallel_loop3A_119 = tpu.vector_load %arg9[%parallel_loop3A_117, %parallel_loop3A_118] {strides = array<i32>} : memref<2x3200xi32, #tpu.memory_space<vmem>>, vector<16xi32>,
        %parallel_loop3A_120 = arith.constant 16 : i32
        %parallel_loop3A_121 = arith.muli %parallel_loop3A_113, %parallel_loop3A_120 : i32
        %parallel_loop3A_122 = arith.constant 1 : i32
        %parallel_loop3A_123 = arith.index_cast %parallel_loop3A_122 : i32 to index
        %parallel_loop3A_124 = arith.index_cast %parallel_loop3A_121 : i32 to index
        %parallel_loop3A_125 = tpu.vector_load %arg9[%parallel_loop3A_123, %parallel_loop3A_124] {strides = array<i32>} : memref<2x3200xi32, #tpu.memory_space<vmem>>, vector<16xi32>,
        %parallel_loop3A_126 = arith.constant 16 : i32
        %parallel_loop3A_127 = arith.muli %parallel_loop3A_113, %parallel_loop3A_126 : i32
        %parallel_loop3A_128 = arith.index_cast %parallel_loop3A_127 : i32 to index
        %parallel_loop3A_129 = tpu.vector_load %arg10[%parallel_loop3A_128] {strides = array<i32>} : memref<3200xf32, #tpu.memory_space<vmem>>, vector<16xf32>,
        %parallel_loop3A_130 = tpu.vector_load_idx %arg6[%parallel_loop3A_119] : memref<10000xi32, #tpu.memory_space<vmem>>[vector<16xi32>], vector<16xi32>,
        %parallel_loop3A_131 = arith.constant 16 : i32
        %parallel_loop3A_132 = vector.broadcast %parallel_loop3A_131 : i32 to vector<16xi32>
        %parallel_loop3A_133 = arith.shli %parallel_loop3A_130, %parallel_loop3A_132 : vector<16xi32>
        %parallel_loop3A_134 = vector.bitcast %parallel_loop3A_133 : vector<16xi32> to vector<16xf32>
        %parallel_loop3A_135 = arith.constant -65536 : i32
        %parallel_loop3A_136 = vector.broadcast %parallel_loop3A_135 : i32 to vector<16xi32>
        %parallel_loop3A_137 = arith.andi %parallel_loop3A_130, %parallel_loop3A_136 : vector<16xi32>
        %parallel_loop3A_138 = vector.bitcast %parallel_loop3A_137 : vector<16xi32> to vector<16xf32>
        %parallel_loop3A_139 = arith.mulf %parallel_loop3A_134, %parallel_loop3A_129 : vector<16xf32>
        tpu.vector_store_idx %arg7[%parallel_loop3A_125], %parallel_loop3A_139 {add = true} : memref<10000xf32, #tpu.memory_space<vmem>>[vector<16xi32>], vector<16xf32>,
        %parallel_loop3A_140 = arith.mulf %parallel_loop3A_138, %parallel_loop3A_129 : vector<16xf32>
        tpu.vector_store_idx %arg8[%parallel_loop3A_125], %parallel_loop3A_140 {add = true} : memref<10000xf32, #tpu.memory_space<vmem>>[vector<16xi32>], vector<16xf32>,
      } {sc.loop_unroll_factor = 4 : i64, sc.parallel_access}
      %add3A_93 = arith.constant 2 : i32
      %add3A_94 = arith.addi %mul3A_66, %add3A_93 : i32
      %lt3A_95 = arith.constant 25 : i32
      %lt3A_96 = arith.cmpi slt, %add3A_94, %lt3A_95 : i32
      %convert_element_type3A = arith.extui %lt3A_96 : i1 to i32
      %cond3A = arith.constant 0 : i32
      %cond3A_97 = arith.cmpi ne, %convert_element_type3A, %cond3A : i32
      scf.if %cond3A_97 {
        %add3A_113 = arith.constant 2 : i32
        %add3A_114 = arith.addi %mul3A_66, %add3A_113 : i32
        %mul3A_115 = arith.constant 80000 : i32
        %mul3A_116 = arith.muli %select_n3A_30, %mul3A_115 : i32
        %mul3A_117 = arith.constant 3200 : i32
        %mul3A_118 = arith.muli %add3A_114, %mul3A_117 : i32
        %add3A_119 = arith.addi %mul3A_116, %mul3A_118 : i32
        %dma_start3A_120 = arith.constant 0 : i32
        %dma_start3A_121 = tpu.memref_slice %arg2[%dma_start3A_120, %add3A_119] : memref<2x320000xi32, #tpu.memory_space<hbm>> -> memref<2x3200xi32, #tpu.memory_space<hbm>>
        %dma_start3A_122 = arith.constant 0 : i32
        %dma_start3A_123 = tpu.memref_slice %arg2[%dma_start3A_122, %add3A_119] : memref<2x320000xi32, #tpu.memory_space<hbm>> -> memref<2x3200xi32, #tpu.memory_space<hbm>>
        tpu.enqueue_dma source(%dma_start3A_123 : memref<2x3200xi32, #tpu.memory_space<hbm>>) target(%arg9 : memref<2x3200xi32, #tpu.memory_space<vmem>>) target_semaphore(%arg11 : memref<!tpu.dma_semaphore, #tpu.memory_space<semaphore_mem>>)
        %dma_start3A_124 = tpu.memref_slice %arg3[%add3A_119] : memref<320000xf32, #tpu.memory_space<hbm>> -> memref<3200xf32, #tpu.memory_space<hbm>>
        %dma_start3A_125 = tpu.memref_slice %arg3[%add3A_119] : memref<320000xf32, #tpu.memory_space<hbm>> -> memref<3200xf32, #tpu.memory_space<hbm>>
        tpu.enqueue_dma source(%dma_start3A_125 : memref<3200xf32, #tpu.memory_space<hbm>>) target(%arg10 : memref<3200xf32, #tpu.memory_space<vmem>>) target_semaphore(%arg11 : memref<!tpu.dma_semaphore, #tpu.memory_space<semaphore_mem>>)
      } else {
      }
      %dma_wait3A_98 = arith.constant 0 : i32
      %dma_wait3A_99 = arith.constant 0 : i32
      %dma_wait3A_100 = tpu.memref_slice %arg2[%dma_wait3A_98, %dma_wait3A_99] : memref<2x320000xi32, #tpu.memory_space<hbm>> -> memref<2x3200xi32, #tpu.memory_space<hbm>>
      %dma_wait3A_101 = arith.constant 0 : i32
      %dma_wait3A_102 = arith.constant 0 : i32
      %dma_wait3A_103 = tpu.memref_slice %arg2[%dma_wait3A_101, %dma_wait3A_102] : memref<2x320000xi32, #tpu.memory_space<hbm>> -> memref<2x3200xi32, #tpu.memory_space<hbm>>
      tpu.wait_dma2 semaphore(%arg14 : memref<!tpu.dma_semaphore, #tpu.memory_space<semaphore_mem>>) src(%dma_wait3A_103 : memref<2x3200xi32, #tpu.memory_space<hbm>>) dst(%arg12 : memref<2x3200xi32, #tpu.memory_space<vmem>>)
      %dma_wait3A_104 = arith.constant 0 : i32
      %dma_wait3A_105 = tpu.memref_slice %arg3[%dma_wait3A_104] : memref<320000xf32, #tpu.memory_space<hbm>> -> memref<3200xf32, #tpu.memory_space<hbm>>
      %dma_wait3A_106 = arith.constant 0 : i32
      %dma_wait3A_107 = tpu.memref_slice %arg3[%dma_wait3A_106] : memref<320000xf32, #tpu.memory_space<hbm>> -> memref<3200xf32, #tpu.memory_space<hbm>>
      tpu.wait_dma2 semaphore(%arg14 : memref<!tpu.dma_semaphore, #tpu.memory_space<semaphore_mem>>) src(%dma_wait3A_107 : memref<3200xf32, #tpu.memory_space<hbm>>) dst(%arg13 : memref<3200xf32, #tpu.memory_space<vmem>>)
      %add3A_108 = arith.constant 1 : i32
      %add3A_109 = arith.addi %mul3A_66, %add3A_108 : i32
      %parallel_loop3A_110 = arith.constant 0 : i32
      %parallel_loop3A_111 = arith.constant 200 : i32
      %parallel_loop3A_112 = arith.constant 1 : i32
      scf.for %parallel_loop3A_113 = %parallel_loop3A_110 to %parallel_loop3A_111 step %parallel_loop3A_112  : i32 {
        %parallel_loop3A_114 = arith.constant 16 : i32
        %parallel_loop3A_115 = arith.muli %parallel_loop3A_113, %parallel_loop3A_114 : i32
        %parallel_loop3A_116 = arith.constant 0 : i32
        %parallel_loop3A_117 = arith.index_cast %parallel_loop3A_116 : i32 to index
        %parallel_loop3A_118 = arith.index_cast %parallel_loop3A_115 : i32 to index
        %parallel_loop3A_119 = tpu.vector_load %arg12[%parallel_loop3A_117, %parallel_loop3A_118] {strides = array<i32>} : memref<2x3200xi32, #tpu.memory_space<vmem>>, vector<16xi32>,
        %parallel_loop3A_120 = arith.constant 16 : i32
        %parallel_loop3A_121 = arith.muli %parallel_loop3A_113, %parallel_loop3A_120 : i32
        %parallel_loop3A_122 = arith.constant 1 : i32
        %parallel_loop3A_123 = arith.index_cast %parallel_loop3A_122 : i32 to index
        %parallel_loop3A_124 = arith.index_cast %parallel_loop3A_121 : i32 to index
        %parallel_loop3A_125 = tpu.vector_load %arg12[%parallel_loop3A_123, %parallel_loop3A_124] {strides = array<i32>} : memref<2x3200xi32, #tpu.memory_space<vmem>>, vector<16xi32>,
        %parallel_loop3A_126 = arith.constant 16 : i32
        %parallel_loop3A_127 = arith.muli %parallel_loop3A_113, %parallel_loop3A_126 : i32
        %parallel_loop3A_128 = arith.index_cast %parallel_loop3A_127 : i32 to index
        %parallel_loop3A_129 = tpu.vector_load %arg13[%parallel_loop3A_128] {strides = array<i32>} : memref<3200xf32, #tpu.memory_space<vmem>>, vector<16xf32>,
        %parallel_loop3A_130 = tpu.vector_load_idx %arg6[%parallel_loop3A_119] : memref<10000xi32, #tpu.memory_space<vmem>>[vector<16xi32>], vector<16xi32>,
        %parallel_loop3A_131 = arith.constant 16 : i32
        %parallel_loop3A_132 = vector.broadcast %parallel_loop3A_131 : i32 to vector<16xi32>
        %parallel_loop3A_133 = arith.shli %parallel_loop3A_130, %parallel_loop3A_132 : vector<16xi32>
        %parallel_loop3A_134 = vector.bitcast %parallel_loop3A_133 : vector<16xi32> to vector<16xf32>
        %parallel_loop3A_135 = arith.constant -65536 : i32
        %parallel_loop3A_136 = vector.broadcast %parallel_loop3A_135 : i32 to vector<16xi32>
        %parallel_loop3A_137 = arith.andi %parallel_loop3A_130, %parallel_loop3A_136 : vector<16xi32>
        %parallel_loop3A_138 = vector.bitcast %parallel_loop3A_137 : vector<16xi32> to vector<16xf32>
        %parallel_loop3A_139 = arith.mulf %parallel_loop3A_134, %parallel_loop3A_129 : vector<16xf32>
        tpu.vector_store_idx %arg7[%parallel_loop3A_125], %parallel_loop3A_139 {add = true} : memref<10000xf32, #tpu.memory_space<vmem>>[vector<16xi32>], vector<16xf32>,
        %parallel_loop3A_140 = arith.mulf %parallel_loop3A_138, %parallel_loop3A_129 : vector<16xf32>
        tpu.vector_store_idx %arg8[%parallel_loop3A_125], %parallel_loop3A_140 {add = true} : memref<10000xf32, #tpu.memory_space<vmem>>[vector<16xi32>], vector<16xf32>,
      } {sc.loop_unroll_factor = 4 : i64, sc.parallel_access}
    }
    %scan3A_49 = arith.constant 12 : i32
    %dma_wait3A = arith.constant 0 : i32
    %dma_wait3A_50 = arith.constant 0 : i32
    %dma_wait3A_51 = tpu.memref_slice %arg2[%dma_wait3A, %dma_wait3A_50] : memref<2x320000xi32, #tpu.memory_space<hbm>> -> memref<2x3200xi32, #tpu.memory_space<hbm>>
    %dma_wait3A_52 = arith.constant 0 : i32
    %dma_wait3A_53 = arith.constant 0 : i32
    %dma_wait3A_54 = tpu.memref_slice %arg2[%dma_wait3A_52, %dma_wait3A_53] : memref<2x320000xi32, #tpu.memory_space<hbm>> -> memref<2x3200xi32, #tpu.memory_space<hbm>>
    tpu.wait_dma2 semaphore(%arg11 : memref<!tpu.dma_semaphore, #tpu.memory_space<semaphore_mem>>) src(%dma_wait3A_54 : memref<2x3200xi32, #tpu.memory_space<hbm>>) dst(%arg9 : memref<2x3200xi32, #tpu.memory_space<vmem>>)
    %dma_wait3A_55 = arith.constant 0 : i32
    %dma_wait3A_56 = tpu.memref_slice %arg3[%dma_wait3A_55] : memref<320000xf32, #tpu.memory_space<hbm>> -> memref<3200xf32, #tpu.memory_space<hbm>>
    %dma_wait3A_57 = arith.constant 0 : i32
    %dma_wait3A_58 = tpu.memref_slice %arg3[%dma_wait3A_57] : memref<320000xf32, #tpu.memory_space<hbm>> -> memref<3200xf32, #tpu.memory_space<hbm>>
    tpu.wait_dma2 semaphore(%arg11 : memref<!tpu.dma_semaphore, #tpu.memory_space<semaphore_mem>>) src(%dma_wait3A_58 : memref<3200xf32, #tpu.memory_space<hbm>>) dst(%arg10 : memref<3200xf32, #tpu.memory_space<vmem>>)
    %parallel_loop3A_59 = arith.constant 0 : i32
    %parallel_loop3A_60 = arith.constant 200 : i32
    %parallel_loop3A_61 = arith.constant 1 : i32
    scf.for %parallel_loop3A_64 = %parallel_loop3A_59 to %parallel_loop3A_60 step %parallel_loop3A_61  : i32 {
      %parallel_loop3A_65 = arith.constant 16 : i32
      %parallel_loop3A_66 = arith.muli %parallel_loop3A_64, %parallel_loop3A_65 : i32
      %parallel_loop3A_67 = arith.constant 0 : i32
      %parallel_loop3A_68 = arith.index_cast %parallel_loop3A_67 : i32 to index
      %parallel_loop3A_69 = arith.index_cast %parallel_loop3A_66 : i32 to index
      %parallel_loop3A_70 = tpu.vector_load %arg9[%parallel_loop3A_68, %parallel_loop3A_69] {strides = array<i32>} : memref<2x3200xi32, #tpu.memory_space<vmem>>, vector<16xi32>,
      %parallel_loop3A_71 = arith.constant 16 : i32
      %parallel_loop3A_72 = arith.muli %parallel_loop3A_64, %parallel_loop3A_71 : i32
      %parallel_loop3A_73 = arith.constant 1 : i32
      %parallel_loop3A_74 = arith.index_cast %parallel_loop3A_73 : i32 to index
      %parallel_loop3A_75 = arith.index_cast %parallel_loop3A_72 : i32 to index
      %parallel_loop3A_76 = tpu.vector_load %arg9[%parallel_loop3A_74, %parallel_loop3A_75] {strides = array<i32>} : memref<2x3200xi32, #tpu.memory_space<vmem>>, vector<16xi32>,
      %parallel_loop3A_77 = arith.constant 16 : i32
      %parallel_loop3A_78 = arith.muli %parallel_loop3A_64, %parallel_loop3A_77 : i32
      %parallel_loop3A_79 = arith.index_cast %parallel_loop3A_78 : i32 to index
      %parallel_loop3A_80 = tpu.vector_load %arg10[%parallel_loop3A_79] {strides = array<i32>} : memref<3200xf32, #tpu.memory_space<vmem>>, vector<16xf32>,
      %parallel_loop3A_81 = tpu.vector_load_idx %arg6[%parallel_loop3A_70] : memref<10000xi32, #tpu.memory_space<vmem>>[vector<16xi32>], vector<16xi32>,
      %parallel_loop3A_82 = arith.constant 16 : i32
      %parallel_loop3A_83 = vector.broadcast %parallel_loop3A_82 : i32 to vector<16xi32>
      %parallel_loop3A_84 = arith.shli %parallel_loop3A_81, %parallel_loop3A_83 : vector<16xi32>
      %parallel_loop3A_85 = vector.bitcast %parallel_loop3A_84 : vector<16xi32> to vector<16xf32>
      %parallel_loop3A_86 = arith.constant -65536 : i32
      %parallel_loop3A_87 = vector.broadcast %parallel_loop3A_86 : i32 to vector<16xi32>
      %parallel_loop3A_88 = arith.andi %parallel_loop3A_81, %parallel_loop3A_87 : vector<16xi32>
      %parallel_loop3A_89 = vector.bitcast %parallel_loop3A_88 : vector<16xi32> to vector<16xf32>
      %parallel_loop3A_90 = arith.mulf %parallel_loop3A_85, %parallel_loop3A_80 : vector<16xf32>
      tpu.vector_store_idx %arg7[%parallel_loop3A_76], %parallel_loop3A_90 {add = true} : memref<10000xf32, #tpu.memory_space<vmem>>[vector<16xi32>], vector<16xf32>,
      %parallel_loop3A_91 = arith.mulf %parallel_loop3A_89, %parallel_loop3A_80 : vector<16xf32>
      tpu.vector_store_idx %arg8[%parallel_loop3A_76], %parallel_loop3A_91 {add = true} : memref<10000xf32, #tpu.memory_space<vmem>>[vector<16xi32>], vector<16xf32>,
    } {sc.loop_unroll_factor = 4 : i64, sc.parallel_access}
    "tpu.region"() ({
      %run_scoped3A = tpu.sem_alloc : memref<!tpu.dma_semaphore, #tpu.memory_space<semaphore_mem>>
      %dma_start3A_64 = arith.constant 0 : i32
      %dma_start3A_65 = tpu.memref_slice %arg5[%select_n3A_30, %select_n3A, %dma_start3A_64] : memref<4x16x10000xf32, #tpu.memory_space<hbm>> -> memref<1x1x10000xf32, #tpu.memory_space<hbm>>
      %dma_start3A_66 = tpu.memref_squeeze %dma_start3A_65 : memref<1x1x10000xf32, #tpu.memory_space<hbm>> -> memref<10000xf32, #tpu.memory_space<hbm>>
      %dma_start3A_67 = arith.constant 0 : i32
      %dma_start3A_68 = tpu.memref_slice %arg5[%select_n3A_30, %select_n3A, %dma_start3A_67] : memref<4x16x10000xf32, #tpu.memory_space<hbm>> -> memref<1x1x10000xf32, #tpu.memory_space<hbm>>
      %dma_start3A_69 = tpu.memref_squeeze %dma_start3A_68 : memref<1x1x10000xf32, #tpu.memory_space<hbm>> -> memref<10000xf32, #tpu.memory_space<hbm>>
      tpu.enqueue_dma source(%arg7 : memref<10000xf32, #tpu.memory_space<vmem>>) target(%dma_start3A_69 : memref<10000xf32, #tpu.memory_space<hbm>>) target_semaphore(%run_scoped3A : memref<!tpu.dma_semaphore, #tpu.memory_space<semaphore_mem>>)
      %dma_wait3A_70 = arith.constant 0 : i32
      %dma_wait3A_71 = tpu.memref_slice %arg5[%select_n3A_30, %select_n3A, %dma_wait3A_70] : memref<4x16x10000xf32, #tpu.memory_space<hbm>> -> memref<1x1x10000xf32, #tpu.memory_space<hbm>>
      %dma_wait3A_72 = tpu.memref_squeeze %dma_wait3A_71 : memref<1x1x10000xf32, #tpu.memory_space<hbm>> -> memref<10000xf32, #tpu.memory_space<hbm>>
      %dma_wait3A_73 = arith.constant 0 : i32
      %dma_wait3A_74 = tpu.memref_slice %arg5[%select_n3A_30, %select_n3A, %dma_wait3A_73] : memref<4x16x10000xf32, #tpu.memory_space<hbm>> -> memref<1x1x10000xf32, #tpu.memory_space<hbm>>
      %dma_wait3A_75 = tpu.memref_squeeze %dma_wait3A_74 : memref<1x1x10000xf32, #tpu.memory_space<hbm>> -> memref<10000xf32, #tpu.memory_space<hbm>>
      tpu.wait_dma2 semaphore(%run_scoped3A : memref<!tpu.dma_semaphore, #tpu.memory_space<semaphore_mem>>) src(%arg7 : memref<10000xf32, #tpu.memory_space<vmem>>) dst(%dma_wait3A_75 : memref<10000xf32, #tpu.memory_space<hbm>>)
      tpu.yield
    }) : () -> ()
    %add3A_62 = arith.constant 8 : i32
    %add3A_63 = arith.addi %select_n3A, %add3A_62 : i32
    "tpu.region"() ({
      %run_scoped3A = tpu.sem_alloc : memref<!tpu.dma_semaphore, #tpu.memory_space<semaphore_mem>>
      %dma_start3A_64 = arith.constant 0 : i32
      %dma_start3A_65 = tpu.memref_slice %arg5[%select_n3A_30, %add3A_63, %dma_start3A_64] : memref<4x16x10000xf32, #tpu.memory_space<hbm>> -> memref<1x1x10000xf32, #tpu.memory_space<hbm>>
      %dma_start3A_66 = tpu.memref_squeeze %dma_start3A_65 : memref<1x1x10000xf32, #tpu.memory_space<hbm>> -> memref<10000xf32, #tpu.memory_space<hbm>>
      %dma_start3A_67 = arith.constant 0 : i32
      %dma_start3A_68 = tpu.memref_slice %arg5[%select_n3A_30, %add3A_63, %dma_start3A_67] : memref<4x16x10000xf32, #tpu.memory_space<hbm>> -> memref<1x1x10000xf32, #tpu.memory_space<hbm>>
      %dma_start3A_69 = tpu.memref_squeeze %dma_start3A_68 : memref<1x1x10000xf32, #tpu.memory_space<hbm>> -> memref<10000xf32, #tpu.memory_space<hbm>>
      tpu.enqueue_dma source(%arg8 : memref<10000xf32, #tpu.memory_space<vmem>>) target(%dma_start3A_69 : memref<10000xf32, #tpu.memory_space<hbm>>) target_semaphore(%run_scoped3A : memref<!tpu.dma_semaphore, #tpu.memory_space<semaphore_mem>>)
      %dma_wait3A_70 = arith.constant 0 : i32
      %dma_wait3A_71 = tpu.memref_slice %arg5[%select_n3A_30, %add3A_63, %dma_wait3A_70] : memref<4x16x10000xf32, #tpu.memory_space<hbm>> -> memref<1x1x10000xf32, #tpu.memory_space<hbm>>
      %dma_wait3A_72 = tpu.memref_squeeze %dma_wait3A_71 : memref<1x1x10000xf32, #tpu.memory_space<hbm>> -> memref<10000xf32, #tpu.memory_space<hbm>>
      %dma_wait3A_73 = arith.constant 0 : i32
      %dma_wait3A_74 = tpu.memref_slice %arg5[%select_n3A_30, %add3A_63, %dma_wait3A_73] : memref<4x16x10000xf32, #tpu.memory_space<hbm>> -> memref<1x1x10000xf32, #tpu.memory_space<hbm>>
      %dma_wait3A_75 = tpu.memref_squeeze %dma_wait3A_74 : memref<1x1x10000xf32, #tpu.memory_space<hbm>> -> memref<10000xf32, #tpu.memory_space<hbm>>
      tpu.wait_dma2 semaphore(%run_scoped3A : memref<!tpu.dma_semaphore, #tpu.memory_space<semaphore_mem>>) src(%arg8 : memref<10000xf32, #tpu.memory_space<vmem>>) dst(%dma_wait3A_75 : memref<10000xf32, #tpu.memory_space<hbm>>)
      tpu.yield
    }) : () -> ()
    return
  }
}

module attributes {stable_mosaic.version = 14 : i64} {
  func.func @_tc2_body(%arg0: memref<4x16x10000xf32, #tpu.memory_space<vmem>>, %arg1: memref<16x10000xf32, #tpu.memory_space<vmem>>, %arg2: memref<1x10000xf32, #tpu.memory_space<vmem>>, %arg3: memref<1x10000xf32, #tpu.memory_space<vmem>>, %arg4: memref<16x40xf32, #tpu.memory_space<vmem>>, %arg5: memref<16x1xf32, #tpu.memory_space<vmem>>, %arg6: memref<10000x16xf32, #tpu.memory_space<vmem>>, %arg7: memref<40x10000xf32, #tpu.memory_space<vmem>>, %arg8: memref<40x10000xf32, #tpu.memory_space<vmem>>) attributes {dimension_semantics = [], scalar_prefetch = 0 : i64, scratch_operands = 0 : i64, tpu.core_type = #tpu.core_type<tc>} {
    %get3A = arith.constant 0 : index
    %get3A_0 = arith.constant 0 : index
    %get3A_1 = vector.load %arg2[%get3A, %get3A_0] : memref<1x10000xf32, #tpu.memory_space<vmem>>, vector<1x10000xf32>
    %get3A_2 = arith.constant 0 : index
    %get3A_3 = arith.constant 0 : index
    %get3A_4 = arith.constant 0 : index
    %get3A_5 = vector.load %arg0[%get3A_2, %get3A_3, %get3A_4] : memref<4x16x10000xf32, #tpu.memory_space<vmem>>, vector<1x16x10000xf32>
    %get3A_6 = vector.shape_cast %get3A_5 : vector<1x16x10000xf32> to vector<16x10000xf32>
    %get3A_7 = arith.constant 1 : index
    %get3A_8 = arith.constant 0 : index
    %get3A_9 = arith.constant 0 : index
    %get3A_10 = vector.load %arg0[%get3A_7, %get3A_8, %get3A_9] : memref<4x16x10000xf32, #tpu.memory_space<vmem>>, vector<1x16x10000xf32>
    %get3A_11 = vector.shape_cast %get3A_10 : vector<1x16x10000xf32> to vector<16x10000xf32>
    %add3A = arith.addf %get3A_6, %get3A_11 : vector<16x10000xf32>
    %get3A_12 = arith.constant 2 : index
    %get3A_13 = arith.constant 0 : index
    %get3A_14 = arith.constant 0 : index
    %get3A_15 = vector.load %arg0[%get3A_12, %get3A_13, %get3A_14] : memref<4x16x10000xf32, #tpu.memory_space<vmem>>, vector<1x16x10000xf32>
    %get3A_16 = vector.shape_cast %get3A_15 : vector<1x16x10000xf32> to vector<16x10000xf32>
    %add3A_17 = arith.addf %add3A, %get3A_16 : vector<16x10000xf32>
    %get3A_18 = arith.constant 3 : index
    %get3A_19 = arith.constant 0 : index
    %get3A_20 = arith.constant 0 : index
    %get3A_21 = vector.load %arg0[%get3A_18, %get3A_19, %get3A_20] : memref<4x16x10000xf32, #tpu.memory_space<vmem>>, vector<1x16x10000xf32>
    %get3A_22 = vector.shape_cast %get3A_21 : vector<1x16x10000xf32> to vector<16x10000xf32>
    %add3A_23 = arith.addf %add3A_17, %get3A_22 : vector<16x10000xf32>
    %mul3A = vector.broadcast %get3A_1 : vector<1x10000xf32> to vector<16x10000xf32>
    %mul3A_24 = arith.mulf %mul3A, %add3A_23 : vector<16x10000xf32>
    %get3A_25 = arith.constant 0 : index
    %get3A_26 = arith.constant 0 : index
    %get3A_27 = vector.load %arg1[%get3A_25, %get3A_26] : memref<16x10000xf32, #tpu.memory_space<vmem>>, vector<16x10000xf32>
    %add3A_28 = arith.addf %mul3A_24, %get3A_27 : vector<16x10000xf32>
    %get3A_29 = arith.constant 0 : index
    %get3A_30 = arith.constant 0 : index
    %get3A_31 = vector.load %arg5[%get3A_29, %get3A_30] : memref<16x1xf32, #tpu.memory_space<vmem>>, vector<16x1xf32>
    %add3A_32 = vector.broadcast %get3A_31 : vector<16x1xf32> to vector<16x10000xf32>
    %add3A_33 = arith.addf %add3A_28, %add3A_32 : vector<16x10000xf32>
    %max3A = arith.constant 0.000000e+00 : f32
    %max3A_34 = vector.broadcast %max3A : f32 to vector<16x10000xf32>
    %max3A_35 = arith.maximumf %add3A_33, %max3A_34 : vector<16x10000xf32>
    %get3A_36 = arith.constant 0 : index
    %get3A_37 = arith.constant 0 : index
    %get3A_38 = vector.load %arg4[%get3A_36, %get3A_37] : memref<16x40xf32, #tpu.memory_space<vmem>>, vector<16x40xf32>
    %dot_general3A = arith.constant dense<0.000000e+00> : vector<40x10000xf32>
    %dot_general3A_39 = tpu.matmul %get3A_38, %max3A_35, %dot_general3A {dimension_numbers = #tpu.dot_dimension_numbers<[0], [0], [1], [1], [0, 1, 1, 1], [], []>, transpose_lhs_hint = false} : vector<16x40xf32>, vector<16x10000xf32>, vector<40x10000xf32> -> vector<40x10000xf32>
    %transpose3A = tpu.transpose %max3A_35, [1, 0] : vector<16x10000xf32> -> vector<10000x16xf32>
    %swap3A = arith.constant 0 : index
    %swap3A_40 = arith.constant 0 : index
    %swap3A_41 = vector.load %arg6[%swap3A, %swap3A_40] : memref<10000x16xf32, #tpu.memory_space<vmem>>, vector<10000x16xf32>
    tpu.vector_store %arg6[%swap3A, %swap3A_40], %transpose3A {strides = array<i32>} : memref<10000x16xf32, #tpu.memory_space<vmem>>, vector<10000x16xf32>,
    %mul3A_42 = vector.broadcast %get3A_1 : vector<1x10000xf32> to vector<40x10000xf32>
    %mul3A_43 = arith.mulf %dot_general3A_39, %mul3A_42 : vector<40x10000xf32>
    %swap3A_44 = arith.constant 0 : index
    %swap3A_45 = arith.constant 0 : index
    %swap3A_46 = vector.load %arg7[%swap3A_44, %swap3A_45] : memref<40x10000xf32, #tpu.memory_space<vmem>>, vector<40x10000xf32>
    tpu.vector_store %arg7[%swap3A_44, %swap3A_45], %mul3A_43 {strides = array<i32>} : memref<40x10000xf32, #tpu.memory_space<vmem>>, vector<40x10000xf32>,
    %get3A_47 = arith.constant 0 : index
    %get3A_48 = arith.constant 0 : index
    %get3A_49 = vector.load %arg3[%get3A_47, %get3A_48] : memref<1x10000xf32, #tpu.memory_space<vmem>>, vector<1x10000xf32>
    %mul3A_50 = vector.broadcast %get3A_49 : vector<1x10000xf32> to vector<40x10000xf32>
    %mul3A_51 = arith.mulf %dot_general3A_39, %mul3A_50 : vector<40x10000xf32>
    %swap3A_52 = arith.constant 0 : index
    %swap3A_53 = arith.constant 0 : index
    %swap3A_54 = vector.load %arg8[%swap3A_52, %swap3A_53] : memref<40x10000xf32, #tpu.memory_space<vmem>>, vector<40x10000xf32>
    tpu.vector_store %arg8[%swap3A_52, %swap3A_53], %mul3A_51 {strides = array<i32>} : memref<40x10000xf32, #tpu.memory_space<vmem>>, vector<40x10000xf32>,
    return
  }
}

module attributes {stable_mosaic.version = 14 : i64} {
  func.func @_tc1_body(%arg0: memref<10000x128xf32, #tpu.memory_space<vmem>>, %arg1: memref<128x16xf32, #tpu.memory_space<vmem>>, %arg2: memref<32x10000xf32, #tpu.memory_space<vmem>>, %arg3: memref<8x10000xi32, #tpu.memory_space<vmem>>, %arg4: memref<16x10000xf32, #tpu.memory_space<vmem>>, %arg5: memref<1x10000xf32, #tpu.memory_space<vmem>>, %arg6: memref<1x10000xf32, #tpu.memory_space<vmem>>) attributes {dimension_semantics = [], scalar_prefetch = 0 : i64, scratch_operands = 0 : i64, tpu.core_type = #tpu.core_type<tc>} {
    %get3A = arith.constant 0 : index
    %get3A_0 = arith.constant 0 : index
    %get3A_1 = vector.load %arg2[%get3A, %get3A_0] : memref<32x10000xf32, #tpu.memory_space<vmem>>, vector<32x10000xf32>
    %reduce_sum3A = arith.constant dense<0.000000e+00> : vector<10000xf32>
    %reduce_sum3A_2 = vector.multi_reduction <add>, %get3A_1, %reduce_sum3A [0] : vector<32x10000xf32> to vector<10000xf32>
    %broadcast_in_dim3A = vector.shape_cast %reduce_sum3A_2 : vector<10000xf32> to vector<1x10000xf32>
    %add3A = arith.constant 1.000000e+00 : f32
    %add3A_3 = vector.broadcast %add3A : f32 to vector<1x10000xf32>
    %add3A_4 = arith.addf %add3A_3, %broadcast_in_dim3A : vector<1x10000xf32>
    %gt3A = arith.constant 0.000000e+00 : f32
    %gt3A_5 = vector.broadcast %gt3A : f32 to vector<1x10000xf32>
    %gt3A_6 = arith.cmpf ogt, %add3A_4, %gt3A_5 : vector<1x10000xf32>
    %rsqrt3A = math.rsqrt %add3A_4 : vector<1x10000xf32>
    %jit3A = arith.constant 0.000000e+00 : f32
    %broadcast_in_dim3A_7 = vector.broadcast %jit3A : f32 to vector<1x10000xf32>
    %select_n3A = arith.select %gt3A_6, %rsqrt3A, %broadcast_in_dim3A_7 : vector<1x10000xi1>, vector<1x10000xf32>
    %gt3A_8 = arith.constant 0.000000e+00 : f32
    %gt3A_9 = vector.broadcast %gt3A_8 : f32 to vector<1x10000xf32>
    %gt3A_10 = arith.cmpf ogt, %add3A_4, %gt3A_9 : vector<1x10000xf32>
    %div3A = arith.constant 1.000000e+00 : f32
    %div3A_11 = vector.broadcast %div3A : f32 to vector<1x10000xf32>
    %div3A_12 = arith.divf %div3A_11, %add3A_4 : vector<1x10000xf32>
    %jit3A_13 = arith.constant 0.000000e+00 : f32
    %broadcast_in_dim3A_14 = vector.broadcast %jit3A_13 : f32 to vector<1x10000xf32>
    %select_n3A_15 = arith.select %gt3A_10, %div3A_12, %broadcast_in_dim3A_14 : vector<1x10000xi1>, vector<1x10000xf32>
    %get3A_16 = arith.constant 0 : index
    %get3A_17 = arith.constant 0 : index
    %get3A_18 = vector.load %arg1[%get3A_16, %get3A_17] : memref<128x16xf32, #tpu.memory_space<vmem>>, vector<128x16xf32>
    %get3A_19 = arith.constant 0 : index
    %get3A_20 = arith.constant 0 : index
    %get3A_21 = vector.load %arg0[%get3A_19, %get3A_20] : memref<10000x128xf32, #tpu.memory_space<vmem>>, vector<10000x128xf32>
    %dot_general3A = arith.constant dense<0.000000e+00> : vector<16x10000xf32>
    %dot_general3A_22 = tpu.matmul %get3A_18, %get3A_21, %dot_general3A {dimension_numbers = #tpu.dot_dimension_numbers<[0], [1], [1], [0], [0, 1, 1, 0], [], []>, transpose_lhs_hint = false} : vector<128x16xf32>, vector<10000x128xf32>, vector<16x10000xf32> -> vector<16x10000xf32>
    %mul3A = vector.broadcast %select_n3A : vector<1x10000xf32> to vector<16x10000xf32>
    %mul3A_23 = arith.mulf %dot_general3A_22, %mul3A : vector<16x10000xf32>
    %slice3A = vector.extract_strided_slice %mul3A_23 {offsets = [0, 0], sizes = [8, 10000], strides = [1, 1]} : vector<16x10000xf32> to vector<8x10000xf32>
    %convert_element_type3A = arith.truncf %slice3A : vector<8x10000xf32> to vector<8x10000xbf16>
    %bitcast_convert_type3A = tpu.bitcast %convert_element_type3A : vector<8x10000xbf16> -> vector<8x10000xi16>
    %convert_element_type3A_24 = arith.extui %bitcast_convert_type3A : vector<8x10000xi16> to vector<8x10000xi32>
    %slice3A_25 = vector.extract_strided_slice %mul3A_23 {offsets = [8, 0], sizes = [8, 10000], strides = [1, 1]} : vector<16x10000xf32> to vector<8x10000xf32>
    %convert_element_type3A_26 = arith.truncf %slice3A_25 : vector<8x10000xf32> to vector<8x10000xbf16>
    %bitcast_convert_type3A_27 = tpu.bitcast %convert_element_type3A_26 : vector<8x10000xbf16> -> vector<8x10000xi16>
    %convert_element_type3A_28 = arith.extui %bitcast_convert_type3A_27 : vector<8x10000xi16> to vector<8x10000xi32>
    %shift_left3A = arith.constant 16 : i32
    %shift_left3A_29 = vector.broadcast %shift_left3A : i32 to vector<8x10000xi32>
    %shift_left3A_30 = arith.shli %convert_element_type3A_28, %shift_left3A_29 : vector<8x10000xi32>
    %or3A = arith.ori %convert_element_type3A_24, %shift_left3A_30 : vector<8x10000xi32>
    %bitcast_convert_type3A_31 = tpu.bitcast %or3A : vector<8x10000xi32> -> vector<8x10000xi32>
    %swap3A = arith.constant 0 : index
    %swap3A_32 = arith.constant 0 : index
    %swap3A_33 = vector.load %arg3[%swap3A, %swap3A_32] : memref<8x10000xi32, #tpu.memory_space<vmem>>, vector<8x10000xi32>
    tpu.vector_store %arg3[%swap3A, %swap3A_32], %bitcast_convert_type3A_31 {strides = array<i32>} : memref<8x10000xi32, #tpu.memory_space<vmem>>, vector<8x10000xi32>,
    %mul3A_34 = vector.broadcast %select_n3A_15 : vector<1x10000xf32> to vector<16x10000xf32>
    %mul3A_35 = arith.mulf %dot_general3A_22, %mul3A_34 : vector<16x10000xf32>
    %swap3A_36 = arith.constant 0 : index
    %swap3A_37 = arith.constant 0 : index
    %swap3A_38 = vector.load %arg4[%swap3A_36, %swap3A_37] : memref<16x10000xf32, #tpu.memory_space<vmem>>, vector<16x10000xf32>
    tpu.vector_store %arg4[%swap3A_36, %swap3A_37], %mul3A_35 {strides = array<i32>} : memref<16x10000xf32, #tpu.memory_space<vmem>>, vector<16x10000xf32>,
    %swap3A_39 = arith.constant 0 : index
    %swap3A_40 = arith.constant 0 : index
    %swap3A_41 = vector.load %arg5[%swap3A_39, %swap3A_40] : memref<1x10000xf32, #tpu.memory_space<vmem>>, vector<1x10000xf32>
    tpu.vector_store %arg5[%swap3A_39, %swap3A_40], %select_n3A {strides = array<i32>} : memref<1x10000xf32, #tpu.memory_space<vmem>>, vector<1x10000xf32>,
    %swap3A_42 = arith.constant 0 : index
    %swap3A_43 = arith.constant 0 : index
    %swap3A_44 = vector.load %arg6[%swap3A_42, %swap3A_43] : memref<1x10000xf32, #tpu.memory_space<vmem>>, vector<1x10000xf32>
    tpu.vector_store %arg6[%swap3A_42, %swap3A_43], %select_n3A_15 {strides = array<i32>} : memref<1x10000xf32, #tpu.memory_space<vmem>>, vector<1x10000xf32>,
    return
  }
}

module attributes {stable_mosaic.version = 14 : i64} {
  func.func @_tc3_body(%arg0: memref<4x40x10000xf32, #tpu.memory_space<vmem>>, %arg1: memref<40x10000xf32, #tpu.memory_space<vmem>>, %arg2: memref<1x10000xf32, #tpu.memory_space<vmem>>, %arg3: memref<40x1xf32, #tpu.memory_space<vmem>>, %arg4: memref<10000x40xf32, #tpu.memory_space<vmem>>) attributes {dimension_semantics = [], scalar_prefetch = 0 : i64, scratch_operands = 0 : i64, tpu.core_type = #tpu.core_type<tc>} {
    %get3A = arith.constant 0 : index
    %get3A_0 = arith.constant 0 : index
    %get3A_1 = arith.constant 0 : index
    %get3A_2 = vector.load %arg0[%get3A, %get3A_0, %get3A_1] : memref<4x40x10000xf32, #tpu.memory_space<vmem>>, vector<1x40x10000xf32>
    %get3A_3 = vector.shape_cast %get3A_2 : vector<1x40x10000xf32> to vector<40x10000xf32>
    %get3A_4 = arith.constant 1 : index
    %get3A_5 = arith.constant 0 : index
    %get3A_6 = arith.constant 0 : index
    %get3A_7 = vector.load %arg0[%get3A_4, %get3A_5, %get3A_6] : memref<4x40x10000xf32, #tpu.memory_space<vmem>>, vector<1x40x10000xf32>
    %get3A_8 = vector.shape_cast %get3A_7 : vector<1x40x10000xf32> to vector<40x10000xf32>
    %add3A = arith.addf %get3A_3, %get3A_8 : vector<40x10000xf32>
    %get3A_9 = arith.constant 2 : index
    %get3A_10 = arith.constant 0 : index
    %get3A_11 = arith.constant 0 : index
    %get3A_12 = vector.load %arg0[%get3A_9, %get3A_10, %get3A_11] : memref<4x40x10000xf32, #tpu.memory_space<vmem>>, vector<1x40x10000xf32>
    %get3A_13 = vector.shape_cast %get3A_12 : vector<1x40x10000xf32> to vector<40x10000xf32>
    %add3A_14 = arith.addf %add3A, %get3A_13 : vector<40x10000xf32>
    %get3A_15 = arith.constant 3 : index
    %get3A_16 = arith.constant 0 : index
    %get3A_17 = arith.constant 0 : index
    %get3A_18 = vector.load %arg0[%get3A_15, %get3A_16, %get3A_17] : memref<4x40x10000xf32, #tpu.memory_space<vmem>>, vector<1x40x10000xf32>
    %get3A_19 = vector.shape_cast %get3A_18 : vector<1x40x10000xf32> to vector<40x10000xf32>
    %add3A_20 = arith.addf %add3A_14, %get3A_19 : vector<40x10000xf32>
    %get3A_21 = arith.constant 0 : index
    %get3A_22 = arith.constant 0 : index
    %get3A_23 = vector.load %arg2[%get3A_21, %get3A_22] : memref<1x10000xf32, #tpu.memory_space<vmem>>, vector<1x10000xf32>
    %mul3A = vector.broadcast %get3A_23 : vector<1x10000xf32> to vector<40x10000xf32>
    %mul3A_24 = arith.mulf %mul3A, %add3A_20 : vector<40x10000xf32>
    %get3A_25 = arith.constant 0 : index
    %get3A_26 = arith.constant 0 : index
    %get3A_27 = vector.load %arg1[%get3A_25, %get3A_26] : memref<40x10000xf32, #tpu.memory_space<vmem>>, vector<40x10000xf32>
    %add3A_28 = arith.addf %mul3A_24, %get3A_27 : vector<40x10000xf32>
    %get3A_29 = arith.constant 0 : index
    %get3A_30 = arith.constant 0 : index
    %get3A_31 = vector.load %arg3[%get3A_29, %get3A_30] : memref<40x1xf32, #tpu.memory_space<vmem>>, vector<40x1xf32>
    %add3A_32 = vector.broadcast %get3A_31 : vector<40x1xf32> to vector<40x10000xf32>
    %add3A_33 = arith.addf %add3A_28, %add3A_32 : vector<40x10000xf32>
    %transpose3A = tpu.transpose %add3A_33, [1, 0] : vector<40x10000xf32> -> vector<10000x40xf32>
    %swap3A = arith.constant 0 : index
    %swap3A_34 = arith.constant 0 : index
    %swap3A_35 = vector.load %arg4[%swap3A, %swap3A_34] : memref<10000x40xf32, #tpu.memory_space<vmem>>, vector<10000x40xf32>
    tpu.vector_store %arg4[%swap3A, %swap3A_34], %transpose3A {strides = array<i32>} : memref<10000x40xf32, #tpu.memory_space<vmem>>, vector<10000x40xf32>,
    return
  }
}

</mosaic_0001>

<sc_bundles>
// kernel: kernel.11.cloned.1.call-start
scs
__scs_entry_jumppad:
0x0: {  	(pc) =	sbr.rel $0x88, $3  }
0x1: {  	(tag) =	ssettag $0x0;
	lr =	simm.s32 $0x1  }
0x2: {  	[smem:$0x3F9A] =	sst lr;
	_ =	strace $0xD0000000  }
0x3: {  	_ = 	snop  }
0x4: {  	_ = 	snop  }
0x5: {  	_ = 	snop  }
0x6: {  	_ = 	snop  }
0x7: {  	_ = 	snop  }
__scs_overlays_trampoline_lowered:
0x8: {  	[smem:$0x3FA9] =	sst s0  }
0x9: {  	[smem:$0x3FAA] =	sst s1  }
0xa: {  	[smem:$0x3FAB] =	sst s2  }
0xb: {  	[smem:$0x3FAC] =	sst s3  }
0xc: {  	[smem:$0x3FAD] =	sst s4  }
0xd: {  	[smem:$0x3FAE] =	sst s5  }
0xe: {  	[smem:$0x3FAF] =	sst s6  }
0xf: {  	[smem:$0x3FB0] =	sst s7  }
0x10: {  	[smem:$0x3FB1] =	sst s8  }
0x11: {  	[smem:$0x3FB2] =	sst s9;
	s0 =	simm.s32 @!p0 $0x0  }
0x12: {  	s1 =	sld [smem:$0x3F98];
	s0 =	simm.s32 @p0 $0x1  }
0x13: {  	[smem:$0x3FB3] =	sst s0;
	s0 =	simm.s32 @!p1 $0x0  }
0x14: {  	s2 =	sld [smem:$0x3F97];
	s0 =	simm.s32 @p1 $0x1  }
0x15: {  	[smem:$0x3FB4] =	sst s0;
	s0 =	simm.s32 @!p2 $0x0  }
0x16: {  	s3 =	sld [smem:$0x3FDB];
	s0 =	simm.s32 @p2 $0x1  }
0x17: {  	s4 =	simm.s32 $0x1BF5;
	[smem:$0x3FB6] =	sst s0  }
0x18: {  	s0 =	sld [smem:$0x3F99];
	_ =	swait.ge [sflag:s4], $0x0  }
0x19: {  	s7 =	sld [smem:$0x3F9A]  }
0x1a: {  	s8 =	sadd.s32 $0xFFFFE003, lr  }
0x1b: {  	s9 =	sadd.s32 $0xFFFFFEF7, lr;
	s5 =	simm.s32 $0xFFFFFFFF;
	p2 =	slt.u32 s8, $0xFFFFF086  }
0x1c: {  	p1 =	slt.u32 s9, $0xF7A;
	s5 =	simm.s32 @!p2 $0x0  }
0x1d: {  	s5 =	simm.s32 @p1 $0x1;
	p0 =	seq.s32 s7, s2  }
0x1e: {  	s7 =	smul.u32 @!p0 $0xF7A, s2;
	p2 =	seq.s32 @!p0 s5, $0x0  }
0x1f: {  	s9 =	smul.u32 $0xF7A, s1;
	s8 =	simm.s32 @!p0 $0x1BF5;
	p2 =	por !p2, p0  }
0x20: {  	[sflag:s8] =	ssyncset.s32 @!p0 $0xFFFFF086;
	s6 =	sadd.s32 @!p0 s3, s7;
	s7 =	simm.s32 @!p0 $0x108  }
0x21: {  	s3 =	sadd.s32 s3, s9;
	s6 =	sadd.s32 @!p0 $0x88, s6;
	s7 =	simm.s32 @p2 $0x1082  }
0x22: {  	[simem:s7], [sflag:s8] =	dma.local @!p0 [hbm:s6], $0xF7A  }
0x23: {  	s9 =	sor.u32 $0xD0000000, s2;
	s6 =	simm.s32 $0x108;
	_ =	swait.ge @!p0 [sflag:s8], $0x0  }
0x24: {  	s3 =	sadd.s32 $0x88, s3;
	s6 =	simm.s32 @!p1 $0x1082;
	[sflag:s4] =	ssyncset.s32 $0xFFFFF086  }
0x25: {  	[simem:s6], [sflag:s4] =	dma.local [hbm:s3], $0xF7A  }
0x26: {  	[smem:$0x3F9A] =	sst s1;
	(tag) =	ssettag s2;
	_ =	strace s9  }
0x27: {  	s1 =	sld [smem:$0x3FAA]  }
0x28: {  	s2 =	sld [smem:$0x3FAB]  }
0x29: {  	s4 =	sld [smem:$0x3FAD]  }
0x2a: {  	p0 =	seq.s32 s5, $0x0;
	s5 =	sld [smem:$0x3FAE]  }
0x2b: {  	s6 =	sld [smem:$0x3FAF]  }
0x2c: {  	s7 =	sld [smem:$0x3FB0]  }
0x2d: {  	s3 =	simm.s32 $0x108;
	s8 =	sld [smem:$0x3FB1]  }
0x2e: {  	s3 =	simm.s32 @!p0 $0x1082;
	s9 =	sld [smem:$0x3FB2]  }
0x2f: {  	lr =	sadd.s32 s0, s3;
	s0 =	sld [smem:$0x3FA9]  }
0x30: {  	s3 =	sld [smem:$0x3FAC]  }
0x31: {  	[smem:$0x3FB5] =	sst s10  }
0x32: {  	s10 =	sld [smem:$0x3FB3];
	_ =	sdelay $0x3  }
0x33: {  	p0 =	seq.s32 s10, $0x1;
	s10 =	sld [smem:$0x3FB5];
	_ =	sdelay $0x3  }
0x34: {  	[smem:$0x3FB5] =	sst s10  }
0x35: {  	s10 =	sld [smem:$0x3FB4];
	_ =	sdelay $0x3  }
0x36: {  	p1 =	seq.s32 s10, $0x1;
	s10 =	sld [smem:$0x3FB5];
	_ =	sdelay $0x3  }
0x37: {  	[smem:$0x3FB5] =	sst s10  }
0x38: {  	s10 =	sld [smem:$0x3FB6]  }
0x39: {  	_ = 	snop;
	(pc) =	sbr.ind lr, $3  }
0x3a: {  	_ = 	snop  }
0x3b: {  	_ = 	snop  }
0x3c: {  	p2 =	seq.s32 s10, $0x1;
	s10 =	sld [smem:$0x3FB5]  }
0x3d: {  	_ =	shalt  }
0x3e: {  	_ =	shalt  }
0x3f: {  	_ =	shalt  }
0x40: {  	_ =	shalt  }
0x41: {  	_ =	shalt  }
0x42: {  	_ =	shalt  }
0x43: {  	_ =	shalt  }
0x44: {  	_ =	shalt  }
0x45: {  	_ =	shalt  }
0x46: {  	_ =	shalt  }
0x47: {  	_ =	shalt  }
0x48: {  	_ =	shalt  }
0x49: {  	_ =	shalt  }
0x4a: {  	_ =	shalt  }
0x4b: {  	_ =	shalt  }
0x4c: {  	_ =	shalt  }
0x4d: {  	_ =	shalt  }
0x4e: {  	_ =	shalt  }
0x4f: {  	_ =	shalt  }
0x50: {  	_ =	shalt  }
0x51: {  	_ =	shalt  }
0x52: {  	_ =	shalt  }
0x53: {  	_ =	shalt  }
0x54: {  	_ =	shalt  }
0x55: {  	_ =	shalt  }
0x56: {  	_ =	shalt  }
0x57: {  	_ =	shalt  }
0x58: {  	_ =	shalt  }
0x59: {  	_ =	shalt  }
0x5a: {  	_ =	shalt  }
0x5b: {  	_ =	shalt  }
0x5c: {  	_ =	shalt  }
0x5d: {  	_ =	shalt  }
0x5e: {  	_ =	shalt  }
0x5f: {  	_ =	shalt  }
0x60: {  	_ =	shalt  }
0x61: {  	_ =	shalt  }
0x62: {  	_ =	shalt  }
0x63: {  	_ =	shalt  }
0x64: {  	_ =	shalt  }
0x65: {  	_ =	shalt  }
0x66: {  	_ =	shalt  }
0x67: {  	_ =	shalt  }
0x68: {  	_ =	shalt  }
0x69: {  	_ =	shalt  }
0x6a: {  	_ =	shalt  }
0x6b: {  	_ =	shalt  }
0x6c: {  	_ =	shalt  }
0x6d: {  	_ =	shalt  }
0x6e: {  	_ =	shalt  }
0x6f: {  	_ =	shalt  }
0x70: {  	_ =	shalt  }
0x71: {  	_ =	shalt  }
0x72: {  	_ =	shalt  }
0x73: {  	_ =	shalt  }
0x74: {  	_ =	shalt  }
0x75: {  	_ =	shalt  }
0x76: {  	_ =	shalt  }
0x77: {  	_ =	shalt  }
0x78: {  	_ =	shalt  }
0x79: {  	_ =	shalt  }
0x7a: {  	_ =	shalt  }
0x7b: {  	_ =	shalt  }
0x7c: {  	_ =	shalt  }
0x7d: {  	_ =	shalt  }
0x7e: {  	_ =	shalt  }
0x7f: {  	_ =	shalt  }
0x80: {  	_ =	shalt  }
0x81: {  	_ =	shalt  }
0x82: {  	_ =	shalt  }
0x83: {  	_ =	shalt  }
0x84: {  	_ =	shalt  }
0x85: {  	_ =	shalt  }
0x86: {  	_ =	shalt  }
0x87: {  	_ =	shalt  }
.Lfunc_end0:
.L_simem_size_0:
called_computation.1_lowered:
.L_overlay_start_0:
0x88: {  	s2 =	sld [smem:$0x3FD9]  }
0x89: {  	s3 =	sld [smem:$0x3FFE];
	_ =	sdelay $0x1  }
0x8a: {  	s1 =	srdreg.scid  }
0x8b: {  	s0 =	sand.u32 $0x1, s1  }
0x8c: {  	s14 =	sshll.u32 s0, $0xA;
	s2 =	sadd.s32 s3, s2  }
0x8d: {  	s2 =	sadd.s32 s2, s14  }
0x8e: {  	[smem:$0x3FC1] =	sst s2  }
0x8f: {  	_ = 	snop  }
0x90: {  	s2 =	sld [smem:$0x3FD0];
	_ =	sdelay $0x1  }
0x91: {  	s15 =	sld [smem:$0x3FC8]  }
0x92: {  	s5 =	simm.s32 $0xA;
	s6 =	simm.s32 $0x10;
	s4 =	sld [smem:$0x3FC7]  }
0x93: {  	[smem:s6], [sflag:s5] =	dma.local [hbm:s2], $0x1  }
0x94: {  	_ =	swait.eq [sflag:s5], $0x1  }
0x95: {  	[sflag:s5] =	ssyncset.done $0x0  }
0x96: {  	[sflag:s5] =	ssyncadd.s32 $0xFFFFFFFF  }
0x97: {  	s16 =	sld [smem:$0x11];
	(tm) =	ssettm $0x1  }
0x98: {  	s17 =	sld [smem:$0x3FFB];
	_ =	sdelay $0x3  }
0x99: {  	_ =	strace s17  }
0x9a: {  	s5 =	sld [smem:$0x3FFC];
	_ =	sdelay $0x3  }
0x9b: {  	_ =	strace s5  }
0x9c: {  	s5 =	sld [smem:$0x3FFD];
	_ =	sdelay $0x3  }
0x9d: {  	_ =	strace s5  }
0x9e: {  	_ =	strace $0x8FFFFFFF  }
0x9f: {  	s18 =	sld [smem:$0x3FDB];
	_ =	sdelay $0x1  }
0xa0: {  	s19 =	simm.s32 $_scs_section_size  }
0xa1: {  	s7 =	simm.s32 $_size__tile_overlayer_lowered;
	s8 =	simm.s32 $_tile_overlayer_lowered  }
0xa2: {  	s22 =	simm.s32 $0x1BFF;
	s21 =	sshll.u32 s8, $0x1;
	s5 =	sadd.s32 s19, s18  }
0xa3: {  	s9 =	simm.s32 $0x0;
	s20 =	sshll.u32 s7, $0x1;
	s7 =	sadd.s32 s21, s5  }
0xa4: {  	[timem:s9], [sflag:s22] =	dma.local [hbm:s7], s20  }
0xa5: {  	_ =	swait.ge [sflag:s22], s20  }
0xa6: {  	s6 =	ssub.s32 $0x0, s20;
	[sflag:s22] =	ssyncset.done $0x0  }
0xa7: {  	[sflag:s22] =	ssyncadd.s32 s6;
	_ =	sdelay $0x1  }
0xa8: {  	s23 =	simm.s32 $0x1B8B  }
0xa9: {  	_ =	swait.ge [sflag:s23], $0x1  }
0xaa: {  	[sflag:s23] =	ssyncset.done $0x0  }
0xab: {  	s25 =	simm.s32 $0x1B8E;
	s24 =	sld [smem:$0x3FFE];
	[sflag:s23] =	ssyncadd.s32 $0xFFFFFFFF  }
0xac: {  	s26 =	simm.s32 $execute0_lowered;
	[smem:$0x3FD2] =	sst s25  }
0xad: {  	s7 =	sshll.u32 s26, $0x1;
	_ =	strace $0x80000049;
	[dreg:$0x1] =	wrdreg $0xFFFFFFFF  }
0xae: {  	s28 =	simm.s32 $_size_execute0_lowered;
	s5 =	sadd.s32 s5, s7;
	[dreg:$0x0] =	wrdreg $0x0  }
0xaf: {  	s7 =	sshll.u32 s28, $0x1;
	[dreg:$0x2] =	wrdreg s5  }
0xb0: {  	[dreg:$0x3] =	wrdreg s7  }
0xb1: {  	[dreg:$0x4] =	wrdreg $0xC0  }
0xb2: {  	_ =	task [dreg:s9], $0x5FFFF  }
0xb3: {  	[dreg:$0x1] =	wrdreg $0xFFFFFFFF  }
0xb4: {  	[dreg:$0x0] =	wrdreg $0x60  }
0xb5: {  	[dreg:$0x2] =	wrdreg s15  }
0xb6: {  	[dreg:$0x3] =	wrdreg s4  }
0xb7: {  	[dreg:$0x4] =	wrdreg s16  }
0xb8: {  	[dreg:$0x5] =	wrdreg s24  }
0xb9: {  	[dreg:$0x6] =	wrdreg $0x9  }
0xba: {  	_ =	task.clear_ibuf [dreg:s9], $0x7FFFF;
	_ =	strace $0x90000049  }
0xbb: {  	s29 =	simm.s32 $0x9;
	_ =	strace $0x8000004B  }
0xbc: {  	_ =	swait.ge [sflag:s29], $0x1  }
0xbd: {  	[sflag:s29] =	ssyncadd.s32 $0xFFFFFFFF  }
0xbe: {  	_ =	strace $0x9000004B  }
0xbf: {  	_ =	sfence  }
0xc0: {  	s30 =	sld [smem:$0x0];
	_ =	sdelay $0x2  }
0xc1: {  	s31 =	sshll.u32 s1, $0xD;
	s1 =	sshrl.u32 s1, $0x2  }
0xc2: {  	s3 =	sand.u32 $0x4000, s31;
	s1 =	sadd.s32 s1, s30  }
0xc3: {  	s0 =	sor.u32 s3, s0;
	s1 =	sshll.u32 s1, $0x11  }
0xc4: {  	s0 =	sor.u32 s1, s0  }
0xc5: {  	s0 =	sadd.s32 $0x8F2B, s0  }
0xc6: {  	[sflag:s0] =	ssyncadd.remote.s32 $0x1  }
0xc7: {  	_ =	sfence.sel $0xFFFF  }
0xc8: {  	[dreg:$0x0] =	wrdreg $0xFFFFFFFF;
	(pc) =	sbr.abs _section_cstart, $3  }
0xc9: {  	[dreg:$0x1] =	wrdreg $0xFFFFFFFF  }
0xca: {  	_ =	task.clear_ibuf [dreg:s9], $0x2FFFF;
	_ =	strace $0x9FFFFFFF  }
0xcb: {  	(tm) =	ssettm $0x7FFFFFFF  }
tec
execute0_lowered:
.L_overlay_start_1:
0x0: {  	(tag) =	ssettag $0x1  }
0x1: {  	s2 =	rddreg [dreg:$0x0]  }
0x2: {  	s3 =	rddreg [dreg:$0x1]  }
0x3: {  	s0 =	rddreg [dreg:$0x2]  }
0x4: {  	s5 =	rddreg [dreg:$0x3]  }
0x5: {  	s1 =	stileid.u32;
	s6 =	srdreg.scid  }
0x6: {  	s4 =	simm.s32 $0x0;
	s14 =	simm.s32 $0x400;
	s15 =	simm.s32 $0x3  }
0x7: {  	s16 =	simm.s32 $0x7680;
	s17 =	simm.s32 $0x8F80;
	s18 =	simm.s32 $0x9C00  }
0x8: {  	s19 =	simm.s32 $0xB500;
	s20 =	simm.s32 $0x1;
	s21 =	simm.s32 $0x2780  }
0x9: {  	s22 =	simm.s32 $0x4F00;
	s7 =	sshll.u32 s1, $0x1;
	s6 =	sand.u32 $0x1, s6  }
0xa: {  	[smem:$0x7FF] =	sst s4;
	s11 =	sadd.s32 $0x2A00, s5;
	s7 =	sand.u32 $0x2, s7  }
0xb: {  	s24 =	sshrl.u32 s1, $0x1;
	_ =	strace $0x8000004A;
	s7 =	sor.u32 s6, s7  }
0xc: {  	s13 =	sshll.u32 s24, $0x7;
	s5 =	sshll.u32 s24, $0x4;
	s9 =	smul.u32 $0x13880, s7  }
0xd: {  	s24 =	simm.s32 $0x0;
	s6 =	ssub.s32 $0x2, s6;
	s8 =	smul.u32 $0x4E20, s7  }
0xe: {  	s0 =	sadd.s32 s0, s5;
	s23 =	sshrl.u32 s6, $0x1;
	s10 =	smul.u32 $0x27800, s7  }
0xf: {  	s7 =	smul.u32 $0x2710, s7;
	[dreg:$0x5] =	wrdreg s0;
	s12 =	ssub.s32 s6, s23  }
0x10: {  	s23 =	simm.s32 $0x2;
	s25 =	sadd.s32 s2, s8;
	s26 =	sor.u32 s13, s10  }
0x11: {  	s28 =	sadd.s32 s3, s7;
	s31 =	smax.u32 s12, $0x1;
	[dreg:$0x6] =	wrdreg s25  }
0x12: {  	[dreg:$0x7] =	wrdreg s28;
	s10 =	sadd.s32 $0x13C00, s26;
	s0 =	sshrl.u32 s26, $0x3  }
0x13: {  	[dreg:$0xa] =	wrdreg s31;
	s29 =	sshrl.u32 s10, $0x3;
	s0 =	sadd.s32 s11, s0  }
0x14: {  	s8 =	sadd.s32 $0xC80, s9;
	[dreg:$0x8] =	wrdreg s0;
	s30 =	sadd.s32 s11, s29  }
0x15: {  	v0 =	vimm.f32 $0.0e+00;
	s9 =	sadd.s32 $0x1900, s9;
	s13 =	simm.s32 $0x80;
	[dreg:$0x9] =	wrdreg s30  }
.LBB2_1:
0x16: {  	s0 =	simm.s32 $0x27C0  }
0x17: {  	[tilespmem:s0+$0xFFFFFFC0] =	vst v0  }
0x18: {  	[tilespmem:s0+$0x30] =	vst v0  }
0x19: {  	[tilespmem:s0+$0x20] =	vst v0  }
0x1a: {  	[tilespmem:s0+$0x10] =	vst v0  }
0x1b: {  	[tilespmem:s0+$0x0] =	vst v0  }
0x1c: {  	[tilespmem:s0+$0xFFFFFFF0] =	vst v0  }
0x1d: {  	s25 =	simm.s32 $0x0;
	[tilespmem:s0+$0xFFFFFFE0] =	vst v0  }
.LBB2_2:
0x1e: {  	s25 =	sadd.s32 $0x8, s25;
	[tilespmem:s0+$0xFFFFFFD0] =	vst v0;
	s0 =	sadd.s32 $0x80, s0  }
0x1f: {  	[tilespmem:s0+$0xFFFFFFC0] =	vst v0;
	p0 =	slt.u32 s25, $0x268  }
0x20: {  	[tilespmem:s0+$0x30] =	vst v0  }
.Ltmp0:
0x21: {  	[tilespmem:s0+$0x20] =	vst v0;
	(pc) =	sbr.rel @p0 .LBB2_2-.Ltmp0, $4  }
0x22: {  	[tilespmem:s0+$0x10] =	vst v0  }
0x23: {  	[tilespmem:s0+$0x0] =	vst v0  }
0x24: {  	[tilespmem:s0+$0xFFFFFFF0] =	vst v0  }
0x25: {  	[tilespmem:s0+$0xFFFFFFE0] =	vst v0  }
0x26: {  	[tilespmem:s0+$0xFFFFFFD0] =	vst v0  }
0x27: {  	s0 =	simm.s32 $0x4F40;
	[tilespmem:$0x4E80] =	vst v0  }
0x28: {  	[tilespmem:s0+$0xFFFFFFC0] =	vst v0  }
0x29: {  	[tilespmem:s0+$0x30] =	vst v0  }
0x2a: {  	[tilespmem:s0+$0x20] =	vst v0  }
0x2b: {  	[tilespmem:s0+$0x10] =	vst v0  }
0x2c: {  	[tilespmem:s0+$0x0] =	vst v0  }
0x2d: {  	[tilespmem:s0+$0xFFFFFFF0] =	vst v0  }
0x2e: {  	s25 =	simm.s32 $0x0;
	[tilespmem:s0+$0xFFFFFFE0] =	vst v0  }
.LBB2_4:
0x2f: {  	s25 =	sadd.s32 $0x8, s25;
	[tilespmem:s0+$0xFFFFFFD0] =	vst v0;
	s0 =	sadd.s32 $0x80, s0  }
0x30: {  	[tilespmem:s0+$0xFFFFFFC0] =	vst v0;
	p0 =	slt.u32 s25, $0x268  }
0x31: {  	[tilespmem:s0+$0x30] =	vst v0  }
.Ltmp1:
0x32: {  	[tilespmem:s0+$0x20] =	vst v0;
	(pc) =	sbr.rel @p0 .LBB2_4-.Ltmp1, $4  }
0x33: {  	[tilespmem:s0+$0x10] =	vst v0  }
0x34: {  	[tilespmem:s0+$0x0] =	vst v0  }
0x35: {  	[tilespmem:s0+$0xFFFFFFF0] =	vst v0  }
0x36: {  	[tilespmem:s0+$0xFFFFFFE0] =	vst v0  }
0x37: {  	[tilespmem:s0+$0xFFFFFFD0] =	vst v0  }
0x38: {  	s25 =	simm.s32 $0x0;
	[tilespmem:$0x7600] =	vst v0;
	s0 =	rddreg [dreg:$0x5]  }
0x39: {  	[tilespmem:s25], [sflag:$0x3] =	stream.strided.gather [hbm4b:s0+s13], $0x2780, s14, s13, $0x38;
	[tilespmem:$0xC180] =	vst v63  }
0x3a: {  	_ =	swait.ge [sflag:s15], $0x2780  }
0x3b: {  	[sflag:s15] =	ssyncset.done $0x0  }
0x3c: {  	s30 =	rddreg [dreg:$0x6];
	[sflag:s15] =	ssyncadd.s32 $0xFFFFD880  }
0x3d: {  	[tilespmem:s16], [sflag:$0x1] =	stream.linear.gather [hbm4b:s30+s25], $0x1900, $0x38;
	[tilespmem:$0xC180] =	vst v63  }
0x3e: {  	s26 =	simm.s32 $0x0;
	s31 =	rddreg [dreg:$0x7]  }
0x3f: {  	[tilespmem:s17], [sflag:$0x1] =	stream.linear.gather [hbm4b:s31+s25], $0xC80, $0x38;
	[tilespmem:$0xC180] =	vst v63  }
.LBB2_6:
0x40: {  	s28 =	smul.u32 $0x1900, s26;
	_ =	sdelay $0x1  }
0x41: {  	s0 =	sadd.s32 s28, s8  }
0x42: {  	s29 =	sshrl.u32 s0, $0x2  }
0x43: {  	s0 =	sshrl.u32 s0, $0x3;
	s29 =	sadd.s32 s2, s29  }
0x44: {  	[tilespmem:s18], [sflag:$0x2] =	stream.linear.gather [hbm4b:s29+s25], $0x1900, $0x38;
	[tilespmem:$0xC180] =	vst v63  }
0x45: {  	s0 =	sadd.s32 s3, s0  }
0x46: {  	[tilespmem:s19], [sflag:$0x2] =	stream.linear.gather [hbm4b:s0+s25], $0xC80, $0x38;
	[tilespmem:$0xC180] =	vst v63  }
0x47: {  	_ =	swait.ge [sflag:s20], $0x1900  }
0x48: {  	[sflag:s20] =	ssyncset.done $0x0  }
0x49: {  	[sflag:s20] =	ssyncadd.s32 $0xFFFFE700  }
0x4a: {  	s7 =	sand.u32 $0x40, s25;
	s29 =	sand.u32 $0x1F00, s25;
	_ =	swait.ge [sflag:s20], $0xC80  }
0x4b: {  	s30 =	sor.u32 $0x30, s7;
	s29 =	sadd.s32 $0x7680, s29;
	[sflag:s20] =	ssyncset.done $0x0  }
0x4c: {  	s31 =	sor.u32 s30, s29;
	[sflag:s20] =	ssyncadd.s32 $0xFFFFF380  }
0x4d: {  	s1 =	simm.s32 $0x8F80;
	v2 =	vld [tilespmem:s31+$0x0]  }
0x4e: {  	s10 =	sor.u32 $0x10, s7;
	s5 =	sor.u32 s7, s29;
	v1 =	vld [tilespmem:s1+$0x0]  }
0x4f: {  	s6 =	sor.u32 s10, s29;
	s0 =	sor.u32 $0x20, s7;
	v5 =	vld [tilespmem:s5+$0x0]  }
0x50: {  	s29 =	sor.u32 s0, s29;
	v6 =	vld [tilespmem:s6+$0x0]  }
0x51: {  	v7 =	vld [tilespmem:s29+$0x0]  }
0x52: {  	v4 =	vld [tilespmem:s5+$0x80]  }
0x53: {  	s11 =	sand.u32 $0xF80, s25;
	v3 =	vld [tilespmem:s6+$0x80]  }
0x54: {  	s5 =	sadd.s32 $0x8F80, s11;
	v12 =	vld [tilespmem:s31+$0x80]  }
0x55: {  	s12 =	sor.u32 s30, s5;
	v8 =	vld.idx.msk [tilespmem:v2+s4+$0x0], $0xffff  }
0x56: {  	v9 =	vld [tilespmem:s12+$0x0]  }
0x57: {  	v2 =	vld [tilespmem:s29+$0x80]  }
0x58: {  	v10 =	vld.idx.msk [tilespmem:v5+s4+$0x0], $0xffff  }
0x59: {  	v13 =	vld.idx.msk [tilespmem:v6+s4+$0x0], $0xffff  }
0x5a: {  	s1 =	sor.u32 s10, s5;
	v6 =	vld.idx.msk [tilespmem:v7+s4+$0x0], $0xffff;
	v5 =	vshll.u32 v8, $0x10  }
0x5b: {  	s0 =	sor.u32 s0, s5;
	v7 =	vld [tilespmem:s1+$0x0];
	v8 =	vand.u32 $0xFFFF0000, v8;
	v14 =	vmul.f32 v5, v9  }
0x5c: {  	v5 =	vld [tilespmem:s0+$0x0];
	v15 =	vmul.f32 v8, v9  }
0x5d: {  	s31 =	simm.s32 $0x0;
	v11 =	vand.u32 $0xFFFF0000, v10;
	v8 =	vshll.u32 v10, $0x10;
	[tilespmem:v12+s21+$0x0] =	vst.idx.add.f32.msk $0xffff, v14  }
0x5e: {  	s30 =	simm.s32 $0x8FC0;
	s29 =	simm.s32 $0x0;
	v10 =	vshll.u32 v13, $0x10;
	s0 =	simm.s32 $0x0;
	v9 =	vmul.f32 v8, v1;
	v8 =	vand.u32 $0xFFFF0000, v13;
	[tilespmem:v12+s22+$0x0] =	vst.idx.add.f32.msk $0xffff, v15  }
.LBB2_7:
0x5f: {  	v11 =	vmul.f32 v11, v1;
	v1 =	vld [tilespmem:s30+$0x0];
	v12 =	vshll.u32 v6, $0x10;
	v6 =	vand.u32 $0xFFFF0000, v6  }
0x60: {  	s31 =	sadd.s32 $0x80, s31;
	s0 =	sadd.s32 $0x40, s0;
	[tilespmem:v4+s21+$0x0] =	vst.idx.add.f32.msk $0xffff, v9;
	v9 =	vmul.f32 v10, v7;
	v7 =	vmul.f32 v8, v7  }
0x61: {  	s1 =	sand.u32 $0x40, s0;
	s5 =	sand.u32 $0x1F00, s31;
	v8 =	vmul.f32 v12, v5;
	v10 =	vmul.f32 v6, v5;
	[tilespmem:v4+s22+$0x0] =	vst.idx.add.f32.msk $0xffff, v11  }
0x62: {  	s29 =	sadd.s32 $0x4, s29;
	s5 =	sadd.s32 $0x7680, s5;
	s6 =	sor.u32 $0x30, s1;
	[tilespmem:v3+s21+$0x0] =	vst.idx.add.f32.msk $0xffff, v9  }
0x63: {  	p0 =	slt.u32 s29, $0xC4;
	s7 =	sor.u32 $0x10, s1;
	s10 =	sor.u32 s6, s5;
	[tilespmem:v3+s22+$0x0] =	vst.idx.add.f32.msk $0xffff, v7  }
0x64: {  	s11 =	sor.u32 s1, s5;
	s12 =	sor.u32 s7, s5;
	s1 =	sor.u32 $0x20, s1;
	v5 =	vld [tilespmem:s10+$0x0]  }
0x65: {  	s5 =	sor.u32 s1, s5;
	v6 =	vld [tilespmem:s11+$0x0]  }
0x66: {  	v7 =	vld [tilespmem:s12+$0x0]  }
0x67: {  	v9 =	vld [tilespmem:s5+$0x0]  }
0x68: {  	v4 =	vld [tilespmem:s11+$0x80]  }
0x69: {  	v3 =	vld [tilespmem:s12+$0x80]  }
0x6a: {  	v11 =	vld [tilespmem:s5+$0x80]  }
0x6b: {  	s5 =	sand.u32 $0xF80, s0;
	[tilespmem:v2+s21+$0x0] =	vst.idx.add.f32.msk $0xffff, v8  }
0x6c: {  	s5 =	sadd.s32 $0x8F80, s5;
	v8 =	vld.idx.msk [tilespmem:v5+s4+$0x0], $0xffff  }
0x6d: {  	s7 =	sor.u32 s7, s5;
	s1 =	sor.u32 s1, s5;
	s5 =	sor.u32 s6, s5;
	v12 =	vld [tilespmem:s10+$0x80]  }
0x6e: {  	v13 =	vld [tilespmem:s5+$0x0]  }
0x6f: {  	v14 =	vld.idx.msk [tilespmem:v6+s4+$0x0], $0xffff  }
0x70: {  	v15 =	vld.idx.msk [tilespmem:v7+s4+$0x0], $0xffff  }
0x71: {  	v6 =	vld.idx.msk [tilespmem:v9+s4+$0x0], $0xffff  }
.Ltmp2:
0x72: {  	v9 =	vshll.u32 v8, $0x10;
	v7 =	vld [tilespmem:s7+$0x0];
	(pc) =	sbr.rel @p0 .LBB2_7-.Ltmp2, $4  }
0x73: {  	v8 =	vand.u32 $0xFFFF0000, v8;
	v5 =	vld [tilespmem:s1+$0x0];
	v9 =	vmul.f32 v9, v13  }
0x74: {  	v13 =	vmul.f32 v8, v13;
	[tilespmem:v2+s22+$0x0] =	vst.idx.add.f32.msk $0xffff, v10;
	v2 =	vmov v11  }
0x75: {  	v8 =	vshll.u32 v14, $0x10;
	v11 =	vand.u32 $0xFFFF0000, v14;
	[tilespmem:v12+s21+$0x0] =	vst.idx.add.f32.msk $0xffff, v9  }
0x76: {  	s30 =	sadd.s32 $0x40, s30;
	v9 =	vmul.f32 v8, v1;
	v10 =	vshll.u32 v15, $0x10;
	v8 =	vand.u32 $0xFFFF0000, v15;
	[tilespmem:v12+s22+$0x0] =	vst.idx.add.f32.msk $0xffff, v13  }
0x77: {  	_ =	sdelay $0x2  }
0x78: {  	v1 =	vmul.f32 v11, v1  }
0x79: {  	[tilespmem:v4+s21+$0x0] =	vst.idx.add.f32.msk $0xffff, v9;
	v9 =	vmul.f32 v10, v7  }
0x7a: {  	v10 =	vshll.u32 v6, $0x10;
	v7 =	vmul.f32 v8, v7;
	[tilespmem:v4+s22+$0x0] =	vst.idx.add.f32.msk $0xffff, v1  }
0x7b: {  	v1 =	vand.u32 $0xFFFF0000, v6;
	v4 =	vmul.f32 v10, v5;
	[tilespmem:v3+s21+$0x0] =	vst.idx.add.f32.msk $0xffff, v9  }
0x7c: {  	s0 =	sadd.s32 s28, s9;
	v1 =	vmul.f32 v1, v5;
	[tilespmem:v3+s22+$0x0] =	vst.idx.add.f32.msk $0xffff, v7  }
0x7d: {  	s1 =	sshrl.u32 s0, $0x2;
	[tilespmem:v2+s21+$0x0] =	vst.idx.add.f32.msk $0xffff, v4  }
0x7e: {  	s28 =	simm.s32 $0x0;
	s0 =	sshrl.u32 s0, $0x3;
	s1 =	sadd.s32 s2, s1;
	[tilespmem:v2+s22+$0x0] =	vst.idx.add.f32.msk $0xffff, v1  }
0x7f: {  	[tilespmem:s16], [sflag:$0x1] =	stream.linear.gather [hbm4b:s1+s28], $0x1900, $0x38;
	[tilespmem:$0xC180] =	vst v63  }
0x80: {  	s0 =	sadd.s32 s3, s0  }
0x81: {  	[tilespmem:s17], [sflag:$0x1] =	stream.linear.gather [hbm4b:s0+s28], $0xC80, $0x38;
	[tilespmem:$0xC180] =	vst v63  }
0x82: {  	_ =	swait.ge [sflag:s23], $0x1900  }
0x83: {  	[sflag:s23] =	ssyncset.done $0x0  }
0x84: {  	[sflag:s23] =	ssyncadd.s32 $0xFFFFE700  }
0x85: {  	s12 =	sand.u32 $0x1F00, s28;
	s0 =	sand.u32 $0x40, s28;
	_ =	swait.ge [sflag:s23], $0xC80  }
0x86: {  	s1 =	sadd.s32 $0x9C00, s12;
	s5 =	sor.u32 $0x30, s0;
	[sflag:s23] =	ssyncset.done $0x0  }
0x87: {  	s6 =	sor.u32 s5, s1;
	[sflag:s23] =	ssyncadd.s32 $0xFFFFF380  }
0x88: {  	s7 =	simm.s32 $0xB500;
	v2 =	vld [tilespmem:s6+$0x0]  }
0x89: {  	s31 =	sor.u32 $0x10, s0;
	s10 =	sor.u32 s0, s1;
	v1 =	vld [tilespmem:s7+$0x0]  }
0x8a: {  	s0 =	sor.u32 $0x20, s0;
	s11 =	sor.u32 s31, s1;
	v5 =	vld [tilespmem:s10+$0x0]  }
0x8b: {  	s1 =	sor.u32 s0, s1;
	v6 =	vld [tilespmem:s11+$0x0]  }
0x8c: {  	v7 =	vld [tilespmem:s1+$0x0]  }
0x8d: {  	v4 =	vld [tilespmem:s10+$0x80]  }
0x8e: {  	s12 =	sand.u32 $0xF80, s28;
	v3 =	vld [tilespmem:s11+$0x80]  }
0x8f: {  	s10 =	sadd.s32 $0xB500, s12;
	v12 =	vld [tilespmem:s6+$0x80]  }
0x90: {  	s5 =	sor.u32 s5, s10;
	v8 =	vld.idx.msk [tilespmem:v2+s4+$0x0], $0xffff  }
0x91: {  	v9 =	vld [tilespmem:s5+$0x0]  }
0x92: {  	v2 =	vld [tilespmem:s1+$0x80]  }
0x93: {  	v10 =	vld.idx.msk [tilespmem:v5+s4+$0x0], $0xffff  }
0x94: {  	v13 =	vld.idx.msk [tilespmem:v6+s4+$0x0], $0xffff  }
0x95: {  	s31 =	sor.u32 s31, s10;
	v6 =	vld.idx.msk [tilespmem:v7+s4+$0x0], $0xffff;
	v5 =	vshll.u32 v8, $0x10  }
0x96: {  	s0 =	sor.u32 s0, s10;
	v7 =	vld [tilespmem:s31+$0x0];
	v8 =	vand.u32 $0xFFFF0000, v8;
	v11 =	vmul.f32 v5, v9  }
0x97: {  	v5 =	vld [tilespmem:s0+$0x0];
	v14 =	vmul.f32 v8, v9  }
0x98: {  	v8 =	vshll.u32 v10, $0x10;
	v9 =	vand.u32 $0xFFFF0000, v10;
	[tilespmem:v12+s21+$0x0] =	vst.idx.add.f32.msk $0xffff, v11  }
0x99: {  	s29 =	simm.s32 $0x0;
	s30 =	simm.s32 $0xB540;
	s0 =	simm.s32 $0x0;
	v10 =	vmul.f32 v8, v1;
	v8 =	vand.u32 $0xFFFF0000, v13;
	v11 =	vshll.u32 v13, $0x10;
	[tilespmem:v12+s22+$0x0] =	vst.idx.add.f32.msk $0xffff, v14  }
.LBB2_9:
0x9a: {  	v9 =	vmul.f32 v9, v1;
	v1 =	vld [tilespmem:s30+$0x0];
	v12 =	vshll.u32 v6, $0x10;
	v6 =	vand.u32 $0xFFFF0000, v6  }
0x9b: {  	s28 =	sadd.s32 $0x80, s28;
	s0 =	sadd.s32 $0x40, s0;
	[tilespmem:v4+s21+$0x0] =	vst.idx.add.f32.msk $0xffff, v10;
	v10 =	vmul.f32 v11, v7;
	v7 =	vmul.f32 v8, v7  }
0x9c: {  	s1 =	sand.u32 $0x40, s0;
	s5 =	sand.u32 $0x1F00, s28;
	v8 =	vmul.f32 v12, v5;
	[tilespmem:v4+s22+$0x0] =	vst.idx.add.f32.msk $0xffff, v9;
	v9 =	vmul.f32 v6, v5  }
0x9d: {  	s29 =	sadd.s32 $0x4, s29;
	s5 =	sadd.s32 $0x9C00, s5;
	s6 =	sor.u32 $0x30, s1;
	[tilespmem:v3+s21+$0x0] =	vst.idx.add.f32.msk $0xffff, v10  }
0x9e: {  	p0 =	slt.u32 s29, $0xC4;
	s7 =	sor.u32 $0x10, s1;
	s10 =	sor.u32 s6, s5;
	[tilespmem:v3+s22+$0x0] =	vst.idx.add.f32.msk $0xffff, v7  }
0x9f: {  	s11 =	sor.u32 s1, s5;
	s12 =	sor.u32 s7, s5;
	s1 =	sor.u32 $0x20, s1;
	v5 =	vld [tilespmem:s10+$0x0]  }
0xa0: {  	s5 =	sor.u32 s1, s5;
	v6 =	vld [tilespmem:s11+$0x0]  }
0xa1: {  	v7 =	vld [tilespmem:s12+$0x0]  }
0xa2: {  	v10 =	vld [tilespmem:s5+$0x0]  }
0xa3: {  	v4 =	vld [tilespmem:s11+$0x80]  }
0xa4: {  	v3 =	vld [tilespmem:s12+$0x80]  }
0xa5: {  	v11 =	vld [tilespmem:s5+$0x80]  }
0xa6: {  	s5 =	sand.u32 $0xF80, s0;
	[tilespmem:v2+s21+$0x0] =	vst.idx.add.f32.msk $0xffff, v8  }
0xa7: {  	s5 =	sadd.s32 $0xB500, s5;
	v8 =	vld.idx.msk [tilespmem:v5+s4+$0x0], $0xffff  }
0xa8: {  	s7 =	sor.u32 s7, s5;
	s1 =	sor.u32 s1, s5;
	s5 =	sor.u32 s6, s5;
	v12 =	vld [tilespmem:s10+$0x80]  }
0xa9: {  	v13 =	vld [tilespmem:s5+$0x0]  }
0xaa: {  	v14 =	vld.idx.msk [tilespmem:v6+s4+$0x0], $0xffff  }
0xab: {  	v15 =	vld.idx.msk [tilespmem:v7+s4+$0x0], $0xffff  }
0xac: {  	v6 =	vld.idx.msk [tilespmem:v10+s4+$0x0], $0xffff  }
.Ltmp3:
0xad: {  	v10 =	vshll.u32 v8, $0x10;
	v7 =	vld [tilespmem:s7+$0x0];
	(pc) =	sbr.rel @p0 .LBB2_9-.Ltmp3, $4  }
0xae: {  	v8 =	vand.u32 $0xFFFF0000, v8;
	v5 =	vld [tilespmem:s1+$0x0];
	v10 =	vmul.f32 v10, v13  }
0xaf: {  	v13 =	vmul.f32 v8, v13;
	[tilespmem:v2+s22+$0x0] =	vst.idx.add.f32.msk $0xffff, v9;
	v2 =	vmov v11  }
0xb0: {  	v8 =	vshll.u32 v14, $0x10;
	v9 =	vand.u32 $0xFFFF0000, v14;
	[tilespmem:v12+s21+$0x0] =	vst.idx.add.f32.msk $0xffff, v10  }
0xb1: {  	s30 =	sadd.s32 $0x40, s30;
	v10 =	vmul.f32 v8, v1;
	v11 =	vshll.u32 v15, $0x10;
	v8 =	vand.u32 $0xFFFF0000, v15;
	[tilespmem:v12+s22+$0x0] =	vst.idx.add.f32.msk $0xffff, v13  }
0xb2: {  	_ =	sdelay $0x2  }
0xb3: {  	v1 =	vmul.f32 v9, v1;
	s26 =	sadd.s32 $0x1, s26  }
0xb4: {  	v60 =	vmul.f32 v11, v7;
	[tilespmem:v4+s21+$0x0] =	vst.idx.add.f32.msk $0xffff, v10;
	p0 =	sne.s32 s26, $0xC  }
.Ltmp4:
0xb5: {  	v61 =	vshll.u32 v6, $0x10;
	v62 =	vmul.f32 v8, v7;
	[tilespmem:v4+s22+$0x0] =	vst.idx.add.f32.msk $0xffff, v1;
	(pc) =	sbr.rel @p0 .LBB2_6-.Ltmp4, $4  }
0xb6: {  	v63 =	vmul.f32 v61, v5;
	v1 =	vand.u32 $0xFFFF0000, v6;
	[tilespmem:v3+s21+$0x0] =	vst.idx.add.f32.msk $0xffff, v60  }
0xb7: {  	v1 =	vmul.f32 v1, v5;
	[tilespmem:v3+s22+$0x0] =	vst.idx.add.f32.msk $0xffff, v62  }
0xb8: {  	[tilespmem:v2+s21+$0x0] =	vst.idx.add.f32.msk $0xffff, v63  }
0xb9: {  	[tilespmem:v2+s22+$0x0] =	vst.idx.add.f32.msk $0xffff, v1  }
0xba: {  	_ =	swait.ge [sflag:s20], $0x1900  }
0xbb: {  	[sflag:s20] =	ssyncset.done $0x0  }
0xbc: {  	s25 =	simm.s32 $0x0;
	[sflag:s20] =	ssyncadd.s32 $0xFFFFE700  }
0xbd: {  	s0 =	sand.u32 $0x40, s25;
	s1 =	sand.u32 $0x1F00, s25;
	_ =	swait.ge [sflag:s20], $0xC80  }
0xbe: {  	s1 =	sadd.s32 $0x7680, s1;
	s5 =	sor.u32 $0x30, s0;
	[sflag:s20] =	ssyncset.done $0x0  }
0xbf: {  	s6 =	sor.u32 s5, s1;
	[sflag:s20] =	ssyncadd.s32 $0xFFFFF380  }
0xc0: {  	s7 =	simm.s32 $0x8F80;
	v2 =	vld [tilespmem:s6+$0x0]  }
0xc1: {  	s29 =	sor.u32 $0x10, s0;
	s10 =	sor.u32 s0, s1;
	v1 =	vld [tilespmem:s7+$0x0]  }
0xc2: {  	s11 =	sor.u32 s29, s1;
	s0 =	sor.u32 $0x20, s0;
	v5 =	vld [tilespmem:s10+$0x0]  }
0xc3: {  	s1 =	sor.u32 s0, s1;
	v6 =	vld [tilespmem:s11+$0x0]  }
0xc4: {  	v7 =	vld [tilespmem:s1+$0x0]  }
0xc5: {  	v4 =	vld [tilespmem:s10+$0x80]  }
0xc6: {  	s30 =	sand.u32 $0xF80, s25;
	v3 =	vld [tilespmem:s11+$0x80]  }
0xc7: {  	s10 =	sadd.s32 $0x8F80, s30;
	v12 =	vld [tilespmem:s6+$0x80]  }
0xc8: {  	s5 =	sor.u32 s5, s10;
	v8 =	vld.idx.msk [tilespmem:v2+s4+$0x0], $0xffff  }
0xc9: {  	v9 =	vld [tilespmem:s5+$0x0]  }
0xca: {  	v2 =	vld [tilespmem:s1+$0x80]  }
0xcb: {  	v10 =	vld.idx.msk [tilespmem:v5+s4+$0x0], $0xffff  }
0xcc: {  	v13 =	vld.idx.msk [tilespmem:v6+s4+$0x0], $0xffff  }
0xcd: {  	s31 =	sor.u32 s29, s10;
	v6 =	vld.idx.msk [tilespmem:v7+s4+$0x0], $0xffff;
	v5 =	vshll.u32 v8, $0x10  }
0xce: {  	s0 =	sor.u32 s0, s10;
	v7 =	vld [tilespmem:s31+$0x0];
	v8 =	vand.u32 $0xFFFF0000, v8;
	v11 =	vmul.f32 v5, v9  }
0xcf: {  	v5 =	vld [tilespmem:s0+$0x0];
	v14 =	vmul.f32 v8, v9  }
0xd0: {  	v8 =	vshll.u32 v10, $0x10;
	v9 =	vand.u32 $0xFFFF0000, v10;
	[tilespmem:v12+s21+$0x0] =	vst.idx.add.f32.msk $0xffff, v11  }
0xd1: {  	s26 =	simm.s32 $0x0;
	s28 =	simm.s32 $0x8FC0;
	s0 =	simm.s32 $0x0;
	v10 =	vmul.f32 v8, v1;
	v8 =	vand.u32 $0xFFFF0000, v13;
	v11 =	vshll.u32 v13, $0x10;
	[tilespmem:v12+s22+$0x0] =	vst.idx.add.f32.msk $0xffff, v14  }
.LBB2_12:
0xd2: {  	v9 =	vmul.f32 v9, v1;
	v1 =	vld [tilespmem:s28+$0x0];
	v12 =	vshll.u32 v6, $0x10;
	v6 =	vand.u32 $0xFFFF0000, v6  }
0xd3: {  	s25 =	sadd.s32 $0x80, s25;
	s0 =	sadd.s32 $0x40, s0;
	[tilespmem:v4+s21+$0x0] =	vst.idx.add.f32.msk $0xffff, v10;
	v10 =	vmul.f32 v11, v7;
	v7 =	vmul.f32 v8, v7  }
0xd4: {  	s1 =	sand.u32 $0x40, s0;
	s5 =	sand.u32 $0x1F00, s25;
	v8 =	vmul.f32 v12, v5;
	[tilespmem:v4+s22+$0x0] =	vst.idx.add.f32.msk $0xffff, v9;
	v9 =	vmul.f32 v6, v5  }
0xd5: {  	s26 =	sadd.s32 $0x4, s26;
	s5 =	sadd.s32 $0x7680, s5;
	s6 =	sor.u32 $0x30, s1;
	[tilespmem:v3+s21+$0x0] =	vst.idx.add.f32.msk $0xffff, v10  }
0xd6: {  	p0 =	slt.u32 s26, $0xC4;
	s7 =	sor.u32 $0x10, s1;
	s10 =	sor.u32 s6, s5;
	[tilespmem:v3+s22+$0x0] =	vst.idx.add.f32.msk $0xffff, v7  }
0xd7: {  	s11 =	sor.u32 s1, s5;
	s12 =	sor.u32 s7, s5;
	s1 =	sor.u32 $0x20, s1;
	v5 =	vld [tilespmem:s10+$0x0]  }
0xd8: {  	s5 =	sor.u32 s1, s5;
	v6 =	vld [tilespmem:s11+$0x0]  }
0xd9: {  	v7 =	vld [tilespmem:s12+$0x0]  }
0xda: {  	v10 =	vld [tilespmem:s5+$0x0]  }
0xdb: {  	v4 =	vld [tilespmem:s11+$0x80]  }
0xdc: {  	v3 =	vld [tilespmem:s12+$0x80]  }
0xdd: {  	v11 =	vld [tilespmem:s5+$0x80]  }
0xde: {  	s5 =	sand.u32 $0xF80, s0;
	[tilespmem:v2+s21+$0x0] =	vst.idx.add.f32.msk $0xffff, v8  }
0xdf: {  	s5 =	sadd.s32 $0x8F80, s5;
	v8 =	vld.idx.msk [tilespmem:v5+s4+$0x0], $0xffff  }
0xe0: {  	s7 =	sor.u32 s7, s5;
	s1 =	sor.u32 s1, s5;
	s5 =	sor.u32 s6, s5;
	v12 =	vld [tilespmem:s10+$0x80]  }
0xe1: {  	v13 =	vld [tilespmem:s5+$0x0]  }
0xe2: {  	v14 =	vld.idx.msk [tilespmem:v6+s4+$0x0], $0xffff  }
0xe3: {  	v15 =	vld.idx.msk [tilespmem:v7+s4+$0x0], $0xffff  }
0xe4: {  	v6 =	vld.idx.msk [tilespmem:v10+s4+$0x0], $0xffff  }
.Ltmp5:
0xe5: {  	v10 =	vshll.u32 v8, $0x10;
	v7 =	vld [tilespmem:s7+$0x0];
	(pc) =	sbr.rel @p0 .LBB2_12-.Ltmp5, $4  }
0xe6: {  	v8 =	vand.u32 $0xFFFF0000, v8;
	v5 =	vld [tilespmem:s1+$0x0];
	v10 =	vmul.f32 v10, v13  }
0xe7: {  	v13 =	vmul.f32 v8, v13;
	[tilespmem:v2+s22+$0x0] =	vst.idx.add.f32.msk $0xffff, v9;
	v2 =	vmov v11  }
0xe8: {  	v8 =	vshll.u32 v14, $0x10;
	v9 =	vand.u32 $0xFFFF0000, v14;
	[tilespmem:v12+s21+$0x0] =	vst.idx.add.f32.msk $0xffff, v10  }
0xe9: {  	s28 =	sadd.s32 $0x40, s28;
	v10 =	vmul.f32 v8, v1;
	v11 =	vshll.u32 v15, $0x10;
	v8 =	vand.u32 $0xFFFF0000, v15;
	[tilespmem:v12+s22+$0x0] =	vst.idx.add.f32.msk $0xffff, v13  }
0xea: {  	_ =	sdelay $0x2  }
0xeb: {  	v1 =	vmul.f32 v9, v1  }
0xec: {  	v60 =	vmul.f32 v11, v7;
	[tilespmem:v4+s21+$0x0] =	vst.idx.add.f32.msk $0xffff, v10  }
0xed: {  	v61 =	vshll.u32 v6, $0x10;
	v62 =	vmul.f32 v8, v7;
	[tilespmem:v4+s22+$0x0] =	vst.idx.add.f32.msk $0xffff, v1  }
0xee: {  	v63 =	vmul.f32 v61, v5;
	v1 =	vand.u32 $0xFFFF0000, v6;
	[tilespmem:v3+s21+$0x0] =	vst.idx.add.f32.msk $0xffff, v60  }
0xef: {  	v1 =	vmul.f32 v1, v5;
	[tilespmem:v3+s22+$0x0] =	vst.idx.add.f32.msk $0xffff, v62  }
0xf0: {  	[tilespmem:v2+s21+$0x0] =	vst.idx.add.f32.msk $0xffff, v63  }
0xf1: {  	[tilespmem:v2+s22+$0x0] =	vst.idx.add.f32.msk $0xffff, v1  }
0xf2: {  	s0 =	rddreg [dreg:$0x8]  }
0xf3: {  	[hbm4b:s0+s13] =	stream.strided.scatter [tilespmem:s21], [sflag:$0x3], $0x2780, s14, s13, $0x38;
	[tilespmem:$0xC180] =	vst v63  }
0xf4: {  	_ =	swait.ge [sflag:s15], $0x2780  }
0xf5: {  	[sflag:s15] =	ssyncset.done $0x0  }
0xf6: {  	s30 =	rddreg [dreg:$0x9];
	[sflag:s15] =	ssyncadd.s32 $0xFFFFD880  }
0xf7: {  	[hbm4b:s30+s13] =	stream.strided.scatter [tilespmem:s22], [sflag:$0x3], $0x2780, s14, s13, $0x38;
	[tilespmem:$0xC180] =	vst v63  }
0xf8: {  	_ =	swait.ge [sflag:s15], $0x2780  }
0xf9: {  	s24 =	sadd.s32 $0x1, s24;
	s31 =	rddreg [dreg:$0xa]  }
0xfa: {  	p0 =	sne.s32 s24, s31  }
.Ltmp6:
0xfb: {  	_ = 	snop;
	(pc) =	sbr.rel @p0 .LBB2_1-.Ltmp6, $3  }
0xfc: {  	_ =	sdelay $0x1  }
0xfd: {  	[sflag:s15] =	ssyncset.done $0x0  }
0xfe: {  	[sflag:s15] =	ssyncadd.s32 $0xFFFFD880  }
0xff: {  	_ =	sfence.sel $0x180000  }
0x100: {  	[bflag:$0x0] =	sbarrier.arrive $0xFFFF  }
0x101: {  	_ =	strace $0x9000004A  }
0x102: {  	s0 =	stileid.u32;
	[bflag:$0x2] =	sbarrier.arrive $0xFFFF  }
0x103: {  	p0 =	sne.s32 s0, $0x0;
	s0 =	rddreg [dreg:$0x4]  }
0x104: {  	s0 =	sadd.s32 @!p0 $0x100000, s0  }
0x105: {  	[sflag:s0] =	ssyncadd.tile.s32 @!p0 $0x1;
	_ =	shalt  }
.Lfunc_end2:
_tile_overlayer_lowered:
.L_overlay_start_2:
0x106: {  	(tag) =	ssettag $0x2  }
0x107: {  	s0 =	rddreg [dreg:$0x0];
	s2 =	stileid.u32  }
0x108: {  	s1 =	rddreg [dreg:$0x1];
	p0 =	sne.s32 s2, $0x0  }
0x109: {  	s3 =	rddreg [dreg:$0x2];
	[bflag:$0x3] =	sbarrier.arrive $0xFFFF;
	s2 =	simm.s32 @!p0 $0x1C03  }
0x10a: {  	[timem:s3], [sflag:s2] =	dma.local @!p0 [hbm:s0], s1  }
0x10b: {  	s0 =	simm.s32 @!p0 $0x3  }
0x10c: {  	_ =	swait.ge @!p0 [sflag:s0], s1  }
0x10d: {  	s1 =	ssub.s32 @!p0 $0x0, s1;
	[sflag:s0] =	ssyncset.done @!p0 $0x0  }
0x10e: {  	[sflag:s0] =	ssyncadd.s32 @!p0 s1  }
0x10f: {  	[bflag:$0x3] =	sbarrier.arrive $0xFFFF  }
0x110: {  	_ =	shalt  }

// kernel: kernel.14.cloned.1.call-start
scs
__scs_entry_jumppad:
0x0: {  	(pc) =	sbr.rel $0x88, $3  }
0x1: {  	(tag) =	ssettag $0x0;
	lr =	simm.s32 $0x1  }
0x2: {  	[smem:$0x3F9A] =	sst lr;
	_ =	strace $0xD0000000  }
0x3: {  	_ = 	snop  }
0x4: {  	_ = 	snop  }
0x5: {  	_ = 	snop  }
0x6: {  	_ = 	snop  }
0x7: {  	_ = 	snop  }
__scs_overlays_trampoline_lowered:
0x8: {  	[smem:$0x3FA9] =	sst s0  }
0x9: {  	[smem:$0x3FAA] =	sst s1  }
0xa: {  	[smem:$0x3FAB] =	sst s2  }
0xb: {  	[smem:$0x3FAC] =	sst s3  }
0xc: {  	[smem:$0x3FAD] =	sst s4  }
0xd: {  	[smem:$0x3FAE] =	sst s5  }
0xe: {  	[smem:$0x3FAF] =	sst s6  }
0xf: {  	[smem:$0x3FB0] =	sst s7  }
0x10: {  	[smem:$0x3FB1] =	sst s8  }
0x11: {  	[smem:$0x3FB2] =	sst s9;
	s0 =	simm.s32 @!p0 $0x0  }
0x12: {  	s1 =	sld [smem:$0x3F98];
	s0 =	simm.s32 @p0 $0x1  }
0x13: {  	[smem:$0x3FB3] =	sst s0;
	s0 =	simm.s32 @!p1 $0x0  }
0x14: {  	s2 =	sld [smem:$0x3F97];
	s0 =	simm.s32 @p1 $0x1  }
0x15: {  	[smem:$0x3FB4] =	sst s0;
	s0 =	simm.s32 @!p2 $0x0  }
0x16: {  	s3 =	sld [smem:$0x3FDB];
	s0 =	simm.s32 @p2 $0x1  }
0x17: {  	s4 =	simm.s32 $0x1BF5;
	[smem:$0x3FB6] =	sst s0  }
0x18: {  	s0 =	sld [smem:$0x3F99];
	_ =	swait.ge [sflag:s4], $0x0  }
0x19: {  	s7 =	sld [smem:$0x3F9A]  }
0x1a: {  	s8 =	sadd.s32 $0xFFFFE003, lr  }
0x1b: {  	s9 =	sadd.s32 $0xFFFFFEF7, lr;
	s5 =	simm.s32 $0xFFFFFFFF;
	p2 =	slt.u32 s8, $0xFFFFF086  }
0x1c: {  	p1 =	slt.u32 s9, $0xF7A;
	s5 =	simm.s32 @!p2 $0x0  }
0x1d: {  	s5 =	simm.s32 @p1 $0x1;
	p0 =	seq.s32 s7, s2  }
0x1e: {  	s7 =	smul.u32 @!p0 $0xF7A, s2;
	p2 =	seq.s32 @!p0 s5, $0x0  }
0x1f: {  	s9 =	smul.u32 $0xF7A, s1;
	s8 =	simm.s32 @!p0 $0x1BF5;
	p2 =	por !p2, p0  }
0x20: {  	[sflag:s8] =	ssyncset.s32 @!p0 $0xFFFFF086;
	s6 =	sadd.s32 @!p0 s3, s7;
	s7 =	simm.s32 @!p0 $0x108  }
0x21: {  	s3 =	sadd.s32 s3, s9;
	s6 =	sadd.s32 @!p0 $0x88, s6;
	s7 =	simm.s32 @p2 $0x1082  }
0x22: {  	[simem:s7], [sflag:s8] =	dma.local @!p0 [hbm:s6], $0xF7A  }
0x23: {  	s9 =	sor.u32 $0xD0000000, s2;
	s6 =	simm.s32 $0x108;
	_ =	swait.ge @!p0 [sflag:s8], $0x0  }
0x24: {  	s3 =	sadd.s32 $0x88, s3;
	s6 =	simm.s32 @!p1 $0x1082;
	[sflag:s4] =	ssyncset.s32 $0xFFFFF086  }
0x25: {  	[simem:s6], [sflag:s4] =	dma.local [hbm:s3], $0xF7A  }
0x26: {  	[smem:$0x3F9A] =	sst s1;
	(tag) =	ssettag s2;
	_ =	strace s9  }
0x27: {  	s1 =	sld [smem:$0x3FAA]  }
0x28: {  	s2 =	sld [smem:$0x3FAB]  }
0x29: {  	s4 =	sld [smem:$0x3FAD]  }
0x2a: {  	p0 =	seq.s32 s5, $0x0;
	s5 =	sld [smem:$0x3FAE]  }
0x2b: {  	s6 =	sld [smem:$0x3FAF]  }
0x2c: {  	s7 =	sld [smem:$0x3FB0]  }
0x2d: {  	s3 =	simm.s32 $0x108;
	s8 =	sld [smem:$0x3FB1]  }
0x2e: {  	s3 =	simm.s32 @!p0 $0x1082;
	s9 =	sld [smem:$0x3FB2]  }
0x2f: {  	lr =	sadd.s32 s0, s3;
	s0 =	sld [smem:$0x3FA9]  }
0x30: {  	s3 =	sld [smem:$0x3FAC]  }
0x31: {  	[smem:$0x3FB5] =	sst s10  }
0x32: {  	s10 =	sld [smem:$0x3FB3];
	_ =	sdelay $0x3  }
0x33: {  	p0 =	seq.s32 s10, $0x1;
	s10 =	sld [smem:$0x3FB5];
	_ =	sdelay $0x3  }
0x34: {  	[smem:$0x3FB5] =	sst s10  }
0x35: {  	s10 =	sld [smem:$0x3FB4];
	_ =	sdelay $0x3  }
0x36: {  	p1 =	seq.s32 s10, $0x1;
	s10 =	sld [smem:$0x3FB5];
	_ =	sdelay $0x3  }
0x37: {  	[smem:$0x3FB5] =	sst s10  }
0x38: {  	s10 =	sld [smem:$0x3FB6]  }
0x39: {  	_ = 	snop;
	(pc) =	sbr.ind lr, $3  }
0x3a: {  	_ = 	snop  }
0x3b: {  	_ = 	snop  }
0x3c: {  	p2 =	seq.s32 s10, $0x1;
	s10 =	sld [smem:$0x3FB5]  }
0x3d: {  	_ =	shalt  }
0x3e: {  	_ =	shalt  }
0x3f: {  	_ =	shalt  }
0x40: {  	_ =	shalt  }
0x41: {  	_ =	shalt  }
0x42: {  	_ =	shalt  }
0x43: {  	_ =	shalt  }
0x44: {  	_ =	shalt  }
0x45: {  	_ =	shalt  }
0x46: {  	_ =	shalt  }
0x47: {  	_ =	shalt  }
0x48: {  	_ =	shalt  }
0x49: {  	_ =	shalt  }
0x4a: {  	_ =	shalt  }
0x4b: {  	_ =	shalt  }
0x4c: {  	_ =	shalt  }
0x4d: {  	_ =	shalt  }
0x4e: {  	_ =	shalt  }
0x4f: {  	_ =	shalt  }
0x50: {  	_ =	shalt  }
0x51: {  	_ =	shalt  }
0x52: {  	_ =	shalt  }
0x53: {  	_ =	shalt  }
0x54: {  	_ =	shalt  }
0x55: {  	_ =	shalt  }
0x56: {  	_ =	shalt  }
0x57: {  	_ =	shalt  }
0x58: {  	_ =	shalt  }
0x59: {  	_ =	shalt  }
0x5a: {  	_ =	shalt  }
0x5b: {  	_ =	shalt  }
0x5c: {  	_ =	shalt  }
0x5d: {  	_ =	shalt  }
0x5e: {  	_ =	shalt  }
0x5f: {  	_ =	shalt  }
0x60: {  	_ =	shalt  }
0x61: {  	_ =	shalt  }
0x62: {  	_ =	shalt  }
0x63: {  	_ =	shalt  }
0x64: {  	_ =	shalt  }
0x65: {  	_ =	shalt  }
0x66: {  	_ =	shalt  }
0x67: {  	_ =	shalt  }
0x68: {  	_ =	shalt  }
0x69: {  	_ =	shalt  }
0x6a: {  	_ =	shalt  }
0x6b: {  	_ =	shalt  }
0x6c: {  	_ =	shalt  }
0x6d: {  	_ =	shalt  }
0x6e: {  	_ =	shalt  }
0x6f: {  	_ =	shalt  }
0x70: {  	_ =	shalt  }
0x71: {  	_ =	shalt  }
0x72: {  	_ =	shalt  }
0x73: {  	_ =	shalt  }
0x74: {  	_ =	shalt  }
0x75: {  	_ =	shalt  }
0x76: {  	_ =	shalt  }
0x77: {  	_ =	shalt  }
0x78: {  	_ =	shalt  }
0x79: {  	_ =	shalt  }
0x7a: {  	_ =	shalt  }
0x7b: {  	_ =	shalt  }
0x7c: {  	_ =	shalt  }
0x7d: {  	_ =	shalt  }
0x7e: {  	_ =	shalt  }
0x7f: {  	_ =	shalt  }
0x80: {  	_ =	shalt  }
0x81: {  	_ =	shalt  }
0x82: {  	_ =	shalt  }
0x83: {  	_ =	shalt  }
0x84: {  	_ =	shalt  }
0x85: {  	_ =	shalt  }
0x86: {  	_ =	shalt  }
0x87: {  	_ =	shalt  }
.Lfunc_end0:
.L_simem_size_0:
called_computation.2_lowered:
.L_overlay_start_0:
0x88: {  	s2 =	sld [smem:$0x3FD9]  }
0x89: {  	s3 =	sld [smem:$0x3FFE];
	_ =	sdelay $0x1  }
0x8a: {  	s1 =	srdreg.scid  }
0x8b: {  	s0 =	sand.u32 $0x1, s1  }
0x8c: {  	s14 =	sshll.u32 s0, $0xA;
	s2 =	sadd.s32 s3, s2  }
0x8d: {  	s2 =	sadd.s32 s2, s14  }
0x8e: {  	[smem:$0x3FC1] =	sst s2  }
0x8f: {  	_ = 	snop  }
0x90: {  	s2 =	sld [smem:$0x3FD0];
	_ =	sdelay $0x1  }
0x91: {  	s15 =	sld [smem:$0x3FC8]  }
0x92: {  	s5 =	simm.s32 $0xA;
	s6 =	simm.s32 $0x10;
	s4 =	sld [smem:$0x3FC7]  }
0x93: {  	[smem:s6], [sflag:s5] =	dma.local [hbm:s2], $0x1  }
0x94: {  	_ =	swait.eq [sflag:s5], $0x1  }
0x95: {  	[sflag:s5] =	ssyncset.done $0x0  }
0x96: {  	[sflag:s5] =	ssyncadd.s32 $0xFFFFFFFF  }
0x97: {  	s16 =	sld [smem:$0x10];
	(tm) =	ssettm $0x1  }
0x98: {  	s17 =	sld [smem:$0x3FFB];
	_ =	sdelay $0x3  }
0x99: {  	_ =	strace s17  }
0x9a: {  	s5 =	sld [smem:$0x3FFC];
	_ =	sdelay $0x3  }
0x9b: {  	_ =	strace s5  }
0x9c: {  	s5 =	sld [smem:$0x3FFD];
	_ =	sdelay $0x3  }
0x9d: {  	_ =	strace s5  }
0x9e: {  	_ =	strace $0x8FFFFFFF  }
0x9f: {  	s18 =	sld [smem:$0x3FDB];
	_ =	sdelay $0x1  }
0xa0: {  	s19 =	simm.s32 $_scs_section_size  }
0xa1: {  	s7 =	simm.s32 $_size__tile_overlayer_lowered;
	s8 =	simm.s32 $_tile_overlayer_lowered  }
0xa2: {  	s22 =	simm.s32 $0x1BFF;
	s21 =	sshll.u32 s8, $0x1;
	s5 =	sadd.s32 s19, s18  }
0xa3: {  	s9 =	simm.s32 $0x0;
	s20 =	sshll.u32 s7, $0x1;
	s7 =	sadd.s32 s21, s5  }
0xa4: {  	[timem:s9], [sflag:s22] =	dma.local [hbm:s7], s20  }
0xa5: {  	_ =	swait.ge [sflag:s22], s20  }
0xa6: {  	s6 =	ssub.s32 $0x0, s20;
	[sflag:s22] =	ssyncset.done $0x0  }
0xa7: {  	[sflag:s22] =	ssyncadd.s32 s6;
	_ =	sdelay $0x1  }
0xa8: {  	s23 =	simm.s32 $0x1B8B  }
0xa9: {  	_ =	swait.ge [sflag:s23], $0x1  }
0xaa: {  	[sflag:s23] =	ssyncset.done $0x0  }
0xab: {  	s25 =	simm.s32 $0x1B8E;
	s24 =	sld [smem:$0x3FFE];
	[sflag:s23] =	ssyncadd.s32 $0xFFFFFFFF  }
0xac: {  	s26 =	simm.s32 $execute0_lowered;
	[smem:$0x3FD2] =	sst s25  }
0xad: {  	s7 =	sshll.u32 s26, $0x1;
	_ =	strace $0x8000004C;
	[dreg:$0x1] =	wrdreg $0xFFFFFFFF  }
0xae: {  	s28 =	simm.s32 $_size_execute0_lowered;
	s5 =	sadd.s32 s5, s7;
	[dreg:$0x0] =	wrdreg $0x0  }
0xaf: {  	s7 =	sshll.u32 s28, $0x1;
	[dreg:$0x2] =	wrdreg s5  }
0xb0: {  	[dreg:$0x3] =	wrdreg s7  }
0xb1: {  	[dreg:$0x4] =	wrdreg $0xC0  }
0xb2: {  	_ =	task [dreg:s9], $0x5FFFF  }
0xb3: {  	[dreg:$0x1] =	wrdreg $0xFFFFFFFF  }
0xb4: {  	[dreg:$0x0] =	wrdreg $0x60  }
0xb5: {  	[dreg:$0x2] =	wrdreg s15  }
0xb6: {  	[dreg:$0x3] =	wrdreg s4  }
0xb7: {  	[dreg:$0x4] =	wrdreg s16  }
0xb8: {  	[dreg:$0x5] =	wrdreg s24  }
0xb9: {  	[dreg:$0x6] =	wrdreg $0x9  }
0xba: {  	_ =	task.clear_ibuf [dreg:s9], $0x7FFFF;
	_ =	strace $0x9000004C  }
0xbb: {  	s29 =	simm.s32 $0x9;
	_ =	strace $0x8000004E  }
0xbc: {  	_ =	swait.ge [sflag:s29], $0x1  }
0xbd: {  	[sflag:s29] =	ssyncadd.s32 $0xFFFFFFFF  }
0xbe: {  	_ =	strace $0x9000004E  }
0xbf: {  	_ =	sfence  }
0xc0: {  	s30 =	sld [smem:$0x0];
	_ =	sdelay $0x2  }
0xc1: {  	s31 =	sshll.u32 s1, $0xD;
	s1 =	sshrl.u32 s1, $0x2  }
0xc2: {  	s3 =	sand.u32 $0x4000, s31;
	s1 =	sadd.s32 s1, s30  }
0xc3: {  	s0 =	sor.u32 s3, s0;
	s1 =	sshll.u32 s1, $0x11  }
0xc4: {  	s0 =	sor.u32 s1, s0  }
0xc5: {  	s0 =	sadd.s32 $0x8F2B, s0  }
0xc6: {  	[sflag:s0] =	ssyncadd.remote.s32 $0x1  }
0xc7: {  	_ =	sfence.sel $0xFFFF  }
0xc8: {  	[dreg:$0x0] =	wrdreg $0xFFFFFFFF;
	(pc) =	sbr.abs _section_cstart, $3  }
0xc9: {  	[dreg:$0x1] =	wrdreg $0xFFFFFFFF  }
0xca: {  	_ =	task.clear_ibuf [dreg:s9], $0x2FFFF;
	_ =	strace $0x9FFFFFFF  }
0xcb: {  	(tm) =	ssettm $0x7FFFFFFF  }
tec
execute0_lowered:
.L_overlay_start_1:
0x0: {  	(tag) =	ssettag $0x1  }
0x1: {  	s1 =	rddreg [dreg:$0x0]  }
0x2: {  	s2 =	rddreg [dreg:$0x1]  }
0x3: {  	s5 =	rddreg [dreg:$0x2]  }
0x4: {  	s0 =	rddreg [dreg:$0x3];
	s3 =	srdreg.scid  }
0x5: {  	s10 =	stileid.u32;
	s4 =	simm.s32 $0x0;
	s29 =	simm.s32 $0x1A400  }
0x6: {  	s6 =	sand.u32 $0x1, s3;
	s7 =	sshrl.u32 s10, $0x1;
	[smem:$0x7FF] =	sst s4  }
0x7: {  	s0 =	sadd.s32 $0x2A00, s0;
	s3 =	ssub.s32 $0x2, s6;
	s9 =	smul.u32 $0x5, s7  }
0x8: {  	s24 =	sshll.u32 s10, $0x1;
	s7 =	smul.u32 $0x280, s7;
	s8 =	sshrl.u32 s3, $0x1  }
0x9: {  	_ =	strace $0x8000004D;
	s3 =	ssub.s32 s3, s8;
	s25 =	sshrl.u32 s9, $0x3  }
0xa: {  	s8 =	sand.u32 $0x2, s24;
	s11 =	sadd.s32 $0x1, s9;
	s7 =	sand.u32 $0x380, s7  }
0xb: {  	s13 =	sadd.s32 $0x2, s9;
	s30 =	sadd.s32 $0x3, s9;
	s9 =	sadd.s32 $0x4, s9  }
0xc: {  	s10 =	smul.u32 $0x13C00, s25;
	s6 =	sor.u32 s6, s8;
	s26 =	sshrl.u32 s11, $0x3  }
0xd: {  	s11 =	sshll.u32 s11, $0x7;
	s14 =	sshrl.u32 s13, $0x3;
	s8 =	smul.u32 $0x13C00, s26  }
0xe: {  	s13 =	sshll.u32 s13, $0x7;
	s16 =	sshrl.u32 s30, $0x3;
	s14 =	smul.u32 $0x13C00, s14  }
0xf: {  	s17 =	sshrl.u32 s9, $0x3;
	s9 =	sshll.u32 s9, $0x7;
	s16 =	smul.u32 $0x13C00, s16  }
0x10: {  	s11 =	sand.u32 $0x380, s11;
	s15 =	sand.u32 $0x380, s13;
	s17 =	smul.u32 $0x13C00, s17  }
0x11: {  	s9 =	sand.u32 $0x380, s9;
	s19 =	smul.u32 $0x4E20, s6;
	s12 =	sor.u32 s7, s10  }
0x12: {  	s20 =	smul.u32 $0x62C00, s6;
	s12 =	sshrl.u32 s12, $0x3;
	s28 =	sor.u32 s11, s8  }
0x13: {  	s13 =	sor.u32 s15, s14;
	s31 =	sor.u32 s9, s17;
	s19 =	sadd.s32 s1, s19  }
0x14: {  	s10 =	sadd.s32 s10, s20;
	s22 =	sadd.s32 s20, s8;
	s24 =	sadd.s32 s20, s14  }
0x15: {  	s25 =	sadd.s32 s20, s16;
	s26 =	sadd.s32 s20, s17;
	s17 =	simm.s32 $0x3  }
0x16: {  	s8 =	simm.s32 $0x16380;
	s12 =	sadd.s32 s5, s12;
	s13 =	sshrl.u32 s13, $0x3  }
0x17: {  	[dreg:$0xa] =	wrdreg s19;
	s21 =	sor.u32 s7, s10;
	s7 =	sor.u32 s11, s22  }
0x18: {  	s11 =	simm.s32 $0x0;
	[dreg:$0x5] =	wrdreg s12;
	s12 =	sshrl.u32 s28, $0x3  }
0x19: {  	s13 =	sadd.s32 s5, s13;
	s23 =	sshrl.u32 s7, $0x3;
	s12 =	sadd.s32 s5, s12  }
0x1a: {  	s7 =	sor.u32 s9, s26;
	[dreg:$0x6] =	wrdreg s12;
	s12 =	sshll.u32 s30, $0x7  }
0x1b: {  	s26 =	simm.s32 $0x9E00;
	s9 =	simm.s32 $0x2;
	s18 =	sand.u32 $0x380, s12  }
0x1c: {  	[dreg:$0x7] =	wrdreg s13;
	s13 =	sshrl.u32 s31, $0x3;
	s12 =	sor.u32 s18, s16  }
0x1d: {  	s31 =	smax.u32 s3, $0x1;
	s3 =	simm.s32 $0xC580;
	s12 =	sshrl.u32 s12, $0x3  }
0x1e: {  	s12 =	sadd.s32 s5, s12;
	s5 =	sadd.s32 s5, s13;
	s13 =	smul.u32 $0x2710, s6  }
0x1f: {  	s30 =	sshrl.u32 s7, $0x3;
	[dreg:$0x11] =	wrdreg s31;
	s6 =	smul.u32 $0x13880, s6  }
0x20: {  	s7 =	simm.s32 $0x13C00;
	s16 =	simm.s32 $0x400;
	[dreg:$0x8] =	wrdreg s12  }
0x21: {  	[dreg:$0x9] =	wrdreg s5;
	s5 =	sadd.s32 s2, s13;
	s12 =	sadd.s32 $0xC80, s6  }
0x22: {  	s13 =	sadd.s32 $0x1900, s6;
	[dreg:$0xb] =	wrdreg s5;
	s5 =	sshrl.u32 s21, $0x3  }
0x23: {  	s6 =	sor.u32 s18, s25;
	s25 =	simm.s32 $0x7680;
	s5 =	sadd.s32 s0, s5  }
0x24: {  	s6 =	sshrl.u32 s6, $0x3;
	[dreg:$0xc] =	wrdreg s5;
	s5 =	sadd.s32 s0, s23  }
0x25: {  	s28 =	sadd.s32 s0, s6;
	[dreg:$0xd] =	wrdreg s5;
	s5 =	sor.u32 s15, s24  }
0x26: {  	s6 =	simm.s32 $0x11480;
	[dreg:$0xf] =	wrdreg s28;
	s5 =	sshrl.u32 s5, $0x3  }
0x27: {  	s23 =	simm.s32 $0x2780;
	s15 =	simm.s32 $0x80;
	s5 =	sadd.s32 s0, s5  }
0x28: {  	s24 =	simm.s32 $0x4F00;
	s0 =	sadd.s32 s0, s30;
	[dreg:$0xe] =	wrdreg s5  }
0x29: {  	v0 =	vimm.f32 $0.0e+00;
	[dreg:$0x10] =	wrdreg s0;
	s0 =	simm.s32 $0x1;
	s5 =	simm.s32 $0xED00  }
.LBB2_1:
0x2a: {  	[dreg:$0x12] =	wrdreg s11;
	s11 =	simm.s32 $0xC5C0  }
0x2b: {  	[tilespmem:s11+$0xFFFFFFC0] =	vst v0  }
0x2c: {  	[tilespmem:s11+$0x30] =	vst v0  }
0x2d: {  	[tilespmem:s11+$0x20] =	vst v0  }
0x2e: {  	[tilespmem:s11+$0x10] =	vst v0  }
0x2f: {  	[tilespmem:s11+$0x0] =	vst v0  }
0x30: {  	[tilespmem:s11+$0xFFFFFFF0] =	vst v0  }
0x31: {  	s14 =	simm.s32 $0x0;
	[tilespmem:s11+$0xFFFFFFE0] =	vst v0  }
.LBB2_2:
0x32: {  	s14 =	sadd.s32 $0x8, s14;
	[tilespmem:s11+$0xFFFFFFD0] =	vst v0;
	s11 =	sadd.s32 $0x80, s11  }
0x33: {  	[tilespmem:s11+$0xFFFFFFC0] =	vst v0;
	p0 =	slt.u32 s14, $0x268  }
0x34: {  	[tilespmem:s11+$0x30] =	vst v0  }
.Ltmp0:
0x35: {  	[tilespmem:s11+$0x20] =	vst v0;
	(pc) =	sbr.rel @p0 .LBB2_2-.Ltmp0, $4  }
0x36: {  	[tilespmem:s11+$0x10] =	vst v0  }
0x37: {  	[tilespmem:s11+$0x0] =	vst v0  }
0x38: {  	[tilespmem:s11+$0xFFFFFFF0] =	vst v0  }
0x39: {  	[tilespmem:s11+$0xFFFFFFE0] =	vst v0  }
0x3a: {  	[tilespmem:s11+$0xFFFFFFD0] =	vst v0  }
0x3b: {  	[tilespmem:$0xEC80] =	vst v0;
	s10 =	rddreg [dreg:$0x5]  }
0x3c: {  	[tilespmem:s4], [sflag:$0x3] =	stream.strided.gather [hbm4b:s10+s15], $0x2780, s16, s15, $0x38;
	[tilespmem:$0x1D600] =	vst v63  }
0x3d: {  	_ =	swait.ge [sflag:s17], $0x2780  }
0x3e: {  	[sflag:s17] =	ssyncset.done $0x0  }
0x3f: {  	s11 =	simm.s32 $0xED40;
	[sflag:s17] =	ssyncadd.s32 $0xFFFFD880  }
0x40: {  	[tilespmem:s11+$0xFFFFFFC0] =	vst v0  }
0x41: {  	[tilespmem:s11+$0x30] =	vst v0  }
0x42: {  	[tilespmem:s11+$0x20] =	vst v0  }
0x43: {  	[tilespmem:s11+$0x10] =	vst v0  }
0x44: {  	[tilespmem:s11+$0x0] =	vst v0  }
0x45: {  	[tilespmem:s11+$0xFFFFFFF0] =	vst v0  }
0x46: {  	s14 =	simm.s32 $0x0;
	[tilespmem:s11+$0xFFFFFFE0] =	vst v0  }
.LBB2_4:
0x47: {  	s14 =	sadd.s32 $0x8, s14;
	[tilespmem:s11+$0xFFFFFFD0] =	vst v0;
	s11 =	sadd.s32 $0x80, s11  }
0x48: {  	[tilespmem:s11+$0xFFFFFFC0] =	vst v0;
	p0 =	slt.u32 s14, $0x268  }
0x49: {  	[tilespmem:s11+$0x30] =	vst v0  }
.Ltmp1:
0x4a: {  	[tilespmem:s11+$0x20] =	vst v0;
	(pc) =	sbr.rel @p0 .LBB2_4-.Ltmp1, $4  }
0x4b: {  	[tilespmem:s11+$0x10] =	vst v0  }
0x4c: {  	[tilespmem:s11+$0x0] =	vst v0  }
0x4d: {  	[tilespmem:s11+$0xFFFFFFF0] =	vst v0  }
0x4e: {  	[tilespmem:s11+$0xFFFFFFE0] =	vst v0  }
0x4f: {  	[tilespmem:s11+$0xFFFFFFD0] =	vst v0  }
0x50: {  	[tilespmem:$0x11400] =	vst v0;
	s10 =	rddreg [dreg:$0x6]  }
0x51: {  	[tilespmem:s23], [sflag:$0x3] =	stream.strided.gather [hbm4b:s10+s15], $0x2780, s16, s15, $0x38;
	[tilespmem:$0x1D600] =	vst v63  }
0x52: {  	_ =	swait.ge [sflag:s17], $0x2780  }
0x53: {  	[sflag:s17] =	ssyncset.done $0x0  }
0x54: {  	s11 =	simm.s32 $0x114C0;
	[sflag:s17] =	ssyncadd.s32 $0xFFFFD880  }
0x55: {  	[tilespmem:s11+$0xFFFFFFC0] =	vst v0  }
0x56: {  	[tilespmem:s11+$0x30] =	vst v0  }
0x57: {  	[tilespmem:s11+$0x20] =	vst v0  }
0x58: {  	[tilespmem:s11+$0x10] =	vst v0  }
0x59: {  	[tilespmem:s11+$0x0] =	vst v0  }
0x5a: {  	[tilespmem:s11+$0xFFFFFFF0] =	vst v0  }
0x5b: {  	s14 =	simm.s32 $0x0;
	[tilespmem:s11+$0xFFFFFFE0] =	vst v0  }
.LBB2_6:
0x5c: {  	s14 =	sadd.s32 $0x8, s14;
	[tilespmem:s11+$0xFFFFFFD0] =	vst v0;
	s11 =	sadd.s32 $0x80, s11  }
0x5d: {  	[tilespmem:s11+$0xFFFFFFC0] =	vst v0;
	p0 =	slt.u32 s14, $0x268  }
0x5e: {  	[tilespmem:s11+$0x30] =	vst v0  }
.Ltmp2:
0x5f: {  	[tilespmem:s11+$0x20] =	vst v0;
	(pc) =	sbr.rel @p0 .LBB2_6-.Ltmp2, $4  }
0x60: {  	[tilespmem:s11+$0x10] =	vst v0  }
0x61: {  	[tilespmem:s11+$0x0] =	vst v0  }
0x62: {  	[tilespmem:s11+$0xFFFFFFF0] =	vst v0  }
0x63: {  	[tilespmem:s11+$0xFFFFFFE0] =	vst v0  }
0x64: {  	[tilespmem:s11+$0xFFFFFFD0] =	vst v0  }
0x65: {  	[tilespmem:$0x13B80] =	vst v0;
	s10 =	rddreg [dreg:$0x7]  }
0x66: {  	[tilespmem:s24], [sflag:$0x3] =	stream.strided.gather [hbm4b:s10+s15], $0x2780, s16, s15, $0x38;
	[tilespmem:$0x1D600] =	vst v63  }
0x67: {  	_ =	swait.ge [sflag:s17], $0x2780  }
0x68: {  	[sflag:s17] =	ssyncset.done $0x0  }
0x69: {  	s11 =	simm.s32 $0x13C40;
	[sflag:s17] =	ssyncadd.s32 $0xFFFFD880  }
0x6a: {  	[tilespmem:s11+$0xFFFFFFC0] =	vst v0  }
0x6b: {  	[tilespmem:s11+$0x30] =	vst v0  }
0x6c: {  	[tilespmem:s11+$0x20] =	vst v0  }
0x6d: {  	[tilespmem:s11+$0x10] =	vst v0  }
0x6e: {  	[tilespmem:s11+$0x0] =	vst v0  }
0x6f: {  	[tilespmem:s11+$0xFFFFFFF0] =	vst v0  }
0x70: {  	s14 =	simm.s32 $0x0;
	[tilespmem:s11+$0xFFFFFFE0] =	vst v0  }
.LBB2_8:
0x71: {  	s14 =	sadd.s32 $0x8, s14;
	[tilespmem:s11+$0xFFFFFFD0] =	vst v0;
	s11 =	sadd.s32 $0x80, s11  }
0x72: {  	[tilespmem:s11+$0xFFFFFFC0] =	vst v0;
	p0 =	slt.u32 s14, $0x268  }
0x73: {  	[tilespmem:s11+$0x30] =	vst v0  }
.Ltmp3:
0x74: {  	[tilespmem:s11+$0x20] =	vst v0;
	(pc) =	sbr.rel @p0 .LBB2_8-.Ltmp3, $4  }
0x75: {  	[tilespmem:s11+$0x10] =	vst v0  }
0x76: {  	[tilespmem:s11+$0x0] =	vst v0  }
0x77: {  	[tilespmem:s11+$0xFFFFFFF0] =	vst v0  }
0x78: {  	[tilespmem:s11+$0xFFFFFFE0] =	vst v0  }
0x79: {  	[tilespmem:s11+$0xFFFFFFD0] =	vst v0  }
0x7a: {  	[tilespmem:$0x16300] =	vst v0;
	s10 =	rddreg [dreg:$0x8]  }
0x7b: {  	[tilespmem:s25], [sflag:$0x3] =	stream.strided.gather [hbm4b:s10+s15], $0x2780, s16, s15, $0x38;
	[tilespmem:$0x1D600] =	vst v63  }
0x7c: {  	_ =	swait.ge [sflag:s17], $0x2780  }
0x7d: {  	[sflag:s17] =	ssyncset.done $0x0  }
0x7e: {  	s11 =	simm.s32 $0x163C0;
	[sflag:s17] =	ssyncadd.s32 $0xFFFFD880  }
0x7f: {  	[tilespmem:s11+$0xFFFFFFC0] =	vst v0  }
0x80: {  	[tilespmem:s11+$0x30] =	vst v0  }
0x81: {  	[tilespmem:s11+$0x20] =	vst v0  }
0x82: {  	[tilespmem:s11+$0x10] =	vst v0  }
0x83: {  	[tilespmem:s11+$0x0] =	vst v0  }
0x84: {  	[tilespmem:s11+$0xFFFFFFF0] =	vst v0  }
0x85: {  	s14 =	simm.s32 $0x0;
	[tilespmem:s11+$0xFFFFFFE0] =	vst v0  }
.LBB2_10:
0x86: {  	s14 =	sadd.s32 $0x8, s14;
	[tilespmem:s11+$0xFFFFFFD0] =	vst v0;
	s11 =	sadd.s32 $0x80, s11  }
0x87: {  	[tilespmem:s11+$0xFFFFFFC0] =	vst v0;
	p0 =	slt.u32 s14, $0x268  }
0x88: {  	[tilespmem:s11+$0x30] =	vst v0  }
.Ltmp4:
0x89: {  	[tilespmem:s11+$0x20] =	vst v0;
	(pc) =	sbr.rel @p0 .LBB2_10-.Ltmp4, $4  }
0x8a: {  	[tilespmem:s11+$0x10] =	vst v0  }
0x8b: {  	[tilespmem:s11+$0x0] =	vst v0  }
0x8c: {  	[tilespmem:s11+$0xFFFFFFF0] =	vst v0  }
0x8d: {  	[tilespmem:s11+$0xFFFFFFE0] =	vst v0  }
0x8e: {  	[tilespmem:s11+$0xFFFFFFD0] =	vst v0  }
0x8f: {  	[tilespmem:$0x18A80] =	vst v0;
	s10 =	rddreg [dreg:$0x9]  }
0x90: {  	[tilespmem:s26], [sflag:$0x3] =	stream.strided.gather [hbm4b:s10+s15], $0x2780, s16, s15, $0x38;
	[tilespmem:$0x1D600] =	vst v63  }
0x91: {  	_ =	swait.ge [sflag:s17], $0x2780  }
0x92: {  	s11 =	simm.s32 $0x0;
	[sflag:s17] =	ssyncset.done $0x0  }
0x93: {  	s14 =	simm.s32 $0x18B00;
	s30 =	rddreg [dreg:$0xa];
	[sflag:s17] =	ssyncadd.s32 $0xFFFFD880  }
0x94: {  	[tilespmem:s14], [sflag:$0x1] =	stream.linear.gather [hbm4b:s30+s11], $0x1900, $0x38;
	[tilespmem:$0x1D600] =	vst v63  }
0x95: {  	s31 =	rddreg [dreg:$0xb];
	s14 =	simm.s32 $0x0  }
0x96: {  	[tilespmem:s29], [sflag:$0x1] =	stream.linear.gather [hbm4b:s31+s11], $0xC80, $0x38;
	[tilespmem:$0x1D600] =	vst v63  }
.LBB2_12:
0x97: {  	s15 =	smul.u32 $0x1900, s14;
	_ =	sdelay $0x1  }
0x98: {  	s16 =	sadd.s32 s15, s12  }
0x99: {  	s17 =	sshrl.u32 s16, $0x2  }
0x9a: {  	s10 =	simm.s32 $0x1B080;
	s16 =	sshrl.u32 s16, $0x3;
	s17 =	sadd.s32 s1, s17  }
0x9b: {  	[tilespmem:s10], [sflag:$0x2] =	stream.linear.gather [hbm4b:s17+s11], $0x1900, $0x38;
	[tilespmem:$0x1D600] =	vst v63  }
0x9c: {  	s31 =	simm.s32 $0x1C980;
	s16 =	sadd.s32 s2, s16  }
0x9d: {  	[tilespmem:s31], [sflag:$0x2] =	stream.linear.gather [hbm4b:s16+s11], $0xC80, $0x38;
	[tilespmem:$0x1D600] =	vst v63  }
0x9e: {  	_ =	swait.ge [sflag:s0], $0x1900  }
0x9f: {  	[sflag:s0] =	ssyncset.done $0x0  }
0xa0: {  	[sflag:s0] =	ssyncadd.s32 $0xFFFFE700  }
0xa1: {  	s21 =	sand.u32 $0x1F00, s11;
	_ =	swait.ge [sflag:s0], $0xC80  }
0xa2: {  	s18 =	simm.s32 $0x1A400;
	s10 =	sand.u32 $0x40, s11;
	[sflag:s0] =	ssyncset.done $0x0  }
0xa3: {  	s17 =	sadd.s32 $0x18B00, s21;
	s19 =	sor.u32 $0x30, s10;
	[sflag:s0] =	ssyncadd.s32 $0xFFFFF380  }
0xa4: {  	s22 =	sor.u32 s19, s17;
	v12 =	vld [tilespmem:s18+$0x0]  }
0xa5: {  	s20 =	sor.u32 s10, s17;
	v8 =	vld [tilespmem:s22+$0x0]  }
0xa6: {  	s21 =	sor.u32 $0x10, s10;
	v16 =	vld [tilespmem:s20+$0x0]  }
0xa7: {  	s30 =	sor.u32 $0x20, s10;
	s28 =	sor.u32 s21, s17;
	v13 =	vld [tilespmem:s20+$0x80]  }
0xa8: {  	s16 =	sor.u32 s30, s17;
	v17 =	vld [tilespmem:s28+$0x0]  }
0xa9: {  	v18 =	vld [tilespmem:s16+$0x0]  }
0xaa: {  	s31 =	sand.u32 $0xF80, s11;
	v14 =	vld [tilespmem:s28+$0x80]  }
0xab: {  	s17 =	sadd.s32 $0x1A400, s31;
	v1 =	vld [tilespmem:s16+$0x80]  }
0xac: {  	s19 =	sor.u32 s19, s17;
	v9 =	vld [tilespmem:s22+$0x80];
	s20 =	simm.s32 $0x80  }
0xad: {  	s21 =	sor.u32 s21, s17;
	v10 =	vld [tilespmem:s19+$0x0];
	s16 =	simm.s32 $0x40;
	s18 =	sand.u32 $0x1F00, s20  }
0xae: {  	s10 =	sor.u32 s30, s17;
	v19 =	vld [tilespmem:s21+$0x0];
	s22 =	sand.u32 $0x40, s16;
	s28 =	sadd.s32 $0x18B00, s18  }
0xaf: {  	v15 =	vld [tilespmem:s10+$0x0];
	s17 =	sor.u32 s22, s28  }
0xb0: {  	s18 =	sor.u32 $0x10, s22;
	v20 =	vld [tilespmem:s17+$0x0]  }
0xb1: {  	s30 =	sor.u32 s18, s28;
	v2 =	vld [tilespmem:s17+$0x80]  }
0xb2: {  	s31 =	sor.u32 $0x20, s22;
	v4 =	vld [tilespmem:s30+$0x0]  }
0xb3: {  	s21 =	sor.u32 s31, s28;
	v3 =	vld [tilespmem:s30+$0x80]  }
0xb4: {  	s22 =	sor.u32 $0x30, s22;
	v5 =	vld [tilespmem:s21+$0x0]  }
0xb5: {  	v7 =	vld [tilespmem:s21+$0x80];
	s19 =	sor.u32 s22, s28  }
0xb6: {  	v23 =	vld [tilespmem:s19+$0x0]  }
0xb7: {  	v6 =	vld.idx.msk [tilespmem:v8+s4+$0x0], $0xffff  }
0xb8: {  	v11 =	vld.idx.msk [tilespmem:v16+s4+$0x0], $0xffff  }
0xb9: {  	v21 =	vld.idx.msk [tilespmem:v17+s4+$0x0], $0xffff  }
0xba: {  	v24 =	vld.idx.msk [tilespmem:v18+s4+$0x0], $0xffff  }
0xbb: {  	v57 =	vld.idx.msk [tilespmem:v20+s4+$0x0], $0xffff  }
0xbc: {  	v58 =	vld.idx.msk [tilespmem:v4+s4+$0x0], $0xffff;
	v6 =	vmul.f32 v6, v10  }
0xbd: {  	v59 =	vld.idx.msk [tilespmem:v5+s4+$0x0], $0xffff;
	v11 =	vmul.f32 v11, v12  }
0xbe: {  	[tilespmem:v9+s3+$0x0] =	vst.idx.add.f32.msk $0xffff, v6  }
0xbf: {  	[tilespmem:v13+s3+$0x0] =	vst.idx.add.f32.msk $0xffff, v11  }
0xc0: {  	v22 =	vld.idx.msk [tilespmem:v8+s23+$0x0], $0xffff  }
0xc1: {  	v11 =	vmul.f32 v21, v19;
	v51 =	vld.idx.msk [tilespmem:v16+s23+$0x0], $0xffff  }
0xc2: {  	v56 =	vld.idx.msk [tilespmem:v23+s4+$0x0], $0xffff  }
0xc3: {  	v24 =	vmul.f32 v24, v15;
	[tilespmem:v14+s3+$0x0] =	vst.idx.add.f32.msk $0xffff, v11  }
0xc4: {  	v52 =	vld.idx.msk [tilespmem:v17+s23+$0x0], $0xffff  }
0xc5: {  	[tilespmem:v1+s3+$0x0] =	vst.idx.add.f32.msk $0xffff, v24;
	v11 =	vmul.f32 v22, v10  }
0xc6: {  	v24 =	vld.idx.msk [tilespmem:v18+s23+$0x0], $0xffff;
	v21 =	vmul.f32 v51, v12  }
0xc7: {  	[tilespmem:v9+s5+$0x0] =	vst.idx.add.f32.msk $0xffff, v11  }
0xc8: {  	[tilespmem:v13+s5+$0x0] =	vst.idx.add.f32.msk $0xffff, v21  }
0xc9: {  	v53 =	vmul.f32 v52, v19;
	v11 =	vld.idx.msk [tilespmem:v8+s24+$0x0], $0xffff  }
0xca: {  	v54 =	vld.idx.msk [tilespmem:v16+s24+$0x0], $0xffff  }
0xcb: {  	[tilespmem:v14+s5+$0x0] =	vst.idx.add.f32.msk $0xffff, v53  }
0xcc: {  	v24 =	vmul.f32 v24, v15;
	v21 =	vld.idx.msk [tilespmem:v17+s24+$0x0], $0xffff  }
0xcd: {  	v6 =	vld [tilespmem:s19+$0x80]  }
0xce: {  	[tilespmem:v1+s5+$0x0] =	vst.idx.add.f32.msk $0xffff, v24;
	v11 =	vmul.f32 v11, v10  }
0xcf: {  	v24 =	vld.idx.msk [tilespmem:v18+s24+$0x0], $0xffff  }
0xd0: {  	v22 =	vmul.f32 v54, v12;
	[tilespmem:v9+s6+$0x0] =	vst.idx.add.f32.msk $0xffff, v11  }
0xd1: {  	v21 =	vmul.f32 v21, v19;
	v11 =	vld.idx.msk [tilespmem:v8+s25+$0x0], $0xffff  }
0xd2: {  	[tilespmem:v13+s6+$0x0] =	vst.idx.add.f32.msk $0xffff, v22  }
0xd3: {  	[tilespmem:v14+s6+$0x0] =	vst.idx.add.f32.msk $0xffff, v21  }
0xd4: {  	v24 =	vmul.f32 v24, v15;
	v21 =	vld.idx.msk [tilespmem:v17+s25+$0x0], $0xffff  }
0xd5: {  	v22 =	vld.idx.msk [tilespmem:v16+s25+$0x0], $0xffff  }
0xd6: {  	s16 =	sand.u32 $0xF80, s16;
	[tilespmem:v1+s6+$0x0] =	vst.idx.add.f32.msk $0xffff, v24;
	v11 =	vmul.f32 v11, v10  }
0xd7: {  	s28 =	sadd.s32 $0x1A400, s16;
	v55 =	vld.idx.msk [tilespmem:v18+s25+$0x0], $0xffff  }
0xd8: {  	s10 =	sor.u32 s22, s28;
	[tilespmem:v9+s7+$0x0] =	vst.idx.add.f32.msk $0xffff, v11  }
0xd9: {  	v21 =	vmul.f32 v21, v19;
	v11 =	vld [tilespmem:s10+$0x0]  }
0xda: {  	v25 =	vld.idx.msk [tilespmem:v8+s26+$0x0], $0xffff;
	v8 =	vmul.f32 v22, v12  }
0xdb: {  	[tilespmem:v14+s7+$0x0] =	vst.idx.add.f32.msk $0xffff, v21  }
0xdc: {  	s16 =	simm.s32 $0x1A440;
	[tilespmem:v13+s7+$0x0] =	vst.idx.add.f32.msk $0xffff, v8  }
0xdd: {  	v8 =	vld [tilespmem:s16+$0x0]  }
0xde: {  	v17 =	vld.idx.msk [tilespmem:v17+s26+$0x0], $0xffff;
	v21 =	vmul.f32 v56, v11  }
0xdf: {  	v16 =	vld.idx.msk [tilespmem:v16+s26+$0x0], $0xffff;
	v10 =	vmul.f32 v25, v10  }
0xe0: {  	[tilespmem:v6+s3+$0x0] =	vst.idx.add.f32.msk $0xffff, v21  }
0xe1: {  	s30 =	sor.u32 s18, s28;
	[tilespmem:v9+s8+$0x0] =	vst.idx.add.f32.msk $0xffff, v10  }
0xe2: {  	v10 =	vmul.f32 v55, v15;
	v9 =	vld [tilespmem:s30+$0x0]  }
0xe3: {  	v21 =	vld.idx.msk [tilespmem:v23+s23+$0x0], $0xffff  }
0xe4: {  	s31 =	sor.u32 s31, s28;
	v24 =	vmul.f32 v57, v8;
	[tilespmem:v1+s7+$0x0] =	vst.idx.add.f32.msk $0xffff, v10  }
0xe5: {  	v10 =	vld [tilespmem:s31+$0x0]  }
0xe6: {  	[tilespmem:v2+s3+$0x0] =	vst.idx.add.f32.msk $0xffff, v24  }
0xe7: {  	v12 =	vmul.f32 v16, v12;
	v61 =	vld.idx.msk [tilespmem:v20+s23+$0x0], $0xffff  }
0xe8: {  	v16 =	vmul.f32 v17, v19;
	v18 =	vld.idx.msk [tilespmem:v18+s26+$0x0], $0xffff  }
0xe9: {  	[tilespmem:v13+s8+$0x0] =	vst.idx.add.f32.msk $0xffff, v12;
	v60 =	vmul.f32 v58, v9  }
0xea: {  	[tilespmem:v14+s8+$0x0] =	vst.idx.add.f32.msk $0xffff, v16  }
0xeb: {  	v22 =	vmul.f32 v59, v10;
	[tilespmem:v3+s3+$0x0] =	vst.idx.add.f32.msk $0xffff, v60  }
0xec: {  	v62 =	vld.idx.msk [tilespmem:v4+s23+$0x0], $0xffff  }
0xed: {  	v21 =	vmul.f32 v21, v11;
	[tilespmem:v7+s3+$0x0] =	vst.idx.add.f32.msk $0xffff, v22  }
0xee: {  	v63 =	vld.idx.msk [tilespmem:v5+s23+$0x0], $0xffff  }
0xef: {  	[tilespmem:v6+s5+$0x0] =	vst.idx.add.f32.msk $0xffff, v21;
	v25 =	vmul.f32 v61, v8  }
0xf0: {  	v21 =	vld.idx.msk [tilespmem:v23+s24+$0x0], $0xffff  }
0xf1: {  	[tilespmem:v2+s5+$0x0] =	vst.idx.add.f32.msk $0xffff, v25;
	v22 =	vmul.f32 v62, v9  }
0xf2: {  	v25 =	vld.idx.msk [tilespmem:v20+s24+$0x0], $0xffff  }
0xf3: {  	v24 =	vmul.f32 v63, v10;
	[tilespmem:v3+s5+$0x0] =	vst.idx.add.f32.msk $0xffff, v22  }
0xf4: {  	v22 =	vld.idx.msk [tilespmem:v4+s24+$0x0], $0xffff  }
0xf5: {  	v21 =	vmul.f32 v21, v11;
	[tilespmem:v7+s5+$0x0] =	vst.idx.add.f32.msk $0xffff, v24  }
0xf6: {  	v24 =	vld.idx.msk [tilespmem:v5+s24+$0x0], $0xffff  }
0xf7: {  	[tilespmem:v6+s6+$0x0] =	vst.idx.add.f32.msk $0xffff, v21;
	v25 =	vmul.f32 v25, v8  }
0xf8: {  	v21 =	vld.idx.msk [tilespmem:v23+s25+$0x0], $0xffff  }
0xf9: {  	[tilespmem:v2+s6+$0x0] =	vst.idx.add.f32.msk $0xffff, v25;
	v17 =	vmul.f32 v22, v9  }
0xfa: {  	v19 =	vld.idx.msk [tilespmem:v20+s25+$0x0], $0xffff  }
0xfb: {  	v12 =	vmul.f32 v24, v10;
	[tilespmem:v3+s6+$0x0] =	vst.idx.add.f32.msk $0xffff, v17  }
0xfc: {  	v17 =	vld.idx.msk [tilespmem:v4+s25+$0x0], $0xffff  }
0xfd: {  	[tilespmem:v7+s6+$0x0] =	vst.idx.add.f32.msk $0xffff, v12;
	v12 =	vmul.f32 v21, v11  }
0xfe: {  	v16 =	vld.idx.msk [tilespmem:v5+s25+$0x0], $0xffff  }
0xff: {  	[tilespmem:v6+s7+$0x0] =	vst.idx.add.f32.msk $0xffff, v12;
	v12 =	vmul.f32 v19, v8  }
0x100: {  	v14 =	vld.idx.msk [tilespmem:v23+s26+$0x0], $0xffff  }
0x101: {  	[tilespmem:v2+s7+$0x0] =	vst.idx.add.f32.msk $0xffff, v12;
	v12 =	vmul.f32 v18, v15  }
0x102: {  	s17 =	simm.s32 $0x4;
	s18 =	simm.s32 $0x100;
	s19 =	simm.s32 $0x80;
	v13 =	vld.idx.msk [tilespmem:v20+s26+$0x0], $0xffff  }
.LBB2_13:
0x103: {  	s10 =	sand.u32 $0x40, s19;
	s20 =	sand.u32 $0x1F00, s18;
	v15 =	vmul.f32 v17, v9;
	s16 =	sadd.s32 $0x40, s16;
	[tilespmem:v1+s8+$0x0] =	vst.idx.add.f32.msk $0xffff, v12;
	v1 =	vmov v7  }
0x104: {  	s17 =	sadd.s32 $0x4, s17;
	s20 =	sadd.s32 $0x18B00, s20;
	v7 =	vld [tilespmem:s16+$0x0];
	s21 =	sor.u32 $0x30, s10  }
0x105: {  	s22 =	sor.u32 $0x10, s10;
	p0 =	slt.u32 s17, $0xC4;
	v11 =	vmul.f32 v14, v11;
	s30 =	sor.u32 s21, s20;
	[tilespmem:v3+s7+$0x0] =	vst.idx.add.f32.msk $0xffff, v15  }
0x106: {  	s31 =	sor.u32 s10, s20;
	s28 =	sor.u32 s22, s20;
	s10 =	sor.u32 $0x20, s10;
	v12 =	vmul.f32 v16, v10;
	v14 =	vld [tilespmem:s30+$0x0]  }
0x107: {  	s20 =	sor.u32 s10, s20;
	[tilespmem:v6+s8+$0x0] =	vst.idx.add.f32.msk $0xffff, v11  }
0x108: {  	v13 =	vmul.f32 v13, v8;
	v15 =	vld [tilespmem:s31+$0x0]  }
0x109: {  	v16 =	vld [tilespmem:s28+$0x0];
	v8 =	vmov v7  }
0x10a: {  	v17 =	vld [tilespmem:s20+$0x0]  }
0x10b: {  	v18 =	vld [tilespmem:s31+$0x80]  }
0x10c: {  	v19 =	vld [tilespmem:s28+$0x80]  }
0x10d: {  	s28 =	sand.u32 $0xF80, s19;
	v7 =	vld [tilespmem:s20+$0x80]  }
0x10e: {  	s20 =	sadd.s32 $0x1A400, s28;
	v6 =	vld [tilespmem:s30+$0x80]  }
0x10f: {  	s22 =	sor.u32 s22, s20;
	s10 =	sor.u32 s10, s20;
	s20 =	sor.u32 s21, s20;
	v20 =	vld.idx.msk [tilespmem:v14+s4+$0x0], $0xffff  }
0x110: {  	v11 =	vld [tilespmem:s20+$0x0]  }
0x111: {  	v21 =	vld.idx.msk [tilespmem:v15+s4+$0x0], $0xffff  }
0x112: {  	v22 =	vld.idx.msk [tilespmem:v16+s4+$0x0], $0xffff  }
0x113: {  	v23 =	vld.idx.msk [tilespmem:v17+s4+$0x0], $0xffff  }
0x114: {  	v24 =	vld [tilespmem:s22+$0x0]  }
0x115: {  	v25 =	vld [tilespmem:s10+$0x0];
	v20 =	vmul.f32 v20, v11  }
0x116: {  	[tilespmem:v1+s7+$0x0] =	vst.idx.add.f32.msk $0xffff, v12  }
0x117: {  	v12 =	vmul.f32 v21, v8;
	[tilespmem:v6+s3+$0x0] =	vst.idx.add.f32.msk $0xffff, v20  }
0x118: {  	v20 =	vld.idx.msk [tilespmem:v14+s23+$0x0], $0xffff  }
0x119: {  	[tilespmem:v18+s3+$0x0] =	vst.idx.add.f32.msk $0xffff, v12;
	v12 =	vmul.f32 v22, v24  }
0x11a: {  	v21 =	vld.idx.msk [tilespmem:v15+s23+$0x0], $0xffff;
	v22 =	vmul.f32 v23, v25  }
0x11b: {  	[tilespmem:v19+s3+$0x0] =	vst.idx.add.f32.msk $0xffff, v12  }
0x11c: {  	[tilespmem:v7+s3+$0x0] =	vst.idx.add.f32.msk $0xffff, v22  }
0x11d: {  	v12 =	vld.idx.msk [tilespmem:v16+s23+$0x0], $0xffff  }
0x11e: {  	v20 =	vmul.f32 v20, v11;
	v22 =	vld.idx.msk [tilespmem:v17+s23+$0x0], $0xffff  }
0x11f: {  	v23 =	vld.idx.msk [tilespmem:v4+s26+$0x0], $0xffff;
	v4 =	vmov v16  }
0x120: {  	v16 =	vmul.f32 v21, v8;
	[tilespmem:v6+s5+$0x0] =	vst.idx.add.f32.msk $0xffff, v20  }
0x121: {  	v20 =	vld.idx.msk [tilespmem:v14+s24+$0x0], $0xffff  }
0x122: {  	[tilespmem:v18+s5+$0x0] =	vst.idx.add.f32.msk $0xffff, v16  }
0x123: {  	v12 =	vmul.f32 v12, v24;
	v16 =	vld.idx.msk [tilespmem:v15+s24+$0x0], $0xffff  }
0x124: {  	v21 =	vmul.f32 v22, v25;
	v22 =	vld.idx.msk [tilespmem:v5+s26+$0x0], $0xffff;
	v5 =	vmov v17  }
0x125: {  	v23 =	vmul.f32 v23, v9;
	v9 =	vmov v24;
	[tilespmem:v19+s5+$0x0] =	vst.idx.add.f32.msk $0xffff, v12  }
0x126: {  	[tilespmem:v7+s5+$0x0] =	vst.idx.add.f32.msk $0xffff, v21  }
0x127: {  	v12 =	vmul.f32 v20, v11;
	v21 =	vld.idx.msk [tilespmem:v4+s24+$0x0], $0xffff  }
0x128: {  	v17 =	vld.idx.msk [tilespmem:v17+s24+$0x0], $0xffff  }
0x129: {  	v16 =	vmul.f32 v16, v8;
	[tilespmem:v6+s6+$0x0] =	vst.idx.add.f32.msk $0xffff, v12  }
0x12a: {  	v12 =	vmul.f32 v22, v10;
	v10 =	vmov v25;
	v20 =	vld.idx.msk [tilespmem:v14+s25+$0x0], $0xffff  }
0x12b: {  	[tilespmem:v18+s6+$0x0] =	vst.idx.add.f32.msk $0xffff, v16  }
0x12c: {  	v16 =	vld.idx.msk [tilespmem:v15+s25+$0x0], $0xffff  }
0x12d: {  	v21 =	vmul.f32 v21, v9;
	[tilespmem:v2+s8+$0x0] =	vst.idx.add.f32.msk $0xffff, v13;
	v2 =	vmov v18  }
0x12e: {  	v13 =	vmul.f32 v17, v10;
	[tilespmem:v3+s8+$0x0] =	vst.idx.add.f32.msk $0xffff, v23;
	v3 =	vmov v19  }
0x12f: {  	[tilespmem:v19+s6+$0x0] =	vst.idx.add.f32.msk $0xffff, v21  }
0x130: {  	[tilespmem:v7+s6+$0x0] =	vst.idx.add.f32.msk $0xffff, v13;
	v13 =	vmul.f32 v20, v11  }
0x131: {  	v17 =	vld.idx.msk [tilespmem:v4+s25+$0x0], $0xffff  }
.Ltmp5:
0x132: {  	v18 =	vmul.f32 v16, v8;
	[tilespmem:v6+s7+$0x0] =	vst.idx.add.f32.msk $0xffff, v13;
	(pc) =	sbr.rel @p0 .LBB2_13-.Ltmp5, $4  }
0x133: {  	v14 =	vld.idx.msk [tilespmem:v14+s26+$0x0], $0xffff  }
0x134: {  	v16 =	vld.idx.msk [tilespmem:v5+s25+$0x0], $0xffff  }
0x135: {  	[tilespmem:v2+s7+$0x0] =	vst.idx.add.f32.msk $0xffff, v18  }
0x136: {  	s18 =	sadd.s32 $0x80, s18;
	s19 =	sadd.s32 $0x40, s19;
	v13 =	vld.idx.msk [tilespmem:v15+s26+$0x0], $0xffff  }
0x137: {  	_ =	sdelay $0x1  }
0x138: {  	v15 =	vmul.f32 v17, v9;
	_ =	sdelay $0x1  }
0x139: {  	v16 =	vmul.f32 v16, v10;
	[tilespmem:v3+s7+$0x0] =	vst.idx.add.f32.msk $0xffff, v15  }
0x13a: {  	v4 =	vld.idx.msk [tilespmem:v4+s26+$0x0], $0xffff  }
0x13b: {  	[tilespmem:v7+s7+$0x0] =	vst.idx.add.f32.msk $0xffff, v16  }
0x13c: {  	v5 =	vld.idx.msk [tilespmem:v5+s26+$0x0], $0xffff;
	_ =	sdelay $0x1  }
0x13d: {  	v11 =	vmul.f32 v14, v11  }
0x13e: {  	[tilespmem:v1+s8+$0x0] =	vst.idx.add.f32.msk $0xffff, v12;
	v1 =	vmul.f32 v13, v8  }
0x13f: {  	[tilespmem:v6+s8+$0x0] =	vst.idx.add.f32.msk $0xffff, v11;
	v4 =	vmul.f32 v4, v9  }
0x140: {  	s10 =	sadd.s32 s15, s13;
	[tilespmem:v2+s8+$0x0] =	vst.idx.add.f32.msk $0xffff, v1;
	v5 =	vmul.f32 v5, v10  }
0x141: {  	s16 =	simm.s32 $0x0;
	s15 =	sshrl.u32 s10, $0x2;
	[tilespmem:v3+s8+$0x0] =	vst.idx.add.f32.msk $0xffff, v4  }
0x142: {  	s17 =	simm.s32 $0x18B00;
	s10 =	sshrl.u32 s10, $0x3;
	s15 =	sadd.s32 s1, s15;
	[tilespmem:v7+s8+$0x0] =	vst.idx.add.f32.msk $0xffff, v5  }
0x143: {  	[tilespmem:s17], [sflag:$0x1] =	stream.linear.gather [hbm4b:s15+s16], $0x1900, $0x38;
	[tilespmem:$0x1D600] =	vst v63  }
0x144: {  	s10 =	sadd.s32 s2, s10  }
0x145: {  	[tilespmem:s29], [sflag:$0x1] =	stream.linear.gather [hbm4b:s10+s16], $0xC80, $0x38;
	[tilespmem:$0x1D600] =	vst v63  }
0x146: {  	_ =	swait.ge [sflag:s9], $0x1900  }
0x147: {  	[sflag:s9] =	ssyncset.done $0x0  }
0x148: {  	[sflag:s9] =	ssyncadd.s32 $0xFFFFE700  }
0x149: {  	s22 =	sand.u32 $0x40, s16;
	s28 =	sand.u32 $0x1F00, s16;
	_ =	swait.ge [sflag:s9], $0xC80  }
0x14a: {  	s30 =	sor.u32 $0x30, s22;
	s15 =	sadd.s32 $0x1B080, s28;
	[sflag:s9] =	ssyncset.done $0x0  }
0x14b: {  	s18 =	sor.u32 s30, s15;
	[sflag:s9] =	ssyncadd.s32 $0xFFFFF380  }
0x14c: {  	s19 =	simm.s32 $0x1C980;
	v2 =	vld [tilespmem:s18+$0x0]  }
0x14d: {  	s31 =	sor.u32 $0x10, s22;
	s20 =	sor.u32 s22, s15;
	v12 =	vld [tilespmem:s19+$0x0]  }
0x14e: {  	s21 =	sor.u32 s31, s15;
	s10 =	sor.u32 $0x20, s22;
	v13 =	vld [tilespmem:s20+$0x0]  }
0x14f: {  	s16 =	sand.u32 $0xF80, s16;
	s15 =	sor.u32 s10, s15;
	v14 =	vld [tilespmem:s21+$0x0]  }
0x150: {  	s16 =	sadd.s32 $0x1C980, s16;
	v15 =	vld [tilespmem:s15+$0x0]  }
0x151: {  	s17 =	sor.u32 s30, s16;
	v3 =	vld [tilespmem:s18+$0x80]  }
0x152: {  	v5 =	vld [tilespmem:s17+$0x0]  }
0x153: {  	v16 =	vld [tilespmem:s20+$0x80]  }
0x154: {  	s28 =	simm.s32 $0x80;
	s10 =	sor.u32 s10, s16;
	s30 =	simm.s32 $0x40;
	v17 =	vld [tilespmem:s21+$0x80]  }
0x155: {  	v19 =	vld [tilespmem:s10+$0x0];
	s19 =	sand.u32 $0x40, s30;
	s10 =	sand.u32 $0x1F00, s28  }
0x156: {  	s22 =	sor.u32 s31, s16;
	v1 =	vld [tilespmem:s15+$0x80];
	s10 =	sadd.s32 $0x1B080, s10;
	s18 =	sor.u32 $0x30, s19  }
0x157: {  	v18 =	vld [tilespmem:s22+$0x0];
	s20 =	sor.u32 s18, s10  }
0x158: {  	s31 =	sor.u32 $0x10, s19;
	s17 =	sor.u32 $0x20, s19;
	s28 =	sor.u32 s19, s10;
	v20 =	vld [tilespmem:s20+$0x0]  }
0x159: {  	s22 =	sor.u32 s31, s10;
	s10 =	sor.u32 s17, s10;
	v21 =	vld [tilespmem:s28+$0x0]  }
0x15a: {  	v10 =	vld [tilespmem:s10+$0x80]  }
0x15b: {  	v9 =	vld [tilespmem:s20+$0x80]  }
0x15c: {  	s16 =	sand.u32 $0xF80, s30;
	v4 =	vld.idx.msk [tilespmem:v2+s4+$0x0], $0xffff  }
0x15d: {  	s30 =	sadd.s32 $0x1C980, s16;
	v6 =	vld.idx.msk [tilespmem:v13+s4+$0x0], $0xffff  }
0x15e: {  	s16 =	sor.u32 s18, s30;
	v8 =	vld.idx.msk [tilespmem:v15+s4+$0x0], $0xffff  }
0x15f: {  	v11 =	vld [tilespmem:s16+$0x0]  }
0x160: {  	v7 =	vld.idx.msk [tilespmem:v14+s4+$0x0], $0xffff  }
0x161: {  	v22 =	vld.idx.msk [tilespmem:v20+s4+$0x0], $0xffff;
	v4 =	vmul.f32 v4, v5  }
0x162: {  	v23 =	vld.idx.msk [tilespmem:v21+s4+$0x0], $0xffff;
	v6 =	vmul.f32 v6, v12  }
0x163: {  	v8 =	vmul.f32 v8, v19;
	[tilespmem:v3+s3+$0x0] =	vst.idx.add.f32.msk $0xffff, v4  }
0x164: {  	[tilespmem:v16+s3+$0x0] =	vst.idx.add.f32.msk $0xffff, v6  }
0x165: {  	[tilespmem:v1+s3+$0x0] =	vst.idx.add.f32.msk $0xffff, v8  }
0x166: {  	v4 =	vld.idx.msk [tilespmem:v2+s23+$0x0], $0xffff  }
0x167: {  	v6 =	vmul.f32 v7, v18;
	v7 =	vld.idx.msk [tilespmem:v13+s23+$0x0], $0xffff  }
0x168: {  	v8 =	vld.idx.msk [tilespmem:v15+s23+$0x0], $0xffff  }
0x169: {  	v22 =	vmul.f32 v22, v11;
	[tilespmem:v17+s3+$0x0] =	vst.idx.add.f32.msk $0xffff, v6  }
0x16a: {  	v6 =	vld.idx.msk [tilespmem:v14+s23+$0x0], $0xffff  }
0x16b: {  	[tilespmem:v9+s3+$0x0] =	vst.idx.add.f32.msk $0xffff, v22;
	v4 =	vmul.f32 v4, v5  }
0x16c: {  	v22 =	vld.idx.msk [tilespmem:v20+s23+$0x0], $0xffff;
	v7 =	vmul.f32 v7, v12  }
0x16d: {  	v8 =	vmul.f32 v8, v19;
	[tilespmem:v3+s5+$0x0] =	vst.idx.add.f32.msk $0xffff, v4  }
0x16e: {  	[tilespmem:v16+s5+$0x0] =	vst.idx.add.f32.msk $0xffff, v7  }
0x16f: {  	[tilespmem:v1+s5+$0x0] =	vst.idx.add.f32.msk $0xffff, v8  }
0x170: {  	v6 =	vmul.f32 v6, v18;
	v4 =	vld.idx.msk [tilespmem:v2+s24+$0x0], $0xffff  }
0x171: {  	v7 =	vld.idx.msk [tilespmem:v13+s24+$0x0], $0xffff  }
0x172: {  	[tilespmem:v17+s5+$0x0] =	vst.idx.add.f32.msk $0xffff, v6  }
0x173: {  	v22 =	vmul.f32 v22, v11;
	v6 =	vld.idx.msk [tilespmem:v14+s24+$0x0], $0xffff  }
0x174: {  	v8 =	vld.idx.msk [tilespmem:v15+s24+$0x0], $0xffff  }
0x175: {  	[tilespmem:v9+s5+$0x0] =	vst.idx.add.f32.msk $0xffff, v22;
	v4 =	vmul.f32 v4, v5  }
0x176: {  	v22 =	vld.idx.msk [tilespmem:v20+s24+$0x0], $0xffff  }
0x177: {  	v7 =	vmul.f32 v7, v12;
	[tilespmem:v3+s6+$0x0] =	vst.idx.add.f32.msk $0xffff, v4  }
0x178: {  	v6 =	vmul.f32 v6, v18;
	v4 =	vld.idx.msk [tilespmem:v2+s25+$0x0], $0xffff  }
0x179: {  	[tilespmem:v16+s6+$0x0] =	vst.idx.add.f32.msk $0xffff, v7  }
0x17a: {  	[tilespmem:v17+s6+$0x0] =	vst.idx.add.f32.msk $0xffff, v6  }
0x17b: {  	v8 =	vmul.f32 v8, v19;
	v6 =	vld.idx.msk [tilespmem:v14+s25+$0x0], $0xffff  }
0x17c: {  	v7 =	vld.idx.msk [tilespmem:v13+s25+$0x0], $0xffff;
	v22 =	vmul.f32 v22, v11  }
0x17d: {  	[tilespmem:v1+s6+$0x0] =	vst.idx.add.f32.msk $0xffff, v8;
	v4 =	vmul.f32 v4, v5  }
0x17e: {  	[tilespmem:v9+s6+$0x0] =	vst.idx.add.f32.msk $0xffff, v22  }
0x17f: {  	[tilespmem:v3+s7+$0x0] =	vst.idx.add.f32.msk $0xffff, v4  }
0x180: {  	v6 =	vmul.f32 v6, v18;
	v4 =	vld.idx.msk [tilespmem:v2+s26+$0x0], $0xffff  }
0x181: {  	v2 =	vmul.f32 v7, v12;
	v7 =	vld.idx.msk [tilespmem:v15+s25+$0x0], $0xffff  }
0x182: {  	[tilespmem:v17+s7+$0x0] =	vst.idx.add.f32.msk $0xffff, v6  }
0x183: {  	v6 =	vld [tilespmem:s10+$0x0]  }
0x184: {  	s15 =	simm.s32 $0x1C9C0;
	[tilespmem:v16+s7+$0x0] =	vst.idx.add.f32.msk $0xffff, v2  }
0x185: {  	v2 =	vld [tilespmem:s15+$0x0];
	v4 =	vmul.f32 v4, v5  }
0x186: {  	v5 =	vld [tilespmem:s22+$0x0]  }
0x187: {  	v8 =	vmul.f32 v7, v19;
	[tilespmem:v3+s8+$0x0] =	vst.idx.add.f32.msk $0xffff, v4  }
0x188: {  	v4 =	vld [tilespmem:s28+$0x80]  }
0x189: {  	s10 =	sor.u32 s17, s30;
	[tilespmem:v1+s7+$0x0] =	vst.idx.add.f32.msk $0xffff, v8  }
0x18a: {  	v8 =	vld [tilespmem:s10+$0x0]  }
0x18b: {  	s31 =	sor.u32 s31, s30;
	v25 =	vld.idx.msk [tilespmem:v6+s4+$0x0], $0xffff  }
0x18c: {  	v7 =	vld [tilespmem:s31+$0x0]  }
0x18d: {  	v3 =	vld [tilespmem:s22+$0x80]  }
0x18e: {  	v23 =	vmul.f32 v23, v2;
	v24 =	vld.idx.msk [tilespmem:v5+s4+$0x0], $0xffff  }
0x18f: {  	v22 =	vld.idx.msk [tilespmem:v20+s25+$0x0], $0xffff  }
0x190: {  	v25 =	vmul.f32 v25, v8;
	[tilespmem:v4+s3+$0x0] =	vst.idx.add.f32.msk $0xffff, v23  }
0x191: {  	v62 =	vld.idx.msk [tilespmem:v21+s23+$0x0], $0xffff  }
0x192: {  	[tilespmem:v10+s3+$0x0] =	vst.idx.add.f32.msk $0xffff, v25  }
0x193: {  	v25 =	vld.idx.msk [tilespmem:v6+s23+$0x0], $0xffff;
	v61 =	vmul.f32 v24, v7  }
0x194: {  	v14 =	vld.idx.msk [tilespmem:v14+s26+$0x0], $0xffff  }
0x195: {  	[tilespmem:v3+s3+$0x0] =	vst.idx.add.f32.msk $0xffff, v61  }
0x196: {  	v23 =	vld.idx.msk [tilespmem:v5+s23+$0x0], $0xffff;
	v24 =	vmul.f32 v62, v2  }
0x197: {  	v13 =	vld.idx.msk [tilespmem:v13+s26+$0x0], $0xffff  }
0x198: {  	v25 =	vmul.f32 v25, v8;
	[tilespmem:v4+s5+$0x0] =	vst.idx.add.f32.msk $0xffff, v24  }
0x199: {  	v24 =	vld.idx.msk [tilespmem:v21+s24+$0x0], $0xffff  }
0x19a: {  	[tilespmem:v10+s5+$0x0] =	vst.idx.add.f32.msk $0xffff, v25  }
0x19b: {  	v63 =	vld.idx.msk [tilespmem:v6+s24+$0x0], $0xffff;
	v23 =	vmul.f32 v23, v7  }
0x19c: {  	v26 =	vld.idx.msk [tilespmem:v15+s26+$0x0], $0xffff  }
0x19d: {  	v12 =	vmul.f32 v13, v12;
	[tilespmem:v3+s5+$0x0] =	vst.idx.add.f32.msk $0xffff, v23  }
0x19e: {  	v15 =	vld.idx.msk [tilespmem:v5+s24+$0x0], $0xffff;
	v24 =	vmul.f32 v24, v2  }
0x19f: {  	[tilespmem:v16+s8+$0x0] =	vst.idx.add.f32.msk $0xffff, v12  }
0x1a0: {  	v12 =	vmul.f32 v63, v8;
	[tilespmem:v4+s6+$0x0] =	vst.idx.add.f32.msk $0xffff, v24  }
0x1a1: {  	v13 =	vmul.f32 v14, v18;
	v14 =	vld.idx.msk [tilespmem:v21+s25+$0x0], $0xffff  }
0x1a2: {  	[tilespmem:v10+s6+$0x0] =	vst.idx.add.f32.msk $0xffff, v12;
	v12 =	vmul.f32 v22, v11  }
0x1a3: {  	[tilespmem:v17+s8+$0x0] =	vst.idx.add.f32.msk $0xffff, v13;
	v15 =	vmul.f32 v15, v7  }
0x1a4: {  	[tilespmem:v9+s7+$0x0] =	vst.idx.add.f32.msk $0xffff, v12  }
0x1a5: {  	[tilespmem:v3+s6+$0x0] =	vst.idx.add.f32.msk $0xffff, v15  }
0x1a6: {  	v16 =	vld.idx.msk [tilespmem:v5+s25+$0x0], $0xffff  }
0x1a7: {  	v15 =	vld.idx.msk [tilespmem:v6+s25+$0x0], $0xffff;
	v12 =	vmul.f32 v14, v2  }
0x1a8: {  	v14 =	vld.idx.msk [tilespmem:v20+s26+$0x0], $0xffff  }
0x1a9: {  	[tilespmem:v4+s7+$0x0] =	vst.idx.add.f32.msk $0xffff, v12;
	v12 =	vmul.f32 v26, v19  }
0x1aa: {  	s18 =	simm.s32 $0x80;
	s16 =	simm.s32 $0x4;
	s17 =	simm.s32 $0x100;
	v13 =	vld.idx.msk [tilespmem:v21+s26+$0x0], $0xffff  }
.LBB2_15:
0x1ab: {  	s10 =	sand.u32 $0x40, s18;
	s19 =	sand.u32 $0x1F00, s17;
	v16 =	vmul.f32 v16, v7;
	s15 =	sadd.s32 $0x40, s15;
	[tilespmem:v1+s8+$0x0] =	vst.idx.add.f32.msk $0xffff, v12;
	v1 =	vmov v10  }
0x1ac: {  	s16 =	sadd.s32 $0x4, s16;
	s19 =	sadd.s32 $0x1B080, s19;
	v10 =	vld [tilespmem:s15+$0x0];
	s20 =	sor.u32 $0x30, s10  }
0x1ad: {  	s21 =	sor.u32 $0x10, s10;
	p0 =	slt.u32 s16, $0xC4;
	v11 =	vmul.f32 v14, v11;
	s22 =	sor.u32 s20, s19;
	[tilespmem:v3+s7+$0x0] =	vst.idx.add.f32.msk $0xffff, v16  }
0x1ae: {  	s28 =	sor.u32 s10, s19;
	s30 =	sor.u32 s21, s19;
	s10 =	sor.u32 $0x20, s10;
	v12 =	vmul.f32 v15, v8;
	v14 =	vld [tilespmem:s22+$0x0]  }
0x1af: {  	s19 =	sor.u32 s10, s19;
	[tilespmem:v9+s8+$0x0] =	vst.idx.add.f32.msk $0xffff, v11  }
0x1b0: {  	v13 =	vmul.f32 v13, v2;
	v17 =	vld [tilespmem:s28+$0x0]  }
0x1b1: {  	v15 =	vld [tilespmem:s30+$0x0];
	v2 =	vmov v10  }
0x1b2: {  	v16 =	vld [tilespmem:s19+$0x0]  }
0x1b3: {  	v18 =	vld [tilespmem:s28+$0x80]  }
0x1b4: {  	v19 =	vld [tilespmem:s30+$0x80]  }
0x1b5: {  	s28 =	sand.u32 $0xF80, s18;
	v10 =	vld [tilespmem:s19+$0x80]  }
0x1b6: {  	s19 =	sadd.s32 $0x1C980, s28;
	v9 =	vld [tilespmem:s22+$0x80]  }
0x1b7: {  	s21 =	sor.u32 s21, s19;
	s10 =	sor.u32 s10, s19;
	s19 =	sor.u32 s20, s19;
	v20 =	vld.idx.msk [tilespmem:v14+s4+$0x0], $0xffff  }
0x1b8: {  	v11 =	vld [tilespmem:s19+$0x0]  }
0x1b9: {  	v21 =	vld.idx.msk [tilespmem:v17+s4+$0x0], $0xffff  }
0x1ba: {  	v22 =	vld.idx.msk [tilespmem:v15+s4+$0x0], $0xffff  }
0x1bb: {  	v23 =	vld.idx.msk [tilespmem:v16+s4+$0x0], $0xffff  }
0x1bc: {  	v24 =	vld [tilespmem:s21+$0x0]  }
0x1bd: {  	v25 =	vld [tilespmem:s10+$0x0];
	v20 =	vmul.f32 v20, v11  }
0x1be: {  	[tilespmem:v1+s7+$0x0] =	vst.idx.add.f32.msk $0xffff, v12  }
0x1bf: {  	v12 =	vmul.f32 v21, v2;
	[tilespmem:v9+s3+$0x0] =	vst.idx.add.f32.msk $0xffff, v20  }
0x1c0: {  	v20 =	vld.idx.msk [tilespmem:v14+s23+$0x0], $0xffff  }
0x1c1: {  	[tilespmem:v18+s3+$0x0] =	vst.idx.add.f32.msk $0xffff, v12;
	v12 =	vmul.f32 v22, v24  }
0x1c2: {  	v21 =	vld.idx.msk [tilespmem:v17+s23+$0x0], $0xffff;
	v22 =	vmul.f32 v23, v25  }
0x1c3: {  	[tilespmem:v19+s3+$0x0] =	vst.idx.add.f32.msk $0xffff, v12  }
0x1c4: {  	[tilespmem:v10+s3+$0x0] =	vst.idx.add.f32.msk $0xffff, v22  }
0x1c5: {  	v12 =	vld.idx.msk [tilespmem:v15+s23+$0x0], $0xffff  }
0x1c6: {  	v20 =	vmul.f32 v20, v11;
	v22 =	vld.idx.msk [tilespmem:v16+s23+$0x0], $0xffff  }
0x1c7: {  	v23 =	vld.idx.msk [tilespmem:v5+s26+$0x0], $0xffff;
	v5 =	vmov v15  }
0x1c8: {  	v15 =	vmul.f32 v21, v2;
	[tilespmem:v9+s5+$0x0] =	vst.idx.add.f32.msk $0xffff, v20  }
0x1c9: {  	v20 =	vld.idx.msk [tilespmem:v14+s24+$0x0], $0xffff  }
0x1ca: {  	[tilespmem:v18+s5+$0x0] =	vst.idx.add.f32.msk $0xffff, v15  }
0x1cb: {  	v12 =	vmul.f32 v12, v24;
	v15 =	vld.idx.msk [tilespmem:v17+s24+$0x0], $0xffff  }
0x1cc: {  	v21 =	vmul.f32 v22, v25;
	v22 =	vld.idx.msk [tilespmem:v6+s26+$0x0], $0xffff;
	v6 =	vmov v16  }
0x1cd: {  	v23 =	vmul.f32 v23, v7;
	v7 =	vmov v24;
	[tilespmem:v19+s5+$0x0] =	vst.idx.add.f32.msk $0xffff, v12  }
0x1ce: {  	[tilespmem:v10+s5+$0x0] =	vst.idx.add.f32.msk $0xffff, v21  }
0x1cf: {  	v12 =	vmul.f32 v20, v11;
	v21 =	vld.idx.msk [tilespmem:v5+s24+$0x0], $0xffff  }
0x1d0: {  	v16 =	vld.idx.msk [tilespmem:v16+s24+$0x0], $0xffff  }
0x1d1: {  	v15 =	vmul.f32 v15, v2;
	[tilespmem:v9+s6+$0x0] =	vst.idx.add.f32.msk $0xffff, v12  }
0x1d2: {  	v12 =	vmul.f32 v22, v8;
	v8 =	vmov v25;
	v20 =	vld.idx.msk [tilespmem:v14+s25+$0x0], $0xffff  }
0x1d3: {  	[tilespmem:v18+s6+$0x0] =	vst.idx.add.f32.msk $0xffff, v15  }
0x1d4: {  	v15 =	vld.idx.msk [tilespmem:v17+s25+$0x0], $0xffff  }
0x1d5: {  	v21 =	vmul.f32 v21, v7;
	[tilespmem:v4+s8+$0x0] =	vst.idx.add.f32.msk $0xffff, v13;
	v4 =	vmov v18  }
0x1d6: {  	v13 =	vmul.f32 v16, v8;
	[tilespmem:v3+s8+$0x0] =	vst.idx.add.f32.msk $0xffff, v23;
	v3 =	vmov v19  }
0x1d7: {  	[tilespmem:v19+s6+$0x0] =	vst.idx.add.f32.msk $0xffff, v21  }
0x1d8: {  	[tilespmem:v10+s6+$0x0] =	vst.idx.add.f32.msk $0xffff, v13;
	v13 =	vmul.f32 v20, v11  }
0x1d9: {  	v16 =	vld.idx.msk [tilespmem:v5+s25+$0x0], $0xffff  }
.Ltmp6:
0x1da: {  	v18 =	vmul.f32 v15, v2;
	[tilespmem:v9+s7+$0x0] =	vst.idx.add.f32.msk $0xffff, v13;
	(pc) =	sbr.rel @p0 .LBB2_15-.Ltmp6, $4  }
0x1db: {  	v14 =	vld.idx.msk [tilespmem:v14+s26+$0x0], $0xffff  }
0x1dc: {  	v15 =	vld.idx.msk [tilespmem:v6+s25+$0x0], $0xffff  }
0x1dd: {  	[tilespmem:v4+s7+$0x0] =	vst.idx.add.f32.msk $0xffff, v18  }
0x1de: {  	s17 =	sadd.s32 $0x80, s17;
	s18 =	sadd.s32 $0x40, s18;
	v13 =	vld.idx.msk [tilespmem:v17+s26+$0x0], $0xffff  }
0x1df: {  	_ =	sdelay $0x1  }
0x1e0: {  	v16 =	vmul.f32 v16, v7;
	_ =	sdelay $0x1  }
0x1e1: {  	v15 =	vmul.f32 v15, v8;
	[tilespmem:v3+s7+$0x0] =	vst.idx.add.f32.msk $0xffff, v16  }
0x1e2: {  	v5 =	vld.idx.msk [tilespmem:v5+s26+$0x0], $0xffff  }
0x1e3: {  	[tilespmem:v10+s7+$0x0] =	vst.idx.add.f32.msk $0xffff, v15  }
0x1e4: {  	v6 =	vld.idx.msk [tilespmem:v6+s26+$0x0], $0xffff  }
0x1e5: {  	s14 =	sadd.s32 $0x1, s14  }
0x1e6: {  	v11 =	vmul.f32 v14, v11;
	p0 =	sne.s32 s14, $0xC  }
.Ltmp7:
0x1e7: {  	[tilespmem:v1+s8+$0x0] =	vst.idx.add.f32.msk $0xffff, v12;
	v1 =	vmul.f32 v13, v2;
	(pc) =	sbr.rel @p0 .LBB2_12-.Ltmp7, $4  }
0x1e8: {  	[tilespmem:v9+s8+$0x0] =	vst.idx.add.f32.msk $0xffff, v11;
	v2 =	vmul.f32 v5, v7  }
0x1e9: {  	[tilespmem:v4+s8+$0x0] =	vst.idx.add.f32.msk $0xffff, v1;
	v63 =	vmul.f32 v6, v8  }
0x1ea: {  	[tilespmem:v3+s8+$0x0] =	vst.idx.add.f32.msk $0xffff, v2  }
0x1eb: {  	[tilespmem:v10+s8+$0x0] =	vst.idx.add.f32.msk $0xffff, v63  }
0x1ec: {  	_ =	swait.ge [sflag:s0], $0x1900  }
0x1ed: {  	[sflag:s0] =	ssyncset.done $0x0  }
0x1ee: {  	s10 =	simm.s32 $0x0;
	[sflag:s0] =	ssyncadd.s32 $0xFFFFE700  }
0x1ef: {  	s11 =	sand.u32 $0x40, s10;
	s14 =	sand.u32 $0x1F00, s10;
	_ =	swait.ge [sflag:s0], $0xC80  }
0x1f0: {  	s14 =	sadd.s32 $0x18B00, s14;
	s15 =	sor.u32 $0x30, s11;
	[sflag:s0] =	ssyncset.done $0x0  }
0x1f1: {  	s16 =	sor.u32 s15, s14;
	[sflag:s0] =	ssyncadd.s32 $0xFFFFF380  }
0x1f2: {  	s17 =	simm.s32 $0x1A400;
	v2 =	vld [tilespmem:s16+$0x0]  }
0x1f3: {  	s30 =	sor.u32 $0x10, s11;
	s18 =	sor.u32 s11, s14;
	v12 =	vld [tilespmem:s17+$0x0]  }
0x1f4: {  	s19 =	sor.u32 s30, s14;
	s11 =	sor.u32 $0x20, s11;
	v13 =	vld [tilespmem:s18+$0x0]  }
0x1f5: {  	s10 =	sand.u32 $0xF80, s10;
	s14 =	sor.u32 s11, s14;
	v14 =	vld [tilespmem:s19+$0x0]  }
0x1f6: {  	s10 =	sadd.s32 $0x1A400, s10;
	v15 =	vld [tilespmem:s14+$0x0]  }
0x1f7: {  	s15 =	sor.u32 s15, s10;
	v3 =	vld [tilespmem:s16+$0x80]  }
0x1f8: {  	v5 =	vld [tilespmem:s15+$0x0]  }
0x1f9: {  	s31 =	sor.u32 s30, s10;
	v16 =	vld [tilespmem:s18+$0x80]  }
0x1fa: {  	s10 =	sor.u32 s11, s10;
	v17 =	vld [tilespmem:s19+$0x80];
	s15 =	simm.s32 $0x80;
	s16 =	simm.s32 $0x40  }
0x1fb: {  	v19 =	vld [tilespmem:s10+$0x0];
	s17 =	sand.u32 $0x40, s16;
	s10 =	sand.u32 $0x1F00, s15  }
0x1fc: {  	v1 =	vld [tilespmem:s14+$0x80];
	s10 =	sadd.s32 $0x18B00, s10;
	s18 =	sor.u32 $0x30, s17  }
0x1fd: {  	v18 =	vld [tilespmem:s31+$0x0];
	s21 =	sor.u32 s18, s10  }
0x1fe: {  	s22 =	sor.u32 $0x10, s17;
	s15 =	sor.u32 $0x20, s17;
	s28 =	sor.u32 s17, s10;
	v20 =	vld [tilespmem:s21+$0x0]  }
0x1ff: {  	s20 =	sor.u32 s22, s10;
	s10 =	sor.u32 s15, s10;
	v21 =	vld [tilespmem:s28+$0x0]  }
0x200: {  	v10 =	vld [tilespmem:s10+$0x80]  }
0x201: {  	v9 =	vld [tilespmem:s21+$0x80]  }
0x202: {  	s14 =	sand.u32 $0xF80, s16;
	v4 =	vld.idx.msk [tilespmem:v2+s4+$0x0], $0xffff  }
0x203: {  	s30 =	sadd.s32 $0x1A400, s14;
	v6 =	vld.idx.msk [tilespmem:v13+s4+$0x0], $0xffff  }
0x204: {  	s14 =	sor.u32 s18, s30;
	v8 =	vld.idx.msk [tilespmem:v15+s4+$0x0], $0xffff  }
0x205: {  	v11 =	vld [tilespmem:s14+$0x0]  }
0x206: {  	v7 =	vld.idx.msk [tilespmem:v14+s4+$0x0], $0xffff  }
0x207: {  	v22 =	vld.idx.msk [tilespmem:v20+s4+$0x0], $0xffff;
	v4 =	vmul.f32 v4, v5  }
0x208: {  	v23 =	vld.idx.msk [tilespmem:v21+s4+$0x0], $0xffff;
	v6 =	vmul.f32 v6, v12  }
0x209: {  	v8 =	vmul.f32 v8, v19;
	[tilespmem:v3+s3+$0x0] =	vst.idx.add.f32.msk $0xffff, v4  }
0x20a: {  	[tilespmem:v16+s3+$0x0] =	vst.idx.add.f32.msk $0xffff, v6  }
0x20b: {  	[tilespmem:v1+s3+$0x0] =	vst.idx.add.f32.msk $0xffff, v8  }
0x20c: {  	v4 =	vld.idx.msk [tilespmem:v2+s23+$0x0], $0xffff  }
0x20d: {  	v6 =	vmul.f32 v7, v18;
	v7 =	vld.idx.msk [tilespmem:v13+s23+$0x0], $0xffff  }
0x20e: {  	v8 =	vld.idx.msk [tilespmem:v15+s23+$0x0], $0xffff  }
0x20f: {  	[tilespmem:v17+s3+$0x0] =	vst.idx.add.f32.msk $0xffff, v6;
	v22 =	vmul.f32 v22, v11  }
0x210: {  	v6 =	vld.idx.msk [tilespmem:v14+s23+$0x0], $0xffff  }
0x211: {  	[tilespmem:v9+s3+$0x0] =	vst.idx.add.f32.msk $0xffff, v22;
	v4 =	vmul.f32 v4, v5  }
0x212: {  	v22 =	vld.idx.msk [tilespmem:v20+s23+$0x0], $0xffff;
	v7 =	vmul.f32 v7, v12  }
0x213: {  	v8 =	vmul.f32 v8, v19;
	[tilespmem:v3+s5+$0x0] =	vst.idx.add.f32.msk $0xffff, v4  }
0x214: {  	[tilespmem:v16+s5+$0x0] =	vst.idx.add.f32.msk $0xffff, v7  }
0x215: {  	[tilespmem:v1+s5+$0x0] =	vst.idx.add.f32.msk $0xffff, v8  }
0x216: {  	v6 =	vmul.f32 v6, v18;
	v4 =	vld.idx.msk [tilespmem:v2+s24+$0x0], $0xffff  }
0x217: {  	v7 =	vld.idx.msk [tilespmem:v13+s24+$0x0], $0xffff  }
0x218: {  	[tilespmem:v17+s5+$0x0] =	vst.idx.add.f32.msk $0xffff, v6  }
0x219: {  	v22 =	vmul.f32 v22, v11;
	v6 =	vld.idx.msk [tilespmem:v14+s24+$0x0], $0xffff  }
0x21a: {  	v8 =	vld.idx.msk [tilespmem:v15+s24+$0x0], $0xffff  }
0x21b: {  	[tilespmem:v9+s5+$0x0] =	vst.idx.add.f32.msk $0xffff, v22;
	v4 =	vmul.f32 v4, v5  }
0x21c: {  	v22 =	vld.idx.msk [tilespmem:v20+s24+$0x0], $0xffff  }
0x21d: {  	v7 =	vmul.f32 v7, v12;
	[tilespmem:v3+s6+$0x0] =	vst.idx.add.f32.msk $0xffff, v4  }
0x21e: {  	v6 =	vmul.f32 v6, v18;
	v4 =	vld.idx.msk [tilespmem:v2+s25+$0x0], $0xffff  }
0x21f: {  	[tilespmem:v16+s6+$0x0] =	vst.idx.add.f32.msk $0xffff, v7  }
0x220: {  	[tilespmem:v17+s6+$0x0] =	vst.idx.add.f32.msk $0xffff, v6  }
0x221: {  	v8 =	vmul.f32 v8, v19;
	v6 =	vld.idx.msk [tilespmem:v14+s25+$0x0], $0xffff  }
0x222: {  	v7 =	vld.idx.msk [tilespmem:v13+s25+$0x0], $0xffff;
	v22 =	vmul.f32 v22, v11  }
0x223: {  	[tilespmem:v1+s6+$0x0] =	vst.idx.add.f32.msk $0xffff, v8;
	v4 =	vmul.f32 v4, v5  }
0x224: {  	[tilespmem:v9+s6+$0x0] =	vst.idx.add.f32.msk $0xffff, v22  }
0x225: {  	[tilespmem:v3+s7+$0x0] =	vst.idx.add.f32.msk $0xffff, v4  }
0x226: {  	v6 =	vmul.f32 v6, v18;
	v4 =	vld.idx.msk [tilespmem:v2+s26+$0x0], $0xffff  }
0x227: {  	v2 =	vmul.f32 v7, v12;
	v7 =	vld.idx.msk [tilespmem:v15+s25+$0x0], $0xffff  }
0x228: {  	[tilespmem:v17+s7+$0x0] =	vst.idx.add.f32.msk $0xffff, v6  }
0x229: {  	v6 =	vld [tilespmem:s10+$0x0]  }
0x22a: {  	s11 =	simm.s32 $0x1A440;
	[tilespmem:v16+s7+$0x0] =	vst.idx.add.f32.msk $0xffff, v2  }
0x22b: {  	v2 =	vld [tilespmem:s11+$0x0];
	v4 =	vmul.f32 v4, v5  }
0x22c: {  	v5 =	vld [tilespmem:s20+$0x0]  }
0x22d: {  	v8 =	vmul.f32 v7, v19;
	[tilespmem:v3+s8+$0x0] =	vst.idx.add.f32.msk $0xffff, v4  }
0x22e: {  	v4 =	vld [tilespmem:s28+$0x80]  }
0x22f: {  	s10 =	sor.u32 s15, s30;
	[tilespmem:v1+s7+$0x0] =	vst.idx.add.f32.msk $0xffff, v8  }
0x230: {  	v8 =	vld [tilespmem:s10+$0x0]  }
0x231: {  	s31 =	sor.u32 s22, s30;
	v25 =	vld.idx.msk [tilespmem:v6+s4+$0x0], $0xffff  }
0x232: {  	v7 =	vld [tilespmem:s31+$0x0]  }
0x233: {  	v3 =	vld [tilespmem:s20+$0x80]  }
0x234: {  	v23 =	vmul.f32 v23, v2;
	v24 =	vld.idx.msk [tilespmem:v5+s4+$0x0], $0xffff  }
0x235: {  	v22 =	vld.idx.msk [tilespmem:v20+s25+$0x0], $0xffff  }
0x236: {  	v25 =	vmul.f32 v25, v8;
	[tilespmem:v4+s3+$0x0] =	vst.idx.add.f32.msk $0xffff, v23  }
0x237: {  	v62 =	vld.idx.msk [tilespmem:v21+s23+$0x0], $0xffff  }
0x238: {  	[tilespmem:v10+s3+$0x0] =	vst.idx.add.f32.msk $0xffff, v25  }
0x239: {  	v25 =	vld.idx.msk [tilespmem:v6+s23+$0x0], $0xffff;
	v61 =	vmul.f32 v24, v7  }
0x23a: {  	v14 =	vld.idx.msk [tilespmem:v14+s26+$0x0], $0xffff  }
0x23b: {  	[tilespmem:v3+s3+$0x0] =	vst.idx.add.f32.msk $0xffff, v61  }
0x23c: {  	v23 =	vld.idx.msk [tilespmem:v5+s23+$0x0], $0xffff;
	v24 =	vmul.f32 v62, v2  }
0x23d: {  	v13 =	vld.idx.msk [tilespmem:v13+s26+$0x0], $0xffff  }
0x23e: {  	v25 =	vmul.f32 v25, v8;
	[tilespmem:v4+s5+$0x0] =	vst.idx.add.f32.msk $0xffff, v24  }
0x23f: {  	v24 =	vld.idx.msk [tilespmem:v21+s24+$0x0], $0xffff  }
0x240: {  	[tilespmem:v10+s5+$0x0] =	vst.idx.add.f32.msk $0xffff, v25  }
0x241: {  	v63 =	vld.idx.msk [tilespmem:v6+s24+$0x0], $0xffff;
	v23 =	vmul.f32 v23, v7  }
0x242: {  	v26 =	vld.idx.msk [tilespmem:v15+s26+$0x0], $0xffff  }
0x243: {  	v12 =	vmul.f32 v13, v12;
	[tilespmem:v3+s5+$0x0] =	vst.idx.add.f32.msk $0xffff, v23  }
0x244: {  	v15 =	vld.idx.msk [tilespmem:v5+s24+$0x0], $0xffff;
	v24 =	vmul.f32 v24, v2  }
0x245: {  	[tilespmem:v16+s8+$0x0] =	vst.idx.add.f32.msk $0xffff, v12  }
0x246: {  	v12 =	vmul.f32 v63, v8;
	[tilespmem:v4+s6+$0x0] =	vst.idx.add.f32.msk $0xffff, v24  }
0x247: {  	v13 =	vmul.f32 v14, v18;
	v14 =	vld.idx.msk [tilespmem:v21+s25+$0x0], $0xffff  }
0x248: {  	[tilespmem:v10+s6+$0x0] =	vst.idx.add.f32.msk $0xffff, v12;
	v12 =	vmul.f32 v22, v11  }
0x249: {  	[tilespmem:v17+s8+$0x0] =	vst.idx.add.f32.msk $0xffff, v13;
	v15 =	vmul.f32 v15, v7  }
0x24a: {  	[tilespmem:v9+s7+$0x0] =	vst.idx.add.f32.msk $0xffff, v12  }
0x24b: {  	[tilespmem:v3+s6+$0x0] =	vst.idx.add.f32.msk $0xffff, v15  }
0x24c: {  	v16 =	vld.idx.msk [tilespmem:v5+s25+$0x0], $0xffff  }
0x24d: {  	v15 =	vld.idx.msk [tilespmem:v6+s25+$0x0], $0xffff;
	v12 =	vmul.f32 v14, v2  }
0x24e: {  	v14 =	vld.idx.msk [tilespmem:v20+s26+$0x0], $0xffff  }
0x24f: {  	[tilespmem:v4+s7+$0x0] =	vst.idx.add.f32.msk $0xffff, v12;
	v12 =	vmul.f32 v26, v19  }
0x250: {  	s16 =	simm.s32 $0x80;
	s14 =	simm.s32 $0x4;
	s15 =	simm.s32 $0x100;
	v13 =	vld.idx.msk [tilespmem:v21+s26+$0x0], $0xffff  }
.LBB2_18:
0x251: {  	s10 =	sand.u32 $0x40, s16;
	s17 =	sand.u32 $0x1F00, s15;
	v16 =	vmul.f32 v16, v7;
	s11 =	sadd.s32 $0x40, s11;
	[tilespmem:v1+s8+$0x0] =	vst.idx.add.f32.msk $0xffff, v12;
	v1 =	vmov v10  }
0x252: {  	s14 =	sadd.s32 $0x4, s14;
	s17 =	sadd.s32 $0x18B00, s17;
	v10 =	vld [tilespmem:s11+$0x0];
	s18 =	sor.u32 $0x30, s10  }
0x253: {  	s19 =	sor.u32 $0x10, s10;
	p0 =	slt.u32 s14, $0xC4;
	v11 =	vmul.f32 v14, v11;
	s20 =	sor.u32 s18, s17;
	[tilespmem:v3+s7+$0x0] =	vst.idx.add.f32.msk $0xffff, v16  }
0x254: {  	s21 =	sor.u32 s10, s17;
	s22 =	sor.u32 s19, s17;
	s10 =	sor.u32 $0x20, s10;
	v12 =	vmul.f32 v15, v8;
	v14 =	vld [tilespmem:s20+$0x0]  }
0x255: {  	s17 =	sor.u32 s10, s17;
	[tilespmem:v9+s8+$0x0] =	vst.idx.add.f32.msk $0xffff, v11  }
0x256: {  	v13 =	vmul.f32 v13, v2;
	v17 =	vld [tilespmem:s21+$0x0]  }
0x257: {  	v15 =	vld [tilespmem:s22+$0x0];
	v2 =	vmov v10  }
0x258: {  	v16 =	vld [tilespmem:s17+$0x0]  }
0x259: {  	v18 =	vld [tilespmem:s21+$0x80]  }
0x25a: {  	v19 =	vld [tilespmem:s22+$0x80]  }
0x25b: {  	s21 =	sand.u32 $0xF80, s16;
	v10 =	vld [tilespmem:s17+$0x80]  }
0x25c: {  	s17 =	sadd.s32 $0x1A400, s21;
	v9 =	vld [tilespmem:s20+$0x80]  }
0x25d: {  	s19 =	sor.u32 s19, s17;
	s10 =	sor.u32 s10, s17;
	s17 =	sor.u32 s18, s17;
	v20 =	vld.idx.msk [tilespmem:v14+s4+$0x0], $0xffff  }
0x25e: {  	v11 =	vld [tilespmem:s17+$0x0]  }
0x25f: {  	v21 =	vld.idx.msk [tilespmem:v17+s4+$0x0], $0xffff  }
0x260: {  	v22 =	vld.idx.msk [tilespmem:v15+s4+$0x0], $0xffff  }
0x261: {  	v23 =	vld.idx.msk [tilespmem:v16+s4+$0x0], $0xffff  }
0x262: {  	v24 =	vld [tilespmem:s19+$0x0]  }
0x263: {  	v25 =	vld [tilespmem:s10+$0x0];
	v20 =	vmul.f32 v20, v11  }
0x264: {  	[tilespmem:v1+s7+$0x0] =	vst.idx.add.f32.msk $0xffff, v12  }
0x265: {  	v12 =	vmul.f32 v21, v2;
	[tilespmem:v9+s3+$0x0] =	vst.idx.add.f32.msk $0xffff, v20  }
0x266: {  	v20 =	vld.idx.msk [tilespmem:v14+s23+$0x0], $0xffff  }
0x267: {  	[tilespmem:v18+s3+$0x0] =	vst.idx.add.f32.msk $0xffff, v12;
	v12 =	vmul.f32 v22, v24  }
0x268: {  	v21 =	vld.idx.msk [tilespmem:v17+s23+$0x0], $0xffff;
	v22 =	vmul.f32 v23, v25  }
0x269: {  	[tilespmem:v19+s3+$0x0] =	vst.idx.add.f32.msk $0xffff, v12  }
0x26a: {  	[tilespmem:v10+s3+$0x0] =	vst.idx.add.f32.msk $0xffff, v22  }
0x26b: {  	v12 =	vld.idx.msk [tilespmem:v15+s23+$0x0], $0xffff  }
0x26c: {  	v20 =	vmul.f32 v20, v11;
	v22 =	vld.idx.msk [tilespmem:v16+s23+$0x0], $0xffff  }
0x26d: {  	v23 =	vld.idx.msk [tilespmem:v5+s26+$0x0], $0xffff;
	v5 =	vmov v15  }
0x26e: {  	v15 =	vmul.f32 v21, v2;
	[tilespmem:v9+s5+$0x0] =	vst.idx.add.f32.msk $0xffff, v20  }
0x26f: {  	v20 =	vld.idx.msk [tilespmem:v14+s24+$0x0], $0xffff  }
0x270: {  	[tilespmem:v18+s5+$0x0] =	vst.idx.add.f32.msk $0xffff, v15  }
0x271: {  	v12 =	vmul.f32 v12, v24;
	v15 =	vld.idx.msk [tilespmem:v17+s24+$0x0], $0xffff  }
0x272: {  	v21 =	vmul.f32 v22, v25;
	v22 =	vld.idx.msk [tilespmem:v6+s26+$0x0], $0xffff;
	v6 =	vmov v16  }
0x273: {  	v23 =	vmul.f32 v23, v7;
	v7 =	vmov v24;
	[tilespmem:v19+s5+$0x0] =	vst.idx.add.f32.msk $0xffff, v12  }
0x274: {  	[tilespmem:v10+s5+$0x0] =	vst.idx.add.f32.msk $0xffff, v21  }
0x275: {  	v12 =	vmul.f32 v20, v11;
	v21 =	vld.idx.msk [tilespmem:v5+s24+$0x0], $0xffff  }
0x276: {  	v16 =	vld.idx.msk [tilespmem:v16+s24+$0x0], $0xffff  }
0x277: {  	v15 =	vmul.f32 v15, v2;
	[tilespmem:v9+s6+$0x0] =	vst.idx.add.f32.msk $0xffff, v12  }
0x278: {  	v12 =	vmul.f32 v22, v8;
	v8 =	vmov v25;
	v20 =	vld.idx.msk [tilespmem:v14+s25+$0x0], $0xffff  }
0x279: {  	[tilespmem:v18+s6+$0x0] =	vst.idx.add.f32.msk $0xffff, v15  }
0x27a: {  	v15 =	vld.idx.msk [tilespmem:v17+s25+$0x0], $0xffff  }
0x27b: {  	v21 =	vmul.f32 v21, v7;
	[tilespmem:v4+s8+$0x0] =	vst.idx.add.f32.msk $0xffff, v13;
	v4 =	vmov v18  }
0x27c: {  	v13 =	vmul.f32 v16, v8;
	[tilespmem:v3+s8+$0x0] =	vst.idx.add.f32.msk $0xffff, v23;
	v3 =	vmov v19  }
0x27d: {  	[tilespmem:v19+s6+$0x0] =	vst.idx.add.f32.msk $0xffff, v21  }
0x27e: {  	[tilespmem:v10+s6+$0x0] =	vst.idx.add.f32.msk $0xffff, v13;
	v13 =	vmul.f32 v20, v11  }
0x27f: {  	v16 =	vld.idx.msk [tilespmem:v5+s25+$0x0], $0xffff  }
.Ltmp8:
0x280: {  	v18 =	vmul.f32 v15, v2;
	[tilespmem:v9+s7+$0x0] =	vst.idx.add.f32.msk $0xffff, v13;
	(pc) =	sbr.rel @p0 .LBB2_18-.Ltmp8, $4  }
0x281: {  	v14 =	vld.idx.msk [tilespmem:v14+s26+$0x0], $0xffff  }
0x282: {  	v15 =	vld.idx.msk [tilespmem:v6+s25+$0x0], $0xffff  }
0x283: {  	[tilespmem:v4+s7+$0x0] =	vst.idx.add.f32.msk $0xffff, v18  }
0x284: {  	s15 =	sadd.s32 $0x80, s15;
	s16 =	sadd.s32 $0x40, s16;
	v13 =	vld.idx.msk [tilespmem:v17+s26+$0x0], $0xffff  }
0x285: {  	_ =	sdelay $0x1  }
0x286: {  	v16 =	vmul.f32 v16, v7;
	_ =	sdelay $0x1  }
0x287: {  	v15 =	vmul.f32 v15, v8;
	[tilespmem:v3+s7+$0x0] =	vst.idx.add.f32.msk $0xffff, v16  }
0x288: {  	v5 =	vld.idx.msk [tilespmem:v5+s26+$0x0], $0xffff  }
0x289: {  	[tilespmem:v10+s7+$0x0] =	vst.idx.add.f32.msk $0xffff, v15  }
0x28a: {  	v6 =	vld.idx.msk [tilespmem:v6+s26+$0x0], $0xffff;
	_ =	sdelay $0x1  }
0x28b: {  	v11 =	vmul.f32 v14, v11  }
0x28c: {  	[tilespmem:v1+s8+$0x0] =	vst.idx.add.f32.msk $0xffff, v12;
	v1 =	vmul.f32 v13, v2  }
0x28d: {  	[tilespmem:v9+s8+$0x0] =	vst.idx.add.f32.msk $0xffff, v11;
	v2 =	vmul.f32 v5, v7  }
0x28e: {  	[tilespmem:v4+s8+$0x0] =	vst.idx.add.f32.msk $0xffff, v1;
	v63 =	vmul.f32 v6, v8  }
0x28f: {  	[tilespmem:v3+s8+$0x0] =	vst.idx.add.f32.msk $0xffff, v2  }
0x290: {  	s15 =	simm.s32 $0x80;
	[tilespmem:v10+s8+$0x0] =	vst.idx.add.f32.msk $0xffff, v63  }
0x291: {  	s16 =	simm.s32 $0x400;
	s17 =	simm.s32 $0x3;
	s10 =	rddreg [dreg:$0xc]  }
0x292: {  	[hbm4b:s10+s15] =	stream.strided.scatter [tilespmem:s3], [sflag:$0x3], $0x2780, s16, s15, $0x38;
	[tilespmem:$0x1D600] =	vst v63  }
0x293: {  	_ =	swait.ge [sflag:s17], $0x2780  }
0x294: {  	[sflag:s17] =	ssyncset.done $0x0  }
0x295: {  	s21 =	rddreg [dreg:$0xd];
	[sflag:s17] =	ssyncadd.s32 $0xFFFFD880  }
0x296: {  	[hbm4b:s21+s15] =	stream.strided.scatter [tilespmem:s5], [sflag:$0x3], $0x2780, s16, s15, $0x38;
	[tilespmem:$0x1D600] =	vst v63  }
0x297: {  	_ =	swait.ge [sflag:s17], $0x2780  }
0x298: {  	[sflag:s17] =	ssyncset.done $0x0  }
0x299: {  	s22 =	rddreg [dreg:$0xe];
	[sflag:s17] =	ssyncadd.s32 $0xFFFFD880  }
0x29a: {  	[hbm4b:s22+s15] =	stream.strided.scatter [tilespmem:s6], [sflag:$0x3], $0x2780, s16, s15, $0x38;
	[tilespmem:$0x1D600] =	vst v63  }
0x29b: {  	_ =	swait.ge [sflag:s17], $0x2780  }
0x29c: {  	[sflag:s17] =	ssyncset.done $0x0  }
0x29d: {  	s28 =	rddreg [dreg:$0xf];
	[sflag:s17] =	ssyncadd.s32 $0xFFFFD880  }
0x29e: {  	[hbm4b:s28+s15] =	stream.strided.scatter [tilespmem:s7], [sflag:$0x3], $0x2780, s16, s15, $0x38;
	[tilespmem:$0x1D600] =	vst v63  }
0x29f: {  	_ =	swait.ge [sflag:s17], $0x2780  }
0x2a0: {  	[sflag:s17] =	ssyncset.done $0x0  }
0x2a1: {  	s30 =	rddreg [dreg:$0x10];
	[sflag:s17] =	ssyncadd.s32 $0xFFFFD880  }
0x2a2: {  	[hbm4b:s30+s15] =	stream.strided.scatter [tilespmem:s8], [sflag:$0x3], $0x2780, s16, s15, $0x38;
	[tilespmem:$0x1D600] =	vst v63  }
0x2a3: {  	_ =	swait.ge [sflag:s17], $0x2780  }
0x2a4: {  	s11 =	rddreg [dreg:$0x12]  }
0x2a5: {  	s31 =	rddreg [dreg:$0x11];
	s11 =	sadd.s32 $0x1, s11  }
0x2a6: {  	p0 =	sne.s32 s11, s31  }
.Ltmp9:
0x2a7: {  	_ = 	snop;
	(pc) =	sbr.rel @p0 .LBB2_1-.Ltmp9, $3  }
0x2a8: {  	_ =	sdelay $0x1  }
0x2a9: {  	[sflag:s17] =	ssyncset.done $0x0  }
0x2aa: {  	[sflag:s17] =	ssyncadd.s32 $0xFFFFD880  }
0x2ab: {  	_ =	sfence.sel $0x180000  }
0x2ac: {  	[bflag:$0x0] =	sbarrier.arrive $0xFFFF  }
0x2ad: {  	_ =	strace $0x9000004D  }
0x2ae: {  	s0 =	stileid.u32;
	[bflag:$0x2] =	sbarrier.arrive $0xFFFF  }
0x2af: {  	p0 =	sne.s32 s0, $0x0;
	s0 =	rddreg [dreg:$0x4]  }
0x2b0: {  	s0 =	sadd.s32 @!p0 $0x100000, s0  }
0x2b1: {  	[sflag:s0] =	ssyncadd.tile.s32 @!p0 $0x1;
	_ =	shalt  }
.Lfunc_end2:
_tile_overlayer_lowered:
.L_overlay_start_2:
0x2b2: {  	(tag) =	ssettag $0x2  }
0x2b3: {  	s0 =	rddreg [dreg:$0x0];
	s2 =	stileid.u32  }
0x2b4: {  	s1 =	rddreg [dreg:$0x1];
	p0 =	sne.s32 s2, $0x0  }
0x2b5: {  	s3 =	rddreg [dreg:$0x2];
	[bflag:$0x3] =	sbarrier.arrive $0xFFFF;
	s2 =	simm.s32 @!p0 $0x1C03  }
0x2b6: {  	[timem:s3], [sflag:s2] =	dma.local @!p0 [hbm:s0], s1  }
0x2b7: {  	s0 =	simm.s32 @!p0 $0x3  }
0x2b8: {  	_ =	swait.ge @!p0 [sflag:s0], s1  }
0x2b9: {  	s1 =	ssub.s32 @!p0 $0x0, s1;
	[sflag:s0] =	ssyncset.done @!p0 $0x0  }
0x2ba: {  	[sflag:s0] =	ssyncadd.s32 @!p0 s1  }
0x2bb: {  	[bflag:$0x3] =	sbarrier.arrive $0xFFFF  }
0x2bc: {  	_ =	shalt  }

// kernel: kernel.8.cloned.1.call-start
scs
__scs_entry_jumppad:
0x0: {  	(pc) =	sbr.rel $0x88, $3  }
0x1: {  	(tag) =	ssettag $0x0;
	lr =	simm.s32 $0x1  }
0x2: {  	[smem:$0x3F9A] =	sst lr;
	_ =	strace $0xD0000000  }
0x3: {  	_ = 	snop  }
0x4: {  	_ = 	snop  }
0x5: {  	_ = 	snop  }
0x6: {  	_ = 	snop  }
0x7: {  	_ = 	snop  }
__scs_overlays_trampoline_lowered:
0x8: {  	[smem:$0x3FA9] =	sst s0  }
0x9: {  	[smem:$0x3FAA] =	sst s1  }
0xa: {  	[smem:$0x3FAB] =	sst s2  }
0xb: {  	[smem:$0x3FAC] =	sst s3  }
0xc: {  	[smem:$0x3FAD] =	sst s4  }
0xd: {  	[smem:$0x3FAE] =	sst s5  }
0xe: {  	[smem:$0x3FAF] =	sst s6  }
0xf: {  	[smem:$0x3FB0] =	sst s7  }
0x10: {  	[smem:$0x3FB1] =	sst s8  }
0x11: {  	[smem:$0x3FB2] =	sst s9;
	s0 =	simm.s32 @!p0 $0x0  }
0x12: {  	s1 =	sld [smem:$0x3F98];
	s0 =	simm.s32 @p0 $0x1  }
0x13: {  	[smem:$0x3FB3] =	sst s0;
	s0 =	simm.s32 @!p1 $0x0  }
0x14: {  	s2 =	sld [smem:$0x3F97];
	s0 =	simm.s32 @p1 $0x1  }
0x15: {  	[smem:$0x3FB4] =	sst s0;
	s0 =	simm.s32 @!p2 $0x0  }
0x16: {  	s3 =	sld [smem:$0x3FDB];
	s0 =	simm.s32 @p2 $0x1  }
0x17: {  	s4 =	simm.s32 $0x1BF5;
	[smem:$0x3FB6] =	sst s0  }
0x18: {  	s0 =	sld [smem:$0x3F99];
	_ =	swait.ge [sflag:s4], $0x0  }
0x19: {  	s7 =	sld [smem:$0x3F9A]  }
0x1a: {  	s8 =	sadd.s32 $0xFFFFE003, lr  }
0x1b: {  	s9 =	sadd.s32 $0xFFFFFEF7, lr;
	s5 =	simm.s32 $0xFFFFFFFF;
	p2 =	slt.u32 s8, $0xFFFFF086  }
0x1c: {  	p1 =	slt.u32 s9, $0xF7A;
	s5 =	simm.s32 @!p2 $0x0  }
0x1d: {  	s5 =	simm.s32 @p1 $0x1;
	p0 =	seq.s32 s7, s2  }
0x1e: {  	s7 =	smul.u32 @!p0 $0xF7A, s2;
	p2 =	seq.s32 @!p0 s5, $0x0  }
0x1f: {  	s9 =	smul.u32 $0xF7A, s1;
	s8 =	simm.s32 @!p0 $0x1BF5;
	p2 =	por !p2, p0  }
0x20: {  	[sflag:s8] =	ssyncset.s32 @!p0 $0xFFFFF086;
	s6 =	sadd.s32 @!p0 s3, s7;
	s7 =	simm.s32 @!p0 $0x108  }
0x21: {  	s3 =	sadd.s32 s3, s9;
	s6 =	sadd.s32 @!p0 $0x88, s6;
	s7 =	simm.s32 @p2 $0x1082  }
0x22: {  	[simem:s7], [sflag:s8] =	dma.local @!p0 [hbm:s6], $0xF7A  }
0x23: {  	s9 =	sor.u32 $0xD0000000, s2;
	s6 =	simm.s32 $0x108;
	_ =	swait.ge @!p0 [sflag:s8], $0x0  }
0x24: {  	s3 =	sadd.s32 $0x88, s3;
	s6 =	simm.s32 @!p1 $0x1082;
	[sflag:s4] =	ssyncset.s32 $0xFFFFF086  }
0x25: {  	[simem:s6], [sflag:s4] =	dma.local [hbm:s3], $0xF7A  }
0x26: {  	[smem:$0x3F9A] =	sst s1;
	(tag) =	ssettag s2;
	_ =	strace s9  }
0x27: {  	s1 =	sld [smem:$0x3FAA]  }
0x28: {  	s2 =	sld [smem:$0x3FAB]  }
0x29: {  	s4 =	sld [smem:$0x3FAD]  }
0x2a: {  	p0 =	seq.s32 s5, $0x0;
	s5 =	sld [smem:$0x3FAE]  }
0x2b: {  	s6 =	sld [smem:$0x3FAF]  }
0x2c: {  	s7 =	sld [smem:$0x3FB0]  }
0x2d: {  	s3 =	simm.s32 $0x108;
	s8 =	sld [smem:$0x3FB1]  }
0x2e: {  	s3 =	simm.s32 @!p0 $0x1082;
	s9 =	sld [smem:$0x3FB2]  }
0x2f: {  	lr =	sadd.s32 s0, s3;
	s0 =	sld [smem:$0x3FA9]  }
0x30: {  	s3 =	sld [smem:$0x3FAC]  }
0x31: {  	[smem:$0x3FB5] =	sst s10  }
0x32: {  	s10 =	sld [smem:$0x3FB3];
	_ =	sdelay $0x3  }
0x33: {  	p0 =	seq.s32 s10, $0x1;
	s10 =	sld [smem:$0x3FB5];
	_ =	sdelay $0x3  }
0x34: {  	[smem:$0x3FB5] =	sst s10  }
0x35: {  	s10 =	sld [smem:$0x3FB4];
	_ =	sdelay $0x3  }
0x36: {  	p1 =	seq.s32 s10, $0x1;
	s10 =	sld [smem:$0x3FB5];
	_ =	sdelay $0x3  }
0x37: {  	[smem:$0x3FB5] =	sst s10  }
0x38: {  	s10 =	sld [smem:$0x3FB6]  }
0x39: {  	_ = 	snop;
	(pc) =	sbr.ind lr, $3  }
0x3a: {  	_ = 	snop  }
0x3b: {  	_ = 	snop  }
0x3c: {  	p2 =	seq.s32 s10, $0x1;
	s10 =	sld [smem:$0x3FB5]  }
0x3d: {  	_ =	shalt  }
0x3e: {  	_ =	shalt  }
0x3f: {  	_ =	shalt  }
0x40: {  	_ =	shalt  }
0x41: {  	_ =	shalt  }
0x42: {  	_ =	shalt  }
0x43: {  	_ =	shalt  }
0x44: {  	_ =	shalt  }
0x45: {  	_ =	shalt  }
0x46: {  	_ =	shalt  }
0x47: {  	_ =	shalt  }
0x48: {  	_ =	shalt  }
0x49: {  	_ =	shalt  }
0x4a: {  	_ =	shalt  }
0x4b: {  	_ =	shalt  }
0x4c: {  	_ =	shalt  }
0x4d: {  	_ =	shalt  }
0x4e: {  	_ =	shalt  }
0x4f: {  	_ =	shalt  }
0x50: {  	_ =	shalt  }
0x51: {  	_ =	shalt  }
0x52: {  	_ =	shalt  }
0x53: {  	_ =	shalt  }
0x54: {  	_ =	shalt  }
0x55: {  	_ =	shalt  }
0x56: {  	_ =	shalt  }
0x57: {  	_ =	shalt  }
0x58: {  	_ =	shalt  }
0x59: {  	_ =	shalt  }
0x5a: {  	_ =	shalt  }
0x5b: {  	_ =	shalt  }
0x5c: {  	_ =	shalt  }
0x5d: {  	_ =	shalt  }
0x5e: {  	_ =	shalt  }
0x5f: {  	_ =	shalt  }
0x60: {  	_ =	shalt  }
0x61: {  	_ =	shalt  }
0x62: {  	_ =	shalt  }
0x63: {  	_ =	shalt  }
0x64: {  	_ =	shalt  }
0x65: {  	_ =	shalt  }
0x66: {  	_ =	shalt  }
0x67: {  	_ =	shalt  }
0x68: {  	_ =	shalt  }
0x69: {  	_ =	shalt  }
0x6a: {  	_ =	shalt  }
0x6b: {  	_ =	shalt  }
0x6c: {  	_ =	shalt  }
0x6d: {  	_ =	shalt  }
0x6e: {  	_ =	shalt  }
0x6f: {  	_ =	shalt  }
0x70: {  	_ =	shalt  }
0x71: {  	_ =	shalt  }
0x72: {  	_ =	shalt  }
0x73: {  	_ =	shalt  }
0x74: {  	_ =	shalt  }
0x75: {  	_ =	shalt  }
0x76: {  	_ =	shalt  }
0x77: {  	_ =	shalt  }
0x78: {  	_ =	shalt  }
0x79: {  	_ =	shalt  }
0x7a: {  	_ =	shalt  }
0x7b: {  	_ =	shalt  }
0x7c: {  	_ =	shalt  }
0x7d: {  	_ =	shalt  }
0x7e: {  	_ =	shalt  }
0x7f: {  	_ =	shalt  }
0x80: {  	_ =	shalt  }
0x81: {  	_ =	shalt  }
0x82: {  	_ =	shalt  }
0x83: {  	_ =	shalt  }
0x84: {  	_ =	shalt  }
0x85: {  	_ =	shalt  }
0x86: {  	_ =	shalt  }
0x87: {  	_ =	shalt  }
.Lfunc_end0:
.L_simem_size_0:
called_computation_lowered:
.L_overlay_start_0:
0x88: {  	s2 =	sld [smem:$0x3FD9]  }
0x89: {  	s3 =	sld [smem:$0x3FFE];
	_ =	sdelay $0x1  }
0x8a: {  	s1 =	srdreg.scid  }
0x8b: {  	s0 =	sand.u32 $0x1, s1  }
0x8c: {  	s15 =	sshll.u32 s0, $0xA;
	s2 =	sadd.s32 s3, s2  }
0x8d: {  	s2 =	sadd.s32 s2, s15  }
0x8e: {  	[smem:$0x3FC1] =	sst s2  }
0x8f: {  	_ = 	snop  }
0x90: {  	s2 =	sld [smem:$0x3FD0];
	_ =	sdelay $0x1  }
0x91: {  	s16 =	sld [smem:$0x3FC8]  }
0x92: {  	s5 =	simm.s32 $0xA;
	s6 =	simm.s32 $0x10;
	s4 =	sld [smem:$0x3FC7]  }
0x93: {  	[smem:s6], [sflag:s5] =	dma.local [hbm:s2], $0x1  }
0x94: {  	_ =	swait.eq [sflag:s5], $0x1  }
0x95: {  	[sflag:s5] =	ssyncset.done $0x0  }
0x96: {  	[sflag:s5] =	ssyncadd.s32 $0xFFFFFFFF  }
0x97: {  	s17 =	sld [smem:$0x10];
	(tm) =	ssettm $0x1  }
0x98: {  	s18 =	sld [smem:$0x3FFB];
	_ =	sdelay $0x3  }
0x99: {  	_ =	strace s18  }
0x9a: {  	s5 =	sld [smem:$0x3FFC];
	_ =	sdelay $0x3  }
0x9b: {  	_ =	strace s5  }
0x9c: {  	s5 =	sld [smem:$0x3FFD];
	_ =	sdelay $0x3  }
0x9d: {  	_ =	strace s5  }
0x9e: {  	_ =	strace $0x8FFFFFFF  }
0x9f: {  	s19 =	sld [smem:$0x3FDB];
	_ =	sdelay $0x1  }
0xa0: {  	s20 =	simm.s32 $_scs_section_size  }
0xa1: {  	s7 =	simm.s32 $_size__tile_overlayer_lowered;
	s8 =	simm.s32 $_tile_overlayer_lowered  }
0xa2: {  	s23 =	simm.s32 $0x1BFF;
	s22 =	sshll.u32 s8, $0x1;
	s5 =	sadd.s32 s20, s19  }
0xa3: {  	s9 =	simm.s32 $0x0;
	s21 =	sshll.u32 s7, $0x1;
	s7 =	sadd.s32 s22, s5  }
0xa4: {  	[timem:s9], [sflag:s23] =	dma.local [hbm:s7], s21  }
0xa5: {  	_ =	swait.ge [sflag:s23], s21  }
0xa6: {  	s6 =	ssub.s32 $0x0, s21;
	[sflag:s23] =	ssyncset.done $0x0  }
0xa7: {  	[sflag:s23] =	ssyncadd.s32 s6;
	_ =	sdelay $0x1  }
0xa8: {  	s24 =	simm.s32 $0x1B8B  }
0xa9: {  	_ =	swait.ge [sflag:s24], $0x1  }
0xaa: {  	[sflag:s24] =	ssyncset.done $0x0  }
0xab: {  	s25 =	simm.s32 $0x1B8E;
	[sflag:s24] =	ssyncadd.s32 $0xFFFFFFFF  }
0xac: {  	s26 =	simm.s32 $execute0_lowered;
	[smem:$0x3FD2] =	sst s25  }
0xad: {  	s6 =	sshll.u32 s26, $0x1;
	_ =	strace $0x80000046;
	[dreg:$0x1] =	wrdreg $0xFFFFFFFF  }
0xae: {  	s28 =	simm.s32 $_size_execute0_lowered;
	s5 =	sadd.s32 s5, s6;
	[dreg:$0x0] =	wrdreg $0x0  }
0xaf: {  	s6 =	sshll.u32 s28, $0x1;
	[dreg:$0x2] =	wrdreg s5  }
0xb0: {  	[dreg:$0x3] =	wrdreg s6  }
0xb1: {  	[dreg:$0x4] =	wrdreg $0xC0  }
0xb2: {  	_ =	task [dreg:s9], $0x5FFFF  }
0xb3: {  	[dreg:$0x1] =	wrdreg $0xFFFFFFFF  }
0xb4: {  	[dreg:$0x0] =	wrdreg $0x60  }
0xb5: {  	[dreg:$0x2] =	wrdreg s16  }
0xb6: {  	[dreg:$0x3] =	wrdreg s4  }
0xb7: {  	[dreg:$0x4] =	wrdreg s17  }
0xb8: {  	[dreg:$0x5] =	wrdreg $0x9  }
0xb9: {  	_ =	task.clear_ibuf [dreg:s9], $0x6FFFF;
	_ =	strace $0x90000046  }
0xba: {  	s29 =	simm.s32 $0x9;
	_ =	strace $0x80000048  }
0xbb: {  	_ =	swait.ge [sflag:s29], $0x1  }
0xbc: {  	[sflag:s29] =	ssyncadd.s32 $0xFFFFFFFF  }
0xbd: {  	_ =	strace $0x90000048  }
0xbe: {  	_ =	sfence  }
0xbf: {  	s30 =	sld [smem:$0x0];
	_ =	sdelay $0x2  }
0xc0: {  	s31 =	sshll.u32 s1, $0xD;
	s1 =	sshrl.u32 s1, $0x2  }
0xc1: {  	s3 =	sand.u32 $0x4000, s31;
	s1 =	sadd.s32 s1, s30  }
0xc2: {  	s0 =	sor.u32 s3, s0;
	s1 =	sshll.u32 s1, $0x11  }
0xc3: {  	s0 =	sor.u32 s1, s0  }
0xc4: {  	s0 =	sadd.s32 $0x8F2B, s0  }
0xc5: {  	[sflag:s0] =	ssyncadd.remote.s32 $0x1  }
0xc6: {  	_ =	sfence.sel $0xFFFF  }
0xc7: {  	[dreg:$0x0] =	wrdreg $0xFFFFFFFF;
	(pc) =	sbr.abs _section_cstart, $3  }
0xc8: {  	[dreg:$0x1] =	wrdreg $0xFFFFFFFF  }
0xc9: {  	_ =	task.clear_ibuf [dreg:s9], $0x2FFFF;
	_ =	strace $0x9FFFFFFF  }
0xca: {  	(tm) =	ssettm $0x7FFFFFFF  }
0xcb: {  	_ =	shalt  }
tec
execute0_lowered:
.L_overlay_start_1:
0x0: {  	(tag) =	ssettag $0x1  }
0x1: {  	s1 =	rddreg [dreg:$0x0];
	s2 =	srdreg.scid  }
0x2: {  	s0 =	stileid.u32;
	s3 =	rddreg [dreg:$0x1]  }
0x3: {  	s7 =	rddreg [dreg:$0x2];
	s11 =	simm.s32 $0x80;
	s12 =	simm.s32 $0x400  }
0x4: {  	s13 =	simm.s32 $0x2;
	s14 =	simm.s32 $0x0;
	s6 =	sand.u32 $0x1, s2  }
0x5: {  	s29 =	sshll.u32 s0, $0x1;
	s5 =	sshrl.u32 s0, $0x2;
	s2 =	rddreg [dreg:$0x3]  }
0x6: {  	s4 =	sor.u32 s6, s29;
	s8 =	smul.u32 $0x13C00, s5;
	s5 =	simm.s32 $0x0  }
.Ltmp0:
0x7: {  	s6 =	ssub.s32 $0x2, s6;
	s9 =	sshll.u32 s4, $0x7;
	(pc) =	sbr.rel .LBB2_1-.Ltmp0, $4  }
0x8: {  	[smem:$0x7FF] =	sst s5;
	s10 =	sshrl.u32 s6, $0x1;
	s9 =	sand.u32 $0x380, s9  }
0x9: {  	_ =	strace $0x80000047;
	s30 =	ssub.s32 s6, s10;
	s8 =	sor.u32 s8, s9  }
0xa: {  	s10 =	simm.s32 $0x1;
	s9 =	simm.s32 $0x4080;
	s31 =	sshrl.u32 s8, $0x3  }
0xb: {  	v0 =	vimm.f32 $0.0e+00;
	s8 =	simm.s32 $0x2780;
	s6 =	sadd.s32 s7, s31;
	s7 =	smax.u32 s30, $0x1  }
.LBB2_8:
0xc: {  	s14 =	sadd.s32 $0x1, s14  }
0xd: {  	p0 =	sne.s32 s14, s7  }
.Ltmp1:
0xe: {  	_ = 	snop;
	(pc) =	sbr.rel @!p0 .LBB2_9-.Ltmp1, $4  }
0xf: {  	[hbm4b:s6+s11] =	stream.strided.scatter [tilespmem:s5], [sflag:$0x2], $0x2780, s12, s11, $0x38;
	[tilespmem:$0x4D00] =	vst v63  }
0x10: {  	_ =	swait.ge [sflag:s13], $0x2780  }
0x11: {  	[sflag:s13] =	ssyncset.done $0x0  }
0x12: {  	[sflag:s13] =	ssyncadd.s32 $0xFFFFD880  }
.LBB2_1:
0x13: {  	s15 =	simm.s32 $0x40  }
0x14: {  	[tilespmem:s15+$0xFFFFFFC0] =	vst v0  }
0x15: {  	[tilespmem:s15+$0x30] =	vst v0  }
0x16: {  	[tilespmem:s15+$0x20] =	vst v0  }
0x17: {  	[tilespmem:s15+$0x10] =	vst v0  }
0x18: {  	[tilespmem:s15+$0x0] =	vst v0  }
0x19: {  	[tilespmem:s15+$0xFFFFFFF0] =	vst v0  }
0x1a: {  	s16 =	simm.s32 $0x0;
	[tilespmem:s15+$0xFFFFFFE0] =	vst v0  }
.LBB2_2:
0x1b: {  	s16 =	sadd.s32 $0x8, s16;
	[tilespmem:s15+$0xFFFFFFD0] =	vst v0;
	s15 =	sadd.s32 $0x80, s15  }
0x1c: {  	[tilespmem:s15+$0xFFFFFFC0] =	vst v0;
	p0 =	slt.u32 s16, $0x268  }
0x1d: {  	[tilespmem:s15+$0x30] =	vst v0  }
.Ltmp2:
0x1e: {  	[tilespmem:s15+$0x20] =	vst v0;
	(pc) =	sbr.rel @p0 .LBB2_2-.Ltmp2, $4  }
0x1f: {  	[tilespmem:s15+$0x10] =	vst v0  }
0x20: {  	[tilespmem:s15+$0x0] =	vst v0  }
0x21: {  	[tilespmem:s15+$0xFFFFFFF0] =	vst v0  }
0x22: {  	[tilespmem:s15+$0xFFFFFFE0] =	vst v0  }
.Ltmp3:
0x23: {  	(pc) =	sbr.rel .LBB2_4-.Ltmp3, $3  }
0x24: {  	_ =	sdelay $0x1  }
0x25: {  	[tilespmem:s15+$0xFFFFFFD0] =	vst v0  }
0x26: {  	s15 =	simm.s32 $0x0;
	[tilespmem:$0x2700] =	vst v0  }
.LBB2_7:
0x27: {  	s15 =	sadd.s32 $0x1, s15  }
0x28: {  	p0 =	sne.s32 s15, $0x4  }
.Ltmp4:
0x29: {  	_ = 	snop;
	(pc) =	sbr.rel @!p0 .LBB2_8-.Ltmp4, $1  }
0x2a: {  	_ =	sdelay $0x3  }
.LBB2_4:
0x2b: {  	s16 =	sshll.u32 s15, $0x5  }
0x2c: {  	s16 =	sor.u32 s4, s16  }
0x2d: {  	p0 =	sgt.u32 s16, $0x63  }
.Ltmp5:
0x2e: {  	_ = 	snop;
	(pc) =	sbr.rel @p0 .LBB2_7-.Ltmp5, $1  }
0x2f: {  	_ =	sdelay $0x3  }
0x30: {  	s17 =	smul.u32 $0x320, s16;
	_ =	sdelay $0x1  }
0x31: {  	s30 =	smul.u32 $0x190, s16;
	s17 =	sadd.s32 s1, s17  }
0x32: {  	[tilespmem:s8], [sflag:$0x1] =	stream.linear.gather [hbm4b:s17+s5], $0x1900, $0x38;
	[tilespmem:$0x4D00] =	vst v63  }
0x33: {  	s16 =	sadd.s32 s3, s30  }
0x34: {  	[tilespmem:s9], [sflag:$0x1] =	stream.linear.gather [hbm4b:s16+s5], $0xC80, $0x38;
	[tilespmem:$0x4D00] =	vst v63  }
0x35: {  	_ =	swait.ge [sflag:s10], $0x1900  }
0x36: {  	[sflag:s10] =	ssyncset.done $0x0  }
0x37: {  	[sflag:s10] =	ssyncadd.s32 $0xFFFFE700  }
0x38: {  	_ =	swait.ge [sflag:s10], $0xC80  }
0x39: {  	[sflag:s10] =	ssyncset.done $0x0  }
0x3a: {  	s31 =	simm.s32 $0x2870;
	[sflag:s10] =	ssyncadd.s32 $0xFFFFF380  }
0x3b: {  	v1 =	vld [tilespmem:s31+$0x0]  }
0x3c: {  	v2 =	vld [tilespmem:s31+$0xFFFFFFA0]  }
0x3d: {  	s16 =	simm.s32 $0x40C0;
	v3 =	vld [tilespmem:s31+$0xFFFFFFB0]  }
0x3e: {  	v4 =	vld [tilespmem:s16+$0x30]  }
0x3f: {  	v5 =	vld [tilespmem:s31+$0xFFFFFFC0]  }
0x40: {  	v6 =	vld [tilespmem:s31+$0xFFFFFFD0]  }
0x41: {  	v7 =	vld [tilespmem:s31+$0xFFFFFFE0]  }
0x42: {  	v8 =	vld [tilespmem:s31+$0xFFFFFFF0]  }
0x43: {  	v63 =	vld [tilespmem:s16+$0xFFFFFFC0]  }
0x44: {  	v9 =	vld [tilespmem:s16+$0xFFFFFFD0]  }
0x45: {  	v10 =	vld [tilespmem:s16+$0xFFFFFFE0]  }
0x46: {  	v11 =	vld [tilespmem:s16+$0xFFFFFFF0]  }
0x47: {  	v12 =	vld [tilespmem:s16+$0x0]  }
0x48: {  	v13 =	vld [tilespmem:s16+$0x10]  }
0x49: {  	[tilespmem:v1+s5+$0x0] =	vst.idx.add.f32.msk $0xffff, v4  }
0x4a: {  	v1 =	vld [tilespmem:s31+$0xFFFFFF90]  }
0x4b: {  	v14 =	vld [tilespmem:s16+$0x20]  }
0x4c: {  	[tilespmem:v2+s5+$0x0] =	vst.idx.add.f32.msk $0xffff, v9  }
0x4d: {  	[tilespmem:v3+s5+$0x0] =	vst.idx.add.f32.msk $0xffff, v10  }
0x4e: {  	[tilespmem:v5+s5+$0x0] =	vst.idx.add.f32.msk $0xffff, v11  }
0x4f: {  	[tilespmem:v6+s5+$0x0] =	vst.idx.add.f32.msk $0xffff, v12  }
0x50: {  	[tilespmem:v7+s5+$0x0] =	vst.idx.add.f32.msk $0xffff, v13  }
0x51: {  	[tilespmem:v8+s5+$0x0] =	vst.idx.add.f32.msk $0xffff, v14  }
0x52: {  	s18 =	simm.s32 $0x2970;
	s17 =	simm.s32 $0x0;
	[tilespmem:v1+s5+$0x0] =	vst.idx.add.f32.msk $0xffff, v63  }
.LBB2_6:
0x53: {  	v1 =	vld [tilespmem:s18+$0x0];
	s17 =	sadd.s32 $0x8, s17  }
0x54: {  	v2 =	vld [tilespmem:s18+$0xFFFFFFA0];
	p0 =	slt.u32 s17, $0xC0  }
0x55: {  	s16 =	sadd.s32 $0x80, s16;
	v3 =	vld [tilespmem:s18+$0xFFFFFFB0]  }
0x56: {  	v4 =	vld [tilespmem:s16+$0x30]  }
0x57: {  	v5 =	vld [tilespmem:s18+$0xFFFFFFC0]  }
0x58: {  	v6 =	vld [tilespmem:s18+$0xFFFFFFD0]  }
0x59: {  	v7 =	vld [tilespmem:s18+$0xFFFFFFE0]  }
0x5a: {  	v8 =	vld [tilespmem:s18+$0xFFFFFFF0]  }
0x5b: {  	[tilespmem:v1+s5+$0x0] =	vst.idx.add.f32.msk $0xffff, v4  }
0x5c: {  	v1 =	vld [tilespmem:s18+$0xFFFFFF90]  }
0x5d: {  	v4 =	vld [tilespmem:s16+$0xFFFFFFC0]  }
0x5e: {  	v9 =	vld [tilespmem:s16+$0xFFFFFFD0]  }
0x5f: {  	v10 =	vld [tilespmem:s16+$0xFFFFFFE0]  }
0x60: {  	v11 =	vld [tilespmem:s16+$0xFFFFFFF0]  }
0x61: {  	v12 =	vld [tilespmem:s16+$0x0]  }
0x62: {  	v13 =	vld [tilespmem:s16+$0x10]  }
0x63: {  	v14 =	vld [tilespmem:s16+$0x20]  }
0x64: {  	[tilespmem:v1+s5+$0x0] =	vst.idx.add.f32.msk $0xffff, v4  }
0x65: {  	[tilespmem:v2+s5+$0x0] =	vst.idx.add.f32.msk $0xffff, v9  }
.Ltmp6:
0x66: {  	[tilespmem:v3+s5+$0x0] =	vst.idx.add.f32.msk $0xffff, v10;
	(pc) =	sbr.rel @p0 .LBB2_6-.Ltmp6, $4  }
0x67: {  	[tilespmem:v5+s5+$0x0] =	vst.idx.add.f32.msk $0xffff, v11  }
0x68: {  	[tilespmem:v6+s5+$0x0] =	vst.idx.add.f32.msk $0xffff, v12  }
0x69: {  	[tilespmem:v7+s5+$0x0] =	vst.idx.add.f32.msk $0xffff, v13  }
0x6a: {  	s18 =	sadd.s32 $0x100, s18;
	[tilespmem:v8+s5+$0x0] =	vst.idx.add.f32.msk $0xffff, v14  }
.Ltmp7:
0x6b: {  	_ = 	snop;
	(pc) =	sbr.rel .LBB2_7-.Ltmp7, $1  }
0x6c: {  	_ =	sdelay $0x3  }
.LBB2_9:
0x6d: {  	_ =	sfence.sel $0x180000  }
0x6e: {  	[bflag:$0x0] =	sbarrier.arrive $0xFFFF  }
0x6f: {  	p0 =	sne.s32 s0, $0x0;
	_ =	strace $0x90000047  }
0x70: {  	s0 =	sadd.s32 @!p0 $0x100000, s2;
	[bflag:$0x2] =	sbarrier.arrive $0xFFFF  }
0x71: {  	[sflag:s0] =	ssyncadd.tile.s32 @!p0 $0x1;
	_ =	shalt  }
.Lfunc_end2:
_tile_overlayer_lowered:
.L_overlay_start_2:
0x72: {  	(tag) =	ssettag $0x2  }
0x73: {  	s0 =	rddreg [dreg:$0x0];
	s2 =	stileid.u32  }
0x74: {  	s1 =	rddreg [dreg:$0x1];
	p0 =	sne.s32 s2, $0x0  }
0x75: {  	s3 =	rddreg [dreg:$0x2];
	[bflag:$0x3] =	sbarrier.arrive $0xFFFF;
	s2 =	simm.s32 @!p0 $0x1C02  }
0x76: {  	[timem:s3], [sflag:s2] =	dma.local @!p0 [hbm:s0], s1  }
0x77: {  	s0 =	simm.s32 @!p0 $0x2  }
0x78: {  	_ =	swait.ge @!p0 [sflag:s0], s1  }
0x79: {  	s1 =	ssub.s32 @!p0 $0x0, s1;
	[sflag:s0] =	ssyncset.done @!p0 $0x0  }
0x7a: {  	[sflag:s0] =	ssyncadd.s32 @!p0 s1  }
0x7b: {  	[bflag:$0x3] =	sbarrier.arrive $0xFFFF  }
0x7c: {  	_ =	shalt  }

</sc_bundles>
